<compile_context>
chip_gen: v7x
topology: tpu7x:2x2x1
jax: 0.10.2.dev20260603
libtpu: 0.0.44.dev20260713+nightly
codegen_flags: <defaults>
</compile_context>

<pallas_src>
import functools

import jax
import jax.numpy as jnp
from jax import lax
from jax.experimental import pallas as pl
from jax.experimental.pallas import tpu as pltpu
from jax.experimental.pallas import tpu_sc as plsc

_D = 64
_NBUF = 4


@functools.cache
def _make_gather(batch, seq):
    info = plsc.get_sparse_core_info()
    nc, ns = info.num_cores, info.num_subcores
    nw = nc * ns
    rows_per_w = batch // nw
    n_sub = 5
    sub = seq // n_sub
    mesh = plsc.VectorSubcoreMesh(core_axis_name="c", subcore_axis_name="s")

    @functools.partial(
        pl.kernel,
        out_type=jax.ShapeDtypeStruct((batch, seq, 128), jnp.float32),
        mesh=mesh,
        scratch_types=[
            pltpu.VMEM((rows_per_w, seq), jnp.int32),
            pltpu.VMEM((_NBUF, seq, _D), jnp.float32),
            pltpu.SemaphoreType.DMA((_NBUF,)),
            pltpu.SemaphoreType.DMA((_NBUF,)),
        ],
        compiler_params=pltpu.CompilerParams(use_tc_tiling_on_sc=False),
    )
    def gather_k(idx_hbm, table_hbm, out_hbm, idx_v, bufs, gsem, wsem):
        wid = lax.axis_index("s") * nc + lax.axis_index("c")
        row0 = wid * rows_per_w
        pltpu.sync_copy(idx_hbm.at[pl.ds(row0, rows_per_w)], idx_v)

        def fire_gathers(r, b):
            for h in range(n_sub):
                pltpu.async_copy(
                    table_hbm.at[idx_v.at[r, pl.ds(h * sub, sub)]],
                    bufs.at[b, pl.ds(h * sub, sub)], gsem.at[b])

        def wait_gathers(r, b):
            for h in range(n_sub):
                pltpu.make_async_copy(
                    table_hbm.at[idx_v.at[r, pl.ds(h * sub, sub)]],
                    bufs.at[b, pl.ds(h * sub, sub)], gsem.at[b]).wait()

        def fire_wb(r, b):
            pltpu.async_copy(
                bufs.at[b], out_hbm.at[row0 + r, :, pl.ds(0, _D)],
                wsem.at[b])

        def wait_wb(r, b):
            pltpu.make_async_copy(
                bufs.at[b], out_hbm.at[row0 + r, :, pl.ds(0, _D)],
                wsem.at[b]).wait()

        for b in range(_NBUF):
            fire_gathers(b, b)

        @pl.loop(0, rows_per_w - _NBUF, step=_NBUF)
        def _round(rr):
            for b in range(_NBUF):
                wait_gathers(rr + b, b)
                fire_wb(rr + b, b)
            for b in range(_NBUF):
                wait_wb(rr + b, b)
                fire_gathers(rr + _NBUF + b, b)

        last = rows_per_w - _NBUF
        for b in range(_NBUF):
            wait_gathers(last + b, b)
            fire_wb(last + b, b)
        for b in range(_NBUF):
            wait_wb(last + b, b)

    return gather_k


def kernel(word_inputs, table):
    batch, seq = word_inputs.shape
    out = _make_gather(batch, seq)(word_inputs.astype(jnp.int32), table)
    return out[..., :_D]

# --- scband reference (transcript-rebuilt; emitter-appended) ---
"""Pipeline reference for scband-word-embedding-64390149702139 (READ-ONLY COPY).

The authoritative reference and input builder live on the scoring server;
editing this copy changes nothing except your own understanding.
"""

import jax, jax.numpy as jnp
import numpy as np

VOCAB = 1000000
EMBED_DIM = 64
BATCH = 4096
SEQ = 200

def setup_inputs(seed: int = 0) -> dict:
    key = jax.random.key(seed)
    k_idx, k_tab = jax.random.split(key)
    word_inputs = jax.random.randint(k_idx, (BATCH, SEQ), 0, VOCAB, dtype=jnp.int64 if jax.config.jax_enable_x64 else jnp.int32)
    scale = np.sqrt(3.0 / EMBED_DIM)
    table = jax.random.uniform(k_tab, (VOCAB, EMBED_DIM), dtype=jnp.float32, minval=-scale, maxval=scale)
    return {"word_inputs": word_inputs, "table": table}

def reference(word_inputs, table):
    # nn.Embedding lookup: gather rows of the table by index
    word_embs = jnp.take(table, word_inputs, axis=0)
    return word_embs

if __name__ == "__main__":
    import jax
    _d = setup_inputs()
    print(jax.jit(kernel)(*tuple(_d.values())))

</pallas_src>

<mosaic_0001>
#map = affine_map<(d0, d1) -> (0, 0)>
#map1 = affine_map<(d0, d1) -> (0, 0, 0)>
module attributes {stable_mosaic.version = 14 : i64} {
  func.func @gather_k(%arg0: i32, %arg1: i32, %arg2: memref<4096x200xi32, #tpu.memory_space<hbm>>, %arg3: memref<1000000x64xf32, #tpu.memory_space<hbm>>, %arg4: memref<4096x200x128xf32, #tpu.memory_space<hbm>>, %arg5: memref<128x200xi32, #tpu.memory_space<vmem>>, %arg6: memref<4x200x64xf32, #tpu.memory_space<vmem>>, %arg7: memref<4x!tpu.dma_semaphore, #tpu.memory_space<semaphore_mem>>, %arg8: memref<4x!tpu.dma_semaphore, #tpu.memory_space<semaphore_mem>>) attributes {dimension_semantics = [#tpu.dimension_semantics<core_parallel>, #tpu.dimension_semantics<subcore_parallel>], iteration_bounds = array<i64: 2, 16>, scalar_prefetch = 0 : i64, scratch_operands = 4 : i64, tpu.core_type = #tpu.core_type<sc_vector_subcore>, window_params = [{transform_indices = #map}, {transform_indices = #map}, {transform_indices = #map1}]} {
    %mul3A = arith.constant 2 : i32
    %mul3A_0 = arith.muli %arg1, %mul3A : i32
    %add3A = arith.addi %mul3A_0, %arg0 : i32
    %mul3A_1 = arith.constant 128 : i32
    %mul3A_2 = arith.muli %add3A, %mul3A_1 : i32
    "tpu.region"() ({
      %run_scoped3A = tpu.sem_alloc : memref<!tpu.dma_semaphore, #tpu.memory_space<semaphore_mem>>
      %dma_start3A_781 = arith.constant 0 : i32
      %dma_start3A_782 = tpu.memref_slice %arg2[%mul3A_2, %dma_start3A_781] : memref<4096x200xi32, #tpu.memory_space<hbm>> -> memref<128x200xi32, #tpu.memory_space<hbm>>
      %dma_start3A_783 = arith.constant 0 : i32
      %dma_start3A_784 = tpu.memref_slice %arg2[%mul3A_2, %dma_start3A_783] : memref<4096x200xi32, #tpu.memory_space<hbm>> -> memref<128x200xi32, #tpu.memory_space<hbm>>
      tpu.enqueue_dma source(%dma_start3A_784 : memref<128x200xi32, #tpu.memory_space<hbm>>) target(%arg5 : memref<128x200xi32, #tpu.memory_space<vmem>>) target_semaphore(%run_scoped3A : memref<!tpu.dma_semaphore, #tpu.memory_space<semaphore_mem>>)
      %dma_wait3A_785 = arith.constant 0 : i32
      %dma_wait3A_786 = tpu.memref_slice %arg2[%mul3A_2, %dma_wait3A_785] : memref<4096x200xi32, #tpu.memory_space<hbm>> -> memref<128x200xi32, #tpu.memory_space<hbm>>
      %dma_wait3A_787 = arith.constant 0 : i32
      %dma_wait3A_788 = tpu.memref_slice %arg2[%mul3A_2, %dma_wait3A_787] : memref<4096x200xi32, #tpu.memory_space<hbm>> -> memref<128x200xi32, #tpu.memory_space<hbm>>
      tpu.wait_dma2 semaphore(%run_scoped3A : memref<!tpu.dma_semaphore, #tpu.memory_space<semaphore_mem>>) src(%dma_wait3A_788 : memref<128x200xi32, #tpu.memory_space<hbm>>) dst(%arg5 : memref<128x200xi32, #tpu.memory_space<vmem>>)
      tpu.yield
    }) : () -> ()
    %dma_start3A = arith.constant 0 : i32
    %dma_start3A_3 = arith.constant 0 : i32
    %dma_start3A_4 = arith.constant 0 : i32
    %dma_start3A_5 = arith.constant 0 : i32
    %dma_start3A_6 = arith.constant 0 : i32
    %dma_start3A_7 = tpu.memref_slice %arg6[%dma_start3A_3, %dma_start3A_5, %dma_start3A_6] : memref<4x200x64xf32, #tpu.memory_space<vmem>> -> memref<1x40x64xf32, #tpu.memory_space<vmem>>
    %dma_start3A_8 = tpu.memref_squeeze %dma_start3A_7 : memref<1x40x64xf32, #tpu.memory_space<vmem>> -> memref<40x64xf32, #tpu.memory_space<vmem>>
    %dma_start3A_9 = arith.constant 0 : i32
    %dma_start3A_10 = tpu.memref_slice %arg5[%dma_start3A, %dma_start3A_9] : memref<128x200xi32, #tpu.memory_space<vmem>> -> memref<1x40xi32, #tpu.memory_space<vmem>>
    %dma_start3A_11 = tpu.memref_squeeze %dma_start3A_10 : memref<1x40xi32, #tpu.memory_space<vmem>> -> memref<40xi32, #tpu.memory_space<vmem>>
    %dma_start3A_12 = arith.constant 0 : i32
    %dma_start3A_13 = arith.constant 0 : i32
    %dma_start3A_14 = tpu.memref_slice %arg3[%dma_start3A_12, %dma_start3A_13] : memref<1000000x64xf32, #tpu.memory_space<hbm>> -> memref<1000000x64xf32, #tpu.memory_space<hbm>>
    %dma_start3A_15 = tpu.memref_slice %arg7[%dma_start3A_4] : memref<4x!tpu.dma_semaphore, #tpu.memory_space<semaphore_mem>> -> memref<1x!tpu.dma_semaphore, #tpu.memory_space<semaphore_mem>>
    %dma_start3A_16 = tpu.memref_squeeze %dma_start3A_15 : memref<1x!tpu.dma_semaphore, #tpu.memory_space<semaphore_mem>> -> memref<!tpu.dma_semaphore, #tpu.memory_space<semaphore_mem>>
    tpu.enqueue_indirect_dma source(%dma_start3A_14 : memref<1000000x64xf32, #tpu.memory_space<hbm>>) target(%dma_start3A_8 : memref<40x64xf32, #tpu.memory_space<vmem>>) offsets(%dma_start3A_11 : memref<40xi32, #tpu.memory_space<vmem>>) semaphore(%dma_start3A_16 : memref<!tpu.dma_semaphore, #tpu.memory_space<semaphore_mem>>)
    %dma_start3A_17 = arith.constant 0 : i32
    %dma_start3A_18 = arith.constant 0 : i32
    %dma_start3A_19 = arith.constant 0 : i32
    %dma_start3A_20 = arith.constant 40 : i32
    %dma_start3A_21 = arith.constant 0 : i32
    %dma_start3A_22 = tpu.memref_slice %arg6[%dma_start3A_18, %dma_start3A_20, %dma_start3A_21] : memref<4x200x64xf32, #tpu.memory_space<vmem>> -> memref<1x40x64xf32, #tpu.memory_space<vmem>>
    %dma_start3A_23 = tpu.memref_squeeze %dma_start3A_22 : memref<1x40x64xf32, #tpu.memory_space<vmem>> -> memref<40x64xf32, #tpu.memory_space<vmem>>
    %dma_start3A_24 = arith.constant 40 : i32
    %dma_start3A_25 = tpu.memref_slice %arg5[%dma_start3A_17, %dma_start3A_24] : memref<128x200xi32, #tpu.memory_space<vmem>> -> memref<1x40xi32, #tpu.memory_space<vmem>>
    %dma_start3A_26 = tpu.memref_squeeze %dma_start3A_25 : memref<1x40xi32, #tpu.memory_space<vmem>> -> memref<40xi32, #tpu.memory_space<vmem>>
    %dma_start3A_27 = arith.constant 0 : i32
    %dma_start3A_28 = arith.constant 0 : i32
    %dma_start3A_29 = tpu.memref_slice %arg3[%dma_start3A_27, %dma_start3A_28] : memref<1000000x64xf32, #tpu.memory_space<hbm>> -> memref<1000000x64xf32, #tpu.memory_space<hbm>>
    %dma_start3A_30 = tpu.memref_slice %arg7[%dma_start3A_19] : memref<4x!tpu.dma_semaphore, #tpu.memory_space<semaphore_mem>> -> memref<1x!tpu.dma_semaphore, #tpu.memory_space<semaphore_mem>>
    %dma_start3A_31 = tpu.memref_squeeze %dma_start3A_30 : memref<1x!tpu.dma_semaphore, #tpu.memory_space<semaphore_mem>> -> memref<!tpu.dma_semaphore, #tpu.memory_space<semaphore_mem>>
    tpu.enqueue_indirect_dma source(%dma_start3A_29 : memref<1000000x64xf32, #tpu.memory_space<hbm>>) target(%dma_start3A_23 : memref<40x64xf32, #tpu.memory_space<vmem>>) offsets(%dma_start3A_26 : memref<40xi32, #tpu.memory_space<vmem>>) semaphore(%dma_start3A_31 : memref<!tpu.dma_semaphore, #tpu.memory_space<semaphore_mem>>)
    %dma_start3A_32 = arith.constant 0 : i32
    %dma_start3A_33 = arith.constant 0 : i32
    %dma_start3A_34 = arith.constant 0 : i32
    %dma_start3A_35 = arith.constant 80 : i32
    %dma_start3A_36 = arith.constant 0 : i32
    %dma_start3A_37 = tpu.memref_slice %arg6[%dma_start3A_33, %dma_start3A_35, %dma_start3A_36] : memref<4x200x64xf32, #tpu.memory_space<vmem>> -> memref<1x40x64xf32, #tpu.memory_space<vmem>>
    %dma_start3A_38 = tpu.memref_squeeze %dma_start3A_37 : memref<1x40x64xf32, #tpu.memory_space<vmem>> -> memref<40x64xf32, #tpu.memory_space<vmem>>
    %dma_start3A_39 = arith.constant 80 : i32
    %dma_start3A_40 = tpu.memref_slice %arg5[%dma_start3A_32, %dma_start3A_39] : memref<128x200xi32, #tpu.memory_space<vmem>> -> memref<1x40xi32, #tpu.memory_space<vmem>>
    %dma_start3A_41 = tpu.memref_squeeze %dma_start3A_40 : memref<1x40xi32, #tpu.memory_space<vmem>> -> memref<40xi32, #tpu.memory_space<vmem>>
    %dma_start3A_42 = arith.constant 0 : i32
    %dma_start3A_43 = arith.constant 0 : i32
    %dma_start3A_44 = tpu.memref_slice %arg3[%dma_start3A_42, %dma_start3A_43] : memref<1000000x64xf32, #tpu.memory_space<hbm>> -> memref<1000000x64xf32, #tpu.memory_space<hbm>>
    %dma_start3A_45 = tpu.memref_slice %arg7[%dma_start3A_34] : memref<4x!tpu.dma_semaphore, #tpu.memory_space<semaphore_mem>> -> memref<1x!tpu.dma_semaphore, #tpu.memory_space<semaphore_mem>>
    %dma_start3A_46 = tpu.memref_squeeze %dma_start3A_45 : memref<1x!tpu.dma_semaphore, #tpu.memory_space<semaphore_mem>> -> memref<!tpu.dma_semaphore, #tpu.memory_space<semaphore_mem>>
    tpu.enqueue_indirect_dma source(%dma_start3A_44 : memref<1000000x64xf32, #tpu.memory_space<hbm>>) target(%dma_start3A_38 : memref<40x64xf32, #tpu.memory_space<vmem>>) offsets(%dma_start3A_41 : memref<40xi32, #tpu.memory_space<vmem>>) semaphore(%dma_start3A_46 : memref<!tpu.dma_semaphore, #tpu.memory_space<semaphore_mem>>)
    %dma_start3A_47 = arith.constant 0 : i32
    %dma_start3A_48 = arith.constant 0 : i32
    %dma_start3A_49 = arith.constant 0 : i32
    %dma_start3A_50 = arith.constant 120 : i32
    %dma_start3A_51 = arith.constant 0 : i32
    %dma_start3A_52 = tpu.memref_slice %arg6[%dma_start3A_48, %dma_start3A_50, %dma_start3A_51] : memref<4x200x64xf32, #tpu.memory_space<vmem>> -> memref<1x40x64xf32, #tpu.memory_space<vmem>>
    %dma_start3A_53 = tpu.memref_squeeze %dma_start3A_52 : memref<1x40x64xf32, #tpu.memory_space<vmem>> -> memref<40x64xf32, #tpu.memory_space<vmem>>
    %dma_start3A_54 = arith.constant 120 : i32
    %dma_start3A_55 = tpu.memref_slice %arg5[%dma_start3A_47, %dma_start3A_54] : memref<128x200xi32, #tpu.memory_space<vmem>> -> memref<1x40xi32, #tpu.memory_space<vmem>>
    %dma_start3A_56 = tpu.memref_squeeze %dma_start3A_55 : memref<1x40xi32, #tpu.memory_space<vmem>> -> memref<40xi32, #tpu.memory_space<vmem>>
    %dma_start3A_57 = arith.constant 0 : i32
    %dma_start3A_58 = arith.constant 0 : i32
    %dma_start3A_59 = tpu.memref_slice %arg3[%dma_start3A_57, %dma_start3A_58] : memref<1000000x64xf32, #tpu.memory_space<hbm>> -> memref<1000000x64xf32, #tpu.memory_space<hbm>>
    %dma_start3A_60 = tpu.memref_slice %arg7[%dma_start3A_49] : memref<4x!tpu.dma_semaphore, #tpu.memory_space<semaphore_mem>> -> memref<1x!tpu.dma_semaphore, #tpu.memory_space<semaphore_mem>>
    %dma_start3A_61 = tpu.memref_squeeze %dma_start3A_60 : memref<1x!tpu.dma_semaphore, #tpu.memory_space<semaphore_mem>> -> memref<!tpu.dma_semaphore, #tpu.memory_space<semaphore_mem>>
    tpu.enqueue_indirect_dma source(%dma_start3A_59 : memref<1000000x64xf32, #tpu.memory_space<hbm>>) target(%dma_start3A_53 : memref<40x64xf32, #tpu.memory_space<vmem>>) offsets(%dma_start3A_56 : memref<40xi32, #tpu.memory_space<vmem>>) semaphore(%dma_start3A_61 : memref<!tpu.dma_semaphore, #tpu.memory_space<semaphore_mem>>)
    %dma_start3A_62 = arith.constant 0 : i32
    %dma_start3A_63 = arith.constant 0 : i32
    %dma_start3A_64 = arith.constant 0 : i32
    %dma_start3A_65 = arith.constant 160 : i32
    %dma_start3A_66 = arith.constant 0 : i32
    %dma_start3A_67 = tpu.memref_slice %arg6[%dma_start3A_63, %dma_start3A_65, %dma_start3A_66] : memref<4x200x64xf32, #tpu.memory_space<vmem>> -> memref<1x40x64xf32, #tpu.memory_space<vmem>>
    %dma_start3A_68 = tpu.memref_squeeze %dma_start3A_67 : memref<1x40x64xf32, #tpu.memory_space<vmem>> -> memref<40x64xf32, #tpu.memory_space<vmem>>
    %dma_start3A_69 = arith.constant 160 : i32
    %dma_start3A_70 = tpu.memref_slice %arg5[%dma_start3A_62, %dma_start3A_69] : memref<128x200xi32, #tpu.memory_space<vmem>> -> memref<1x40xi32, #tpu.memory_space<vmem>>
    %dma_start3A_71 = tpu.memref_squeeze %dma_start3A_70 : memref<1x40xi32, #tpu.memory_space<vmem>> -> memref<40xi32, #tpu.memory_space<vmem>>
    %dma_start3A_72 = arith.constant 0 : i32
    %dma_start3A_73 = arith.constant 0 : i32
    %dma_start3A_74 = tpu.memref_slice %arg3[%dma_start3A_72, %dma_start3A_73] : memref<1000000x64xf32, #tpu.memory_space<hbm>> -> memref<1000000x64xf32, #tpu.memory_space<hbm>>
    %dma_start3A_75 = tpu.memref_slice %arg7[%dma_start3A_64] : memref<4x!tpu.dma_semaphore, #tpu.memory_space<semaphore_mem>> -> memref<1x!tpu.dma_semaphore, #tpu.memory_space<semaphore_mem>>
    %dma_start3A_76 = tpu.memref_squeeze %dma_start3A_75 : memref<1x!tpu.dma_semaphore, #tpu.memory_space<semaphore_mem>> -> memref<!tpu.dma_semaphore, #tpu.memory_space<semaphore_mem>>
    tpu.enqueue_indirect_dma source(%dma_start3A_74 : memref<1000000x64xf32, #tpu.memory_space<hbm>>) target(%dma_start3A_68 : memref<40x64xf32, #tpu.memory_space<vmem>>) offsets(%dma_start3A_71 : memref<40xi32, #tpu.memory_space<vmem>>) semaphore(%dma_start3A_76 : memref<!tpu.dma_semaphore, #tpu.memory_space<semaphore_mem>>)
    %dma_start3A_77 = arith.constant 1 : i32
    %dma_start3A_78 = arith.constant 1 : i32
    %dma_start3A_79 = arith.constant 1 : i32
    %dma_start3A_80 = arith.constant 0 : i32
    %dma_start3A_81 = arith.constant 0 : i32
    %dma_start3A_82 = tpu.memref_slice %arg6[%dma_start3A_78, %dma_start3A_80, %dma_start3A_81] : memref<4x200x64xf32, #tpu.memory_space<vmem>> -> memref<1x40x64xf32, #tpu.memory_space<vmem>>
    %dma_start3A_83 = tpu.memref_squeeze %dma_start3A_82 : memref<1x40x64xf32, #tpu.memory_space<vmem>> -> memref<40x64xf32, #tpu.memory_space<vmem>>
    %dma_start3A_84 = arith.constant 0 : i32
    %dma_start3A_85 = tpu.memref_slice %arg5[%dma_start3A_77, %dma_start3A_84] : memref<128x200xi32, #tpu.memory_space<vmem>> -> memref<1x40xi32, #tpu.memory_space<vmem>>
    %dma_start3A_86 = tpu.memref_squeeze %dma_start3A_85 : memref<1x40xi32, #tpu.memory_space<vmem>> -> memref<40xi32, #tpu.memory_space<vmem>>
    %dma_start3A_87 = arith.constant 0 : i32
    %dma_start3A_88 = arith.constant 0 : i32
    %dma_start3A_89 = tpu.memref_slice %arg3[%dma_start3A_87, %dma_start3A_88] : memref<1000000x64xf32, #tpu.memory_space<hbm>> -> memref<1000000x64xf32, #tpu.memory_space<hbm>>
    %dma_start3A_90 = tpu.memref_slice %arg7[%dma_start3A_79] : memref<4x!tpu.dma_semaphore, #tpu.memory_space<semaphore_mem>> -> memref<1x!tpu.dma_semaphore, #tpu.memory_space<semaphore_mem>>
    %dma_start3A_91 = tpu.memref_squeeze %dma_start3A_90 : memref<1x!tpu.dma_semaphore, #tpu.memory_space<semaphore_mem>> -> memref<!tpu.dma_semaphore, #tpu.memory_space<semaphore_mem>>
    tpu.enqueue_indirect_dma source(%dma_start3A_89 : memref<1000000x64xf32, #tpu.memory_space<hbm>>) target(%dma_start3A_83 : memref<40x64xf32, #tpu.memory_space<vmem>>) offsets(%dma_start3A_86 : memref<40xi32, #tpu.memory_space<vmem>>) semaphore(%dma_start3A_91 : memref<!tpu.dma_semaphore, #tpu.memory_space<semaphore_mem>>)
    %dma_start3A_92 = arith.constant 1 : i32
    %dma_start3A_93 = arith.constant 1 : i32
    %dma_start3A_94 = arith.constant 1 : i32
    %dma_start3A_95 = arith.constant 40 : i32
    %dma_start3A_96 = arith.constant 0 : i32
    %dma_start3A_97 = tpu.memref_slice %arg6[%dma_start3A_93, %dma_start3A_95, %dma_start3A_96] : memref<4x200x64xf32, #tpu.memory_space<vmem>> -> memref<1x40x64xf32, #tpu.memory_space<vmem>>
    %dma_start3A_98 = tpu.memref_squeeze %dma_start3A_97 : memref<1x40x64xf32, #tpu.memory_space<vmem>> -> memref<40x64xf32, #tpu.memory_space<vmem>>
    %dma_start3A_99 = arith.constant 40 : i32
    %dma_start3A_100 = tpu.memref_slice %arg5[%dma_start3A_92, %dma_start3A_99] : memref<128x200xi32, #tpu.memory_space<vmem>> -> memref<1x40xi32, #tpu.memory_space<vmem>>
    %dma_start3A_101 = tpu.memref_squeeze %dma_start3A_100 : memref<1x40xi32, #tpu.memory_space<vmem>> -> memref<40xi32, #tpu.memory_space<vmem>>
    %dma_start3A_102 = arith.constant 0 : i32
    %dma_start3A_103 = arith.constant 0 : i32
    %dma_start3A_104 = tpu.memref_slice %arg3[%dma_start3A_102, %dma_start3A_103] : memref<1000000x64xf32, #tpu.memory_space<hbm>> -> memref<1000000x64xf32, #tpu.memory_space<hbm>>
    %dma_start3A_105 = tpu.memref_slice %arg7[%dma_start3A_94] : memref<4x!tpu.dma_semaphore, #tpu.memory_space<semaphore_mem>> -> memref<1x!tpu.dma_semaphore, #tpu.memory_space<semaphore_mem>>
    %dma_start3A_106 = tpu.memref_squeeze %dma_start3A_105 : memref<1x!tpu.dma_semaphore, #tpu.memory_space<semaphore_mem>> -> memref<!tpu.dma_semaphore, #tpu.memory_space<semaphore_mem>>
    tpu.enqueue_indirect_dma source(%dma_start3A_104 : memref<1000000x64xf32, #tpu.memory_space<hbm>>) target(%dma_start3A_98 : memref<40x64xf32, #tpu.memory_space<vmem>>) offsets(%dma_start3A_101 : memref<40xi32, #tpu.memory_space<vmem>>) semaphore(%dma_start3A_106 : memref<!tpu.dma_semaphore, #tpu.memory_space<semaphore_mem>>)
    %dma_start3A_107 = arith.constant 1 : i32
    %dma_start3A_108 = arith.constant 1 : i32
    %dma_start3A_109 = arith.constant 1 : i32
    %dma_start3A_110 = arith.constant 80 : i32
    %dma_start3A_111 = arith.constant 0 : i32
    %dma_start3A_112 = tpu.memref_slice %arg6[%dma_start3A_108, %dma_start3A_110, %dma_start3A_111] : memref<4x200x64xf32, #tpu.memory_space<vmem>> -> memref<1x40x64xf32, #tpu.memory_space<vmem>>
    %dma_start3A_113 = tpu.memref_squeeze %dma_start3A_112 : memref<1x40x64xf32, #tpu.memory_space<vmem>> -> memref<40x64xf32, #tpu.memory_space<vmem>>
    %dma_start3A_114 = arith.constant 80 : i32
    %dma_start3A_115 = tpu.memref_slice %arg5[%dma_start3A_107, %dma_start3A_114] : memref<128x200xi32, #tpu.memory_space<vmem>> -> memref<1x40xi32, #tpu.memory_space<vmem>>
    %dma_start3A_116 = tpu.memref_squeeze %dma_start3A_115 : memref<1x40xi32, #tpu.memory_space<vmem>> -> memref<40xi32, #tpu.memory_space<vmem>>
    %dma_start3A_117 = arith.constant 0 : i32
    %dma_start3A_118 = arith.constant 0 : i32
    %dma_start3A_119 = tpu.memref_slice %arg3[%dma_start3A_117, %dma_start3A_118] : memref<1000000x64xf32, #tpu.memory_space<hbm>> -> memref<1000000x64xf32, #tpu.memory_space<hbm>>
    %dma_start3A_120 = tpu.memref_slice %arg7[%dma_start3A_109] : memref<4x!tpu.dma_semaphore, #tpu.memory_space<semaphore_mem>> -> memref<1x!tpu.dma_semaphore, #tpu.memory_space<semaphore_mem>>
    %dma_start3A_121 = tpu.memref_squeeze %dma_start3A_120 : memref<1x!tpu.dma_semaphore, #tpu.memory_space<semaphore_mem>> -> memref<!tpu.dma_semaphore, #tpu.memory_space<semaphore_mem>>
    tpu.enqueue_indirect_dma source(%dma_start3A_119 : memref<1000000x64xf32, #tpu.memory_space<hbm>>) target(%dma_start3A_113 : memref<40x64xf32, #tpu.memory_space<vmem>>) offsets(%dma_start3A_116 : memref<40xi32, #tpu.memory_space<vmem>>) semaphore(%dma_start3A_121 : memref<!tpu.dma_semaphore, #tpu.memory_space<semaphore_mem>>)
    %dma_start3A_122 = arith.constant 1 : i32
    %dma_start3A_123 = arith.constant 1 : i32
    %dma_start3A_124 = arith.constant 1 : i32
    %dma_start3A_125 = arith.constant 120 : i32
    %dma_start3A_126 = arith.constant 0 : i32
    %dma_start3A_127 = tpu.memref_slice %arg6[%dma_start3A_123, %dma_start3A_125, %dma_start3A_126] : memref<4x200x64xf32, #tpu.memory_space<vmem>> -> memref<1x40x64xf32, #tpu.memory_space<vmem>>
    %dma_start3A_128 = tpu.memref_squeeze %dma_start3A_127 : memref<1x40x64xf32, #tpu.memory_space<vmem>> -> memref<40x64xf32, #tpu.memory_space<vmem>>
    %dma_start3A_129 = arith.constant 120 : i32
    %dma_start3A_130 = tpu.memref_slice %arg5[%dma_start3A_122, %dma_start3A_129] : memref<128x200xi32, #tpu.memory_space<vmem>> -> memref<1x40xi32, #tpu.memory_space<vmem>>
    %dma_start3A_131 = tpu.memref_squeeze %dma_start3A_130 : memref<1x40xi32, #tpu.memory_space<vmem>> -> memref<40xi32, #tpu.memory_space<vmem>>
    %dma_start3A_132 = arith.constant 0 : i32
    %dma_start3A_133 = arith.constant 0 : i32
    %dma_start3A_134 = tpu.memref_slice %arg3[%dma_start3A_132, %dma_start3A_133] : memref<1000000x64xf32, #tpu.memory_space<hbm>> -> memref<1000000x64xf32, #tpu.memory_space<hbm>>
    %dma_start3A_135 = tpu.memref_slice %arg7[%dma_start3A_124] : memref<4x!tpu.dma_semaphore, #tpu.memory_space<semaphore_mem>> -> memref<1x!tpu.dma_semaphore, #tpu.memory_space<semaphore_mem>>
    %dma_start3A_136 = tpu.memref_squeeze %dma_start3A_135 : memref<1x!tpu.dma_semaphore, #tpu.memory_space<semaphore_mem>> -> memref<!tpu.dma_semaphore, #tpu.memory_space<semaphore_mem>>
    tpu.enqueue_indirect_dma source(%dma_start3A_134 : memref<1000000x64xf32, #tpu.memory_space<hbm>>) target(%dma_start3A_128 : memref<40x64xf32, #tpu.memory_space<vmem>>) offsets(%dma_start3A_131 : memref<40xi32, #tpu.memory_space<vmem>>) semaphore(%dma_start3A_136 : memref<!tpu.dma_semaphore, #tpu.memory_space<semaphore_mem>>)
    %dma_start3A_137 = arith.constant 1 : i32
    %dma_start3A_138 = arith.constant 1 : i32
    %dma_start3A_139 = arith.constant 1 : i32
    %dma_start3A_140 = arith.constant 160 : i32
    %dma_start3A_141 = arith.constant 0 : i32
    %dma_start3A_142 = tpu.memref_slice %arg6[%dma_start3A_138, %dma_start3A_140, %dma_start3A_141] : memref<4x200x64xf32, #tpu.memory_space<vmem>> -> memref<1x40x64xf32, #tpu.memory_space<vmem>>
    %dma_start3A_143 = tpu.memref_squeeze %dma_start3A_142 : memref<1x40x64xf32, #tpu.memory_space<vmem>> -> memref<40x64xf32, #tpu.memory_space<vmem>>
    %dma_start3A_144 = arith.constant 160 : i32
    %dma_start3A_145 = tpu.memref_slice %arg5[%dma_start3A_137, %dma_start3A_144] : memref<128x200xi32, #tpu.memory_space<vmem>> -> memref<1x40xi32, #tpu.memory_space<vmem>>
    %dma_start3A_146 = tpu.memref_squeeze %dma_start3A_145 : memref<1x40xi32, #tpu.memory_space<vmem>> -> memref<40xi32, #tpu.memory_space<vmem>>
    %dma_start3A_147 = arith.constant 0 : i32
    %dma_start3A_148 = arith.constant 0 : i32
    %dma_start3A_149 = tpu.memref_slice %arg3[%dma_start3A_147, %dma_start3A_148] : memref<1000000x64xf32, #tpu.memory_space<hbm>> -> memref<1000000x64xf32, #tpu.memory_space<hbm>>
    %dma_start3A_150 = tpu.memref_slice %arg7[%dma_start3A_139] : memref<4x!tpu.dma_semaphore, #tpu.memory_space<semaphore_mem>> -> memref<1x!tpu.dma_semaphore, #tpu.memory_space<semaphore_mem>>
    %dma_start3A_151 = tpu.memref_squeeze %dma_start3A_150 : memref<1x!tpu.dma_semaphore, #tpu.memory_space<semaphore_mem>> -> memref<!tpu.dma_semaphore, #tpu.memory_space<semaphore_mem>>
    tpu.enqueue_indirect_dma source(%dma_start3A_149 : memref<1000000x64xf32, #tpu.memory_space<hbm>>) target(%dma_start3A_143 : memref<40x64xf32, #tpu.memory_space<vmem>>) offsets(%dma_start3A_146 : memref<40xi32, #tpu.memory_space<vmem>>) semaphore(%dma_start3A_151 : memref<!tpu.dma_semaphore, #tpu.memory_space<semaphore_mem>>)
    %dma_start3A_152 = arith.constant 2 : i32
    %dma_start3A_153 = arith.constant 2 : i32
    %dma_start3A_154 = arith.constant 2 : i32
    %dma_start3A_155 = arith.constant 0 : i32
    %dma_start3A_156 = arith.constant 0 : i32
    %dma_start3A_157 = tpu.memref_slice %arg6[%dma_start3A_153, %dma_start3A_155, %dma_start3A_156] : memref<4x200x64xf32, #tpu.memory_space<vmem>> -> memref<1x40x64xf32, #tpu.memory_space<vmem>>
    %dma_start3A_158 = tpu.memref_squeeze %dma_start3A_157 : memref<1x40x64xf32, #tpu.memory_space<vmem>> -> memref<40x64xf32, #tpu.memory_space<vmem>>
    %dma_start3A_159 = arith.constant 0 : i32
    %dma_start3A_160 = tpu.memref_slice %arg5[%dma_start3A_152, %dma_start3A_159] : memref<128x200xi32, #tpu.memory_space<vmem>> -> memref<1x40xi32, #tpu.memory_space<vmem>>
    %dma_start3A_161 = tpu.memref_squeeze %dma_start3A_160 : memref<1x40xi32, #tpu.memory_space<vmem>> -> memref<40xi32, #tpu.memory_space<vmem>>
    %dma_start3A_162 = arith.constant 0 : i32
    %dma_start3A_163 = arith.constant 0 : i32
    %dma_start3A_164 = tpu.memref_slice %arg3[%dma_start3A_162, %dma_start3A_163] : memref<1000000x64xf32, #tpu.memory_space<hbm>> -> memref<1000000x64xf32, #tpu.memory_space<hbm>>
    %dma_start3A_165 = tpu.memref_slice %arg7[%dma_start3A_154] : memref<4x!tpu.dma_semaphore, #tpu.memory_space<semaphore_mem>> -> memref<1x!tpu.dma_semaphore, #tpu.memory_space<semaphore_mem>>
    %dma_start3A_166 = tpu.memref_squeeze %dma_start3A_165 : memref<1x!tpu.dma_semaphore, #tpu.memory_space<semaphore_mem>> -> memref<!tpu.dma_semaphore, #tpu.memory_space<semaphore_mem>>
    tpu.enqueue_indirect_dma source(%dma_start3A_164 : memref<1000000x64xf32, #tpu.memory_space<hbm>>) target(%dma_start3A_158 : memref<40x64xf32, #tpu.memory_space<vmem>>) offsets(%dma_start3A_161 : memref<40xi32, #tpu.memory_space<vmem>>) semaphore(%dma_start3A_166 : memref<!tpu.dma_semaphore, #tpu.memory_space<semaphore_mem>>)
    %dma_start3A_167 = arith.constant 2 : i32
    %dma_start3A_168 = arith.constant 2 : i32
    %dma_start3A_169 = arith.constant 2 : i32
    %dma_start3A_170 = arith.constant 40 : i32
    %dma_start3A_171 = arith.constant 0 : i32
    %dma_start3A_172 = tpu.memref_slice %arg6[%dma_start3A_168, %dma_start3A_170, %dma_start3A_171] : memref<4x200x64xf32, #tpu.memory_space<vmem>> -> memref<1x40x64xf32, #tpu.memory_space<vmem>>
    %dma_start3A_173 = tpu.memref_squeeze %dma_start3A_172 : memref<1x40x64xf32, #tpu.memory_space<vmem>> -> memref<40x64xf32, #tpu.memory_space<vmem>>
    %dma_start3A_174 = arith.constant 40 : i32
    %dma_start3A_175 = tpu.memref_slice %arg5[%dma_start3A_167, %dma_start3A_174] : memref<128x200xi32, #tpu.memory_space<vmem>> -> memref<1x40xi32, #tpu.memory_space<vmem>>
    %dma_start3A_176 = tpu.memref_squeeze %dma_start3A_175 : memref<1x40xi32, #tpu.memory_space<vmem>> -> memref<40xi32, #tpu.memory_space<vmem>>
    %dma_start3A_177 = arith.constant 0 : i32
    %dma_start3A_178 = arith.constant 0 : i32
    %dma_start3A_179 = tpu.memref_slice %arg3[%dma_start3A_177, %dma_start3A_178] : memref<1000000x64xf32, #tpu.memory_space<hbm>> -> memref<1000000x64xf32, #tpu.memory_space<hbm>>
    %dma_start3A_180 = tpu.memref_slice %arg7[%dma_start3A_169] : memref<4x!tpu.dma_semaphore, #tpu.memory_space<semaphore_mem>> -> memref<1x!tpu.dma_semaphore, #tpu.memory_space<semaphore_mem>>
    %dma_start3A_181 = tpu.memref_squeeze %dma_start3A_180 : memref<1x!tpu.dma_semaphore, #tpu.memory_space<semaphore_mem>> -> memref<!tpu.dma_semaphore, #tpu.memory_space<semaphore_mem>>
    tpu.enqueue_indirect_dma source(%dma_start3A_179 : memref<1000000x64xf32, #tpu.memory_space<hbm>>) target(%dma_start3A_173 : memref<40x64xf32, #tpu.memory_space<vmem>>) offsets(%dma_start3A_176 : memref<40xi32, #tpu.memory_space<vmem>>) semaphore(%dma_start3A_181 : memref<!tpu.dma_semaphore, #tpu.memory_space<semaphore_mem>>)
    %dma_start3A_182 = arith.constant 2 : i32
    %dma_start3A_183 = arith.constant 2 : i32
    %dma_start3A_184 = arith.constant 2 : i32
    %dma_start3A_185 = arith.constant 80 : i32
    %dma_start3A_186 = arith.constant 0 : i32
    %dma_start3A_187 = tpu.memref_slice %arg6[%dma_start3A_183, %dma_start3A_185, %dma_start3A_186] : memref<4x200x64xf32, #tpu.memory_space<vmem>> -> memref<1x40x64xf32, #tpu.memory_space<vmem>>
    %dma_start3A_188 = tpu.memref_squeeze %dma_start3A_187 : memref<1x40x64xf32, #tpu.memory_space<vmem>> -> memref<40x64xf32, #tpu.memory_space<vmem>>
    %dma_start3A_189 = arith.constant 80 : i32
    %dma_start3A_190 = tpu.memref_slice %arg5[%dma_start3A_182, %dma_start3A_189] : memref<128x200xi32, #tpu.memory_space<vmem>> -> memref<1x40xi32, #tpu.memory_space<vmem>>
    %dma_start3A_191 = tpu.memref_squeeze %dma_start3A_190 : memref<1x40xi32, #tpu.memory_space<vmem>> -> memref<40xi32, #tpu.memory_space<vmem>>
    %dma_start3A_192 = arith.constant 0 : i32
    %dma_start3A_193 = arith.constant 0 : i32
    %dma_start3A_194 = tpu.memref_slice %arg3[%dma_start3A_192, %dma_start3A_193] : memref<1000000x64xf32, #tpu.memory_space<hbm>> -> memref<1000000x64xf32, #tpu.memory_space<hbm>>
    %dma_start3A_195 = tpu.memref_slice %arg7[%dma_start3A_184] : memref<4x!tpu.dma_semaphore, #tpu.memory_space<semaphore_mem>> -> memref<1x!tpu.dma_semaphore, #tpu.memory_space<semaphore_mem>>
    %dma_start3A_196 = tpu.memref_squeeze %dma_start3A_195 : memref<1x!tpu.dma_semaphore, #tpu.memory_space<semaphore_mem>> -> memref<!tpu.dma_semaphore, #tpu.memory_space<semaphore_mem>>
    tpu.enqueue_indirect_dma source(%dma_start3A_194 : memref<1000000x64xf32, #tpu.memory_space<hbm>>) target(%dma_start3A_188 : memref<40x64xf32, #tpu.memory_space<vmem>>) offsets(%dma_start3A_191 : memref<40xi32, #tpu.memory_space<vmem>>) semaphore(%dma_start3A_196 : memref<!tpu.dma_semaphore, #tpu.memory_space<semaphore_mem>>)
    %dma_start3A_197 = arith.constant 2 : i32
    %dma_start3A_198 = arith.constant 2 : i32
    %dma_start3A_199 = arith.constant 2 : i32
    %dma_start3A_200 = arith.constant 120 : i32
    %dma_start3A_201 = arith.constant 0 : i32
    %dma_start3A_202 = tpu.memref_slice %arg6[%dma_start3A_198, %dma_start3A_200, %dma_start3A_201] : memref<4x200x64xf32, #tpu.memory_space<vmem>> -> memref<1x40x64xf32, #tpu.memory_space<vmem>>
    %dma_start3A_203 = tpu.memref_squeeze %dma_start3A_202 : memref<1x40x64xf32, #tpu.memory_space<vmem>> -> memref<40x64xf32, #tpu.memory_space<vmem>>
    %dma_start3A_204 = arith.constant 120 : i32
    %dma_start3A_205 = tpu.memref_slice %arg5[%dma_start3A_197, %dma_start3A_204] : memref<128x200xi32, #tpu.memory_space<vmem>> -> memref<1x40xi32, #tpu.memory_space<vmem>>
    %dma_start3A_206 = tpu.memref_squeeze %dma_start3A_205 : memref<1x40xi32, #tpu.memory_space<vmem>> -> memref<40xi32, #tpu.memory_space<vmem>>
    %dma_start3A_207 = arith.constant 0 : i32
    %dma_start3A_208 = arith.constant 0 : i32
    %dma_start3A_209 = tpu.memref_slice %arg3[%dma_start3A_207, %dma_start3A_208] : memref<1000000x64xf32, #tpu.memory_space<hbm>> -> memref<1000000x64xf32, #tpu.memory_space<hbm>>
    %dma_start3A_210 = tpu.memref_slice %arg7[%dma_start3A_199] : memref<4x!tpu.dma_semaphore, #tpu.memory_space<semaphore_mem>> -> memref<1x!tpu.dma_semaphore, #tpu.memory_space<semaphore_mem>>
    %dma_start3A_211 = tpu.memref_squeeze %dma_start3A_210 : memref<1x!tpu.dma_semaphore, #tpu.memory_space<semaphore_mem>> -> memref<!tpu.dma_semaphore, #tpu.memory_space<semaphore_mem>>
    tpu.enqueue_indirect_dma source(%dma_start3A_209 : memref<1000000x64xf32, #tpu.memory_space<hbm>>) target(%dma_start3A_203 : memref<40x64xf32, #tpu.memory_space<vmem>>) offsets(%dma_start3A_206 : memref<40xi32, #tpu.memory_space<vmem>>) semaphore(%dma_start3A_211 : memref<!tpu.dma_semaphore, #tpu.memory_space<semaphore_mem>>)
    %dma_start3A_212 = arith.constant 2 : i32
    %dma_start3A_213 = arith.constant 2 : i32
    %dma_start3A_214 = arith.constant 2 : i32
    %dma_start3A_215 = arith.constant 160 : i32
    %dma_start3A_216 = arith.constant 0 : i32
    %dma_start3A_217 = tpu.memref_slice %arg6[%dma_start3A_213, %dma_start3A_215, %dma_start3A_216] : memref<4x200x64xf32, #tpu.memory_space<vmem>> -> memref<1x40x64xf32, #tpu.memory_space<vmem>>
    %dma_start3A_218 = tpu.memref_squeeze %dma_start3A_217 : memref<1x40x64xf32, #tpu.memory_space<vmem>> -> memref<40x64xf32, #tpu.memory_space<vmem>>
    %dma_start3A_219 = arith.constant 160 : i32
    %dma_start3A_220 = tpu.memref_slice %arg5[%dma_start3A_212, %dma_start3A_219] : memref<128x200xi32, #tpu.memory_space<vmem>> -> memref<1x40xi32, #tpu.memory_space<vmem>>
    %dma_start3A_221 = tpu.memref_squeeze %dma_start3A_220 : memref<1x40xi32, #tpu.memory_space<vmem>> -> memref<40xi32, #tpu.memory_space<vmem>>
    %dma_start3A_222 = arith.constant 0 : i32
    %dma_start3A_223 = arith.constant 0 : i32
    %dma_start3A_224 = tpu.memref_slice %arg3[%dma_start3A_222, %dma_start3A_223] : memref<1000000x64xf32, #tpu.memory_space<hbm>> -> memref<1000000x64xf32, #tpu.memory_space<hbm>>
    %dma_start3A_225 = tpu.memref_slice %arg7[%dma_start3A_214] : memref<4x!tpu.dma_semaphore, #tpu.memory_space<semaphore_mem>> -> memref<1x!tpu.dma_semaphore, #tpu.memory_space<semaphore_mem>>
    %dma_start3A_226 = tpu.memref_squeeze %dma_start3A_225 : memref<1x!tpu.dma_semaphore, #tpu.memory_space<semaphore_mem>> -> memref<!tpu.dma_semaphore, #tpu.memory_space<semaphore_mem>>
    tpu.enqueue_indirect_dma source(%dma_start3A_224 : memref<1000000x64xf32, #tpu.memory_space<hbm>>) target(%dma_start3A_218 : memref<40x64xf32, #tpu.memory_space<vmem>>) offsets(%dma_start3A_221 : memref<40xi32, #tpu.memory_space<vmem>>) semaphore(%dma_start3A_226 : memref<!tpu.dma_semaphore, #tpu.memory_space<semaphore_mem>>)
    %dma_start3A_227 = arith.constant 3 : i32
    %dma_start3A_228 = arith.constant 3 : i32
    %dma_start3A_229 = arith.constant 3 : i32
    %dma_start3A_230 = arith.constant 0 : i32
    %dma_start3A_231 = arith.constant 0 : i32
    %dma_start3A_232 = tpu.memref_slice %arg6[%dma_start3A_228, %dma_start3A_230, %dma_start3A_231] : memref<4x200x64xf32, #tpu.memory_space<vmem>> -> memref<1x40x64xf32, #tpu.memory_space<vmem>>
    %dma_start3A_233 = tpu.memref_squeeze %dma_start3A_232 : memref<1x40x64xf32, #tpu.memory_space<vmem>> -> memref<40x64xf32, #tpu.memory_space<vmem>>
    %dma_start3A_234 = arith.constant 0 : i32
    %dma_start3A_235 = tpu.memref_slice %arg5[%dma_start3A_227, %dma_start3A_234] : memref<128x200xi32, #tpu.memory_space<vmem>> -> memref<1x40xi32, #tpu.memory_space<vmem>>
    %dma_start3A_236 = tpu.memref_squeeze %dma_start3A_235 : memref<1x40xi32, #tpu.memory_space<vmem>> -> memref<40xi32, #tpu.memory_space<vmem>>
    %dma_start3A_237 = arith.constant 0 : i32
    %dma_start3A_238 = arith.constant 0 : i32
    %dma_start3A_239 = tpu.memref_slice %arg3[%dma_start3A_237, %dma_start3A_238] : memref<1000000x64xf32, #tpu.memory_space<hbm>> -> memref<1000000x64xf32, #tpu.memory_space<hbm>>
    %dma_start3A_240 = tpu.memref_slice %arg7[%dma_start3A_229] : memref<4x!tpu.dma_semaphore, #tpu.memory_space<semaphore_mem>> -> memref<1x!tpu.dma_semaphore, #tpu.memory_space<semaphore_mem>>
    %dma_start3A_241 = tpu.memref_squeeze %dma_start3A_240 : memref<1x!tpu.dma_semaphore, #tpu.memory_space<semaphore_mem>> -> memref<!tpu.dma_semaphore, #tpu.memory_space<semaphore_mem>>
    tpu.enqueue_indirect_dma source(%dma_start3A_239 : memref<1000000x64xf32, #tpu.memory_space<hbm>>) target(%dma_start3A_233 : memref<40x64xf32, #tpu.memory_space<vmem>>) offsets(%dma_start3A_236 : memref<40xi32, #tpu.memory_space<vmem>>) semaphore(%dma_start3A_241 : memref<!tpu.dma_semaphore, #tpu.memory_space<semaphore_mem>>)
    %dma_start3A_242 = arith.constant 3 : i32
    %dma_start3A_243 = arith.constant 3 : i32
    %dma_start3A_244 = arith.constant 3 : i32
    %dma_start3A_245 = arith.constant 40 : i32
    %dma_start3A_246 = arith.constant 0 : i32
    %dma_start3A_247 = tpu.memref_slice %arg6[%dma_start3A_243, %dma_start3A_245, %dma_start3A_246] : memref<4x200x64xf32, #tpu.memory_space<vmem>> -> memref<1x40x64xf32, #tpu.memory_space<vmem>>
    %dma_start3A_248 = tpu.memref_squeeze %dma_start3A_247 : memref<1x40x64xf32, #tpu.memory_space<vmem>> -> memref<40x64xf32, #tpu.memory_space<vmem>>
    %dma_start3A_249 = arith.constant 40 : i32
    %dma_start3A_250 = tpu.memref_slice %arg5[%dma_start3A_242, %dma_start3A_249] : memref<128x200xi32, #tpu.memory_space<vmem>> -> memref<1x40xi32, #tpu.memory_space<vmem>>
    %dma_start3A_251 = tpu.memref_squeeze %dma_start3A_250 : memref<1x40xi32, #tpu.memory_space<vmem>> -> memref<40xi32, #tpu.memory_space<vmem>>
    %dma_start3A_252 = arith.constant 0 : i32
    %dma_start3A_253 = arith.constant 0 : i32
    %dma_start3A_254 = tpu.memref_slice %arg3[%dma_start3A_252, %dma_start3A_253] : memref<1000000x64xf32, #tpu.memory_space<hbm>> -> memref<1000000x64xf32, #tpu.memory_space<hbm>>
    %dma_start3A_255 = tpu.memref_slice %arg7[%dma_start3A_244] : memref<4x!tpu.dma_semaphore, #tpu.memory_space<semaphore_mem>> -> memref<1x!tpu.dma_semaphore, #tpu.memory_space<semaphore_mem>>
    %dma_start3A_256 = tpu.memref_squeeze %dma_start3A_255 : memref<1x!tpu.dma_semaphore, #tpu.memory_space<semaphore_mem>> -> memref<!tpu.dma_semaphore, #tpu.memory_space<semaphore_mem>>
    tpu.enqueue_indirect_dma source(%dma_start3A_254 : memref<1000000x64xf32, #tpu.memory_space<hbm>>) target(%dma_start3A_248 : memref<40x64xf32, #tpu.memory_space<vmem>>) offsets(%dma_start3A_251 : memref<40xi32, #tpu.memory_space<vmem>>) semaphore(%dma_start3A_256 : memref<!tpu.dma_semaphore, #tpu.memory_space<semaphore_mem>>)
    %dma_start3A_257 = arith.constant 3 : i32
    %dma_start3A_258 = arith.constant 3 : i32
    %dma_start3A_259 = arith.constant 3 : i32
    %dma_start3A_260 = arith.constant 80 : i32
    %dma_start3A_261 = arith.constant 0 : i32
    %dma_start3A_262 = tpu.memref_slice %arg6[%dma_start3A_258, %dma_start3A_260, %dma_start3A_261] : memref<4x200x64xf32, #tpu.memory_space<vmem>> -> memref<1x40x64xf32, #tpu.memory_space<vmem>>
    %dma_start3A_263 = tpu.memref_squeeze %dma_start3A_262 : memref<1x40x64xf32, #tpu.memory_space<vmem>> -> memref<40x64xf32, #tpu.memory_space<vmem>>
    %dma_start3A_264 = arith.constant 80 : i32
    %dma_start3A_265 = tpu.memref_slice %arg5[%dma_start3A_257, %dma_start3A_264] : memref<128x200xi32, #tpu.memory_space<vmem>> -> memref<1x40xi32, #tpu.memory_space<vmem>>
    %dma_start3A_266 = tpu.memref_squeeze %dma_start3A_265 : memref<1x40xi32, #tpu.memory_space<vmem>> -> memref<40xi32, #tpu.memory_space<vmem>>
    %dma_start3A_267 = arith.constant 0 : i32
    %dma_start3A_268 = arith.constant 0 : i32
    %dma_start3A_269 = tpu.memref_slice %arg3[%dma_start3A_267, %dma_start3A_268] : memref<1000000x64xf32, #tpu.memory_space<hbm>> -> memref<1000000x64xf32, #tpu.memory_space<hbm>>
    %dma_start3A_270 = tpu.memref_slice %arg7[%dma_start3A_259] : memref<4x!tpu.dma_semaphore, #tpu.memory_space<semaphore_mem>> -> memref<1x!tpu.dma_semaphore, #tpu.memory_space<semaphore_mem>>
    %dma_start3A_271 = tpu.memref_squeeze %dma_start3A_270 : memref<1x!tpu.dma_semaphore, #tpu.memory_space<semaphore_mem>> -> memref<!tpu.dma_semaphore, #tpu.memory_space<semaphore_mem>>
    tpu.enqueue_indirect_dma source(%dma_start3A_269 : memref<1000000x64xf32, #tpu.memory_space<hbm>>) target(%dma_start3A_263 : memref<40x64xf32, #tpu.memory_space<vmem>>) offsets(%dma_start3A_266 : memref<40xi32, #tpu.memory_space<vmem>>) semaphore(%dma_start3A_271 : memref<!tpu.dma_semaphore, #tpu.memory_space<semaphore_mem>>)
    %dma_start3A_272 = arith.constant 3 : i32
    %dma_start3A_273 = arith.constant 3 : i32
    %dma_start3A_274 = arith.constant 3 : i32
    %dma_start3A_275 = arith.constant 120 : i32
    %dma_start3A_276 = arith.constant 0 : i32
    %dma_start3A_277 = tpu.memref_slice %arg6[%dma_start3A_273, %dma_start3A_275, %dma_start3A_276] : memref<4x200x64xf32, #tpu.memory_space<vmem>> -> memref<1x40x64xf32, #tpu.memory_space<vmem>>
    %dma_start3A_278 = tpu.memref_squeeze %dma_start3A_277 : memref<1x40x64xf32, #tpu.memory_space<vmem>> -> memref<40x64xf32, #tpu.memory_space<vmem>>
    %dma_start3A_279 = arith.constant 120 : i32
    %dma_start3A_280 = tpu.memref_slice %arg5[%dma_start3A_272, %dma_start3A_279] : memref<128x200xi32, #tpu.memory_space<vmem>> -> memref<1x40xi32, #tpu.memory_space<vmem>>
    %dma_start3A_281 = tpu.memref_squeeze %dma_start3A_280 : memref<1x40xi32, #tpu.memory_space<vmem>> -> memref<40xi32, #tpu.memory_space<vmem>>
    %dma_start3A_282 = arith.constant 0 : i32
    %dma_start3A_283 = arith.constant 0 : i32
    %dma_start3A_284 = tpu.memref_slice %arg3[%dma_start3A_282, %dma_start3A_283] : memref<1000000x64xf32, #tpu.memory_space<hbm>> -> memref<1000000x64xf32, #tpu.memory_space<hbm>>
    %dma_start3A_285 = tpu.memref_slice %arg7[%dma_start3A_274] : memref<4x!tpu.dma_semaphore, #tpu.memory_space<semaphore_mem>> -> memref<1x!tpu.dma_semaphore, #tpu.memory_space<semaphore_mem>>
    %dma_start3A_286 = tpu.memref_squeeze %dma_start3A_285 : memref<1x!tpu.dma_semaphore, #tpu.memory_space<semaphore_mem>> -> memref<!tpu.dma_semaphore, #tpu.memory_space<semaphore_mem>>
    tpu.enqueue_indirect_dma source(%dma_start3A_284 : memref<1000000x64xf32, #tpu.memory_space<hbm>>) target(%dma_start3A_278 : memref<40x64xf32, #tpu.memory_space<vmem>>) offsets(%dma_start3A_281 : memref<40xi32, #tpu.memory_space<vmem>>) semaphore(%dma_start3A_286 : memref<!tpu.dma_semaphore, #tpu.memory_space<semaphore_mem>>)
    %dma_start3A_287 = arith.constant 3 : i32
    %dma_start3A_288 = arith.constant 3 : i32
    %dma_start3A_289 = arith.constant 3 : i32
    %dma_start3A_290 = arith.constant 160 : i32
    %dma_start3A_291 = arith.constant 0 : i32
    %dma_start3A_292 = tpu.memref_slice %arg6[%dma_start3A_288, %dma_start3A_290, %dma_start3A_291] : memref<4x200x64xf32, #tpu.memory_space<vmem>> -> memref<1x40x64xf32, #tpu.memory_space<vmem>>
    %dma_start3A_293 = tpu.memref_squeeze %dma_start3A_292 : memref<1x40x64xf32, #tpu.memory_space<vmem>> -> memref<40x64xf32, #tpu.memory_space<vmem>>
    %dma_start3A_294 = arith.constant 160 : i32
    %dma_start3A_295 = tpu.memref_slice %arg5[%dma_start3A_287, %dma_start3A_294] : memref<128x200xi32, #tpu.memory_space<vmem>> -> memref<1x40xi32, #tpu.memory_space<vmem>>
    %dma_start3A_296 = tpu.memref_squeeze %dma_start3A_295 : memref<1x40xi32, #tpu.memory_space<vmem>> -> memref<40xi32, #tpu.memory_space<vmem>>
    %dma_start3A_297 = arith.constant 0 : i32
    %dma_start3A_298 = arith.constant 0 : i32
    %dma_start3A_299 = tpu.memref_slice %arg3[%dma_start3A_297, %dma_start3A_298] : memref<1000000x64xf32, #tpu.memory_space<hbm>> -> memref<1000000x64xf32, #tpu.memory_space<hbm>>
    %dma_start3A_300 = tpu.memref_slice %arg7[%dma_start3A_289] : memref<4x!tpu.dma_semaphore, #tpu.memory_space<semaphore_mem>> -> memref<1x!tpu.dma_semaphore, #tpu.memory_space<semaphore_mem>>
    %dma_start3A_301 = tpu.memref_squeeze %dma_start3A_300 : memref<1x!tpu.dma_semaphore, #tpu.memory_space<semaphore_mem>> -> memref<!tpu.dma_semaphore, #tpu.memory_space<semaphore_mem>>
    tpu.enqueue_indirect_dma source(%dma_start3A_299 : memref<1000000x64xf32, #tpu.memory_space<hbm>>) target(%dma_start3A_293 : memref<40x64xf32, #tpu.memory_space<vmem>>) offsets(%dma_start3A_296 : memref<40xi32, #tpu.memory_space<vmem>>) semaphore(%dma_start3A_301 : memref<!tpu.dma_semaphore, #tpu.memory_space<semaphore_mem>>)
    %scan3A = arith.constant 0 : i32
    %scan3A_302 = arith.constant 31 : i32
    %scan3A_303 = arith.addi %scan3A, %scan3A_302 : i32
    %scan3A_304 = arith.constant 1 : i32
    scf.for %scan3A_781 = %scan3A to %scan3A_303 step %scan3A_304  : i32 {
      %mul3A_782 = arith.constant 4 : i32
      %mul3A_783 = arith.muli %scan3A_781, %mul3A_782 : i32
      %add3A_784 = arith.constant 0 : i32
      %add3A_785 = arith.addi %add3A_784, %mul3A_783 : i32
      %add3A_786 = arith.constant 0 : i32
      %add3A_787 = arith.addi %add3A_785, %add3A_786 : i32
      %dma_wait3A_788 = arith.constant 0 : i32
      %dma_wait3A_789 = arith.constant 0 : i32
      %dma_wait3A_790 = arith.constant 0 : i32
      %dma_wait3A_791 = arith.constant 0 : i32
      %dma_wait3A_792 = tpu.memref_slice %arg6[%dma_wait3A_788, %dma_wait3A_790, %dma_wait3A_791] : memref<4x200x64xf32, #tpu.memory_space<vmem>> -> memref<1x40x64xf32, #tpu.memory_space<vmem>>
      %dma_wait3A_793 = tpu.memref_squeeze %dma_wait3A_792 : memref<1x40x64xf32, #tpu.memory_space<vmem>> -> memref<40x64xf32, #tpu.memory_space<vmem>>
      %dma_wait3A_794 = arith.constant 0 : i32
      %dma_wait3A_795 = tpu.memref_slice %arg5[%add3A_787, %dma_wait3A_794] : memref<128x200xi32, #tpu.memory_space<vmem>> -> memref<1x40xi32, #tpu.memory_space<vmem>>
      %dma_wait3A_796 = tpu.memref_squeeze %dma_wait3A_795 : memref<1x40xi32, #tpu.memory_space<vmem>> -> memref<40xi32, #tpu.memory_space<vmem>>
      %dma_wait3A_797 = arith.constant 0 : i32
      %dma_wait3A_798 = arith.constant 0 : i32
      %dma_wait3A_799 = tpu.memref_slice %arg3[%dma_wait3A_797, %dma_wait3A_798] : memref<1000000x64xf32, #tpu.memory_space<hbm>> -> memref<1000000x64xf32, #tpu.memory_space<hbm>>
      %dma_wait3A_800 = tpu.memref_slice %arg7[%dma_wait3A_789] : memref<4x!tpu.dma_semaphore, #tpu.memory_space<semaphore_mem>> -> memref<1x!tpu.dma_semaphore, #tpu.memory_space<semaphore_mem>>
      %dma_wait3A_801 = tpu.memref_squeeze %dma_wait3A_800 : memref<1x!tpu.dma_semaphore, #tpu.memory_space<semaphore_mem>> -> memref<!tpu.dma_semaphore, #tpu.memory_space<semaphore_mem>>
      tpu.wait_indirect_dma semaphore(%dma_wait3A_801 : memref<!tpu.dma_semaphore, #tpu.memory_space<semaphore_mem>>) src(%dma_wait3A_799 : memref<1000000x64xf32, #tpu.memory_space<hbm>>) dst(%dma_wait3A_793 : memref<40x64xf32, #tpu.memory_space<vmem>>)
      %dma_wait3A_802 = arith.constant 0 : i32
      %dma_wait3A_803 = arith.constant 0 : i32
      %dma_wait3A_804 = arith.constant 40 : i32
      %dma_wait3A_805 = arith.constant 0 : i32
      %dma_wait3A_806 = tpu.memref_slice %arg6[%dma_wait3A_802, %dma_wait3A_804, %dma_wait3A_805] : memref<4x200x64xf32, #tpu.memory_space<vmem>> -> memref<1x40x64xf32, #tpu.memory_space<vmem>>
      %dma_wait3A_807 = tpu.memref_squeeze %dma_wait3A_806 : memref<1x40x64xf32, #tpu.memory_space<vmem>> -> memref<40x64xf32, #tpu.memory_space<vmem>>
      %dma_wait3A_808 = arith.constant 40 : i32
      %dma_wait3A_809 = tpu.memref_slice %arg5[%add3A_787, %dma_wait3A_808] : memref<128x200xi32, #tpu.memory_space<vmem>> -> memref<1x40xi32, #tpu.memory_space<vmem>>
      %dma_wait3A_810 = tpu.memref_squeeze %dma_wait3A_809 : memref<1x40xi32, #tpu.memory_space<vmem>> -> memref<40xi32, #tpu.memory_space<vmem>>
      %dma_wait3A_811 = arith.constant 0 : i32
      %dma_wait3A_812 = arith.constant 0 : i32
      %dma_wait3A_813 = tpu.memref_slice %arg3[%dma_wait3A_811, %dma_wait3A_812] : memref<1000000x64xf32, #tpu.memory_space<hbm>> -> memref<1000000x64xf32, #tpu.memory_space<hbm>>
      %dma_wait3A_814 = tpu.memref_slice %arg7[%dma_wait3A_803] : memref<4x!tpu.dma_semaphore, #tpu.memory_space<semaphore_mem>> -> memref<1x!tpu.dma_semaphore, #tpu.memory_space<semaphore_mem>>
      %dma_wait3A_815 = tpu.memref_squeeze %dma_wait3A_814 : memref<1x!tpu.dma_semaphore, #tpu.memory_space<semaphore_mem>> -> memref<!tpu.dma_semaphore, #tpu.memory_space<semaphore_mem>>
      tpu.wait_indirect_dma semaphore(%dma_wait3A_815 : memref<!tpu.dma_semaphore, #tpu.memory_space<semaphore_mem>>) src(%dma_wait3A_813 : memref<1000000x64xf32, #tpu.memory_space<hbm>>) dst(%dma_wait3A_807 : memref<40x64xf32, #tpu.memory_space<vmem>>)
      %dma_wait3A_816 = arith.constant 0 : i32
      %dma_wait3A_817 = arith.constant 0 : i32
      %dma_wait3A_818 = arith.constant 80 : i32
      %dma_wait3A_819 = arith.constant 0 : i32
      %dma_wait3A_820 = tpu.memref_slice %arg6[%dma_wait3A_816, %dma_wait3A_818, %dma_wait3A_819] : memref<4x200x64xf32, #tpu.memory_space<vmem>> -> memref<1x40x64xf32, #tpu.memory_space<vmem>>
      %dma_wait3A_821 = tpu.memref_squeeze %dma_wait3A_820 : memref<1x40x64xf32, #tpu.memory_space<vmem>> -> memref<40x64xf32, #tpu.memory_space<vmem>>
      %dma_wait3A_822 = arith.constant 80 : i32
      %dma_wait3A_823 = tpu.memref_slice %arg5[%add3A_787, %dma_wait3A_822] : memref<128x200xi32, #tpu.memory_space<vmem>> -> memref<1x40xi32, #tpu.memory_space<vmem>>
      %dma_wait3A_824 = tpu.memref_squeeze %dma_wait3A_823 : memref<1x40xi32, #tpu.memory_space<vmem>> -> memref<40xi32, #tpu.memory_space<vmem>>
      %dma_wait3A_825 = arith.constant 0 : i32
      %dma_wait3A_826 = arith.constant 0 : i32
      %dma_wait3A_827 = tpu.memref_slice %arg3[%dma_wait3A_825, %dma_wait3A_826] : memref<1000000x64xf32, #tpu.memory_space<hbm>> -> memref<1000000x64xf32, #tpu.memory_space<hbm>>
      %dma_wait3A_828 = tpu.memref_slice %arg7[%dma_wait3A_817] : memref<4x!tpu.dma_semaphore, #tpu.memory_space<semaphore_mem>> -> memref<1x!tpu.dma_semaphore, #tpu.memory_space<semaphore_mem>>
      %dma_wait3A_829 = tpu.memref_squeeze %dma_wait3A_828 : memref<1x!tpu.dma_semaphore, #tpu.memory_space<semaphore_mem>> -> memref<!tpu.dma_semaphore, #tpu.memory_space<semaphore_mem>>
      tpu.wait_indirect_dma semaphore(%dma_wait3A_829 : memref<!tpu.dma_semaphore, #tpu.memory_space<semaphore_mem>>) src(%dma_wait3A_827 : memref<1000000x64xf32, #tpu.memory_space<hbm>>) dst(%dma_wait3A_821 : memref<40x64xf32, #tpu.memory_space<vmem>>)
      %dma_wait3A_830 = arith.constant 0 : i32
      %dma_wait3A_831 = arith.constant 0 : i32
      %dma_wait3A_832 = arith.constant 120 : i32
      %dma_wait3A_833 = arith.constant 0 : i32
      %dma_wait3A_834 = tpu.memref_slice %arg6[%dma_wait3A_830, %dma_wait3A_832, %dma_wait3A_833] : memref<4x200x64xf32, #tpu.memory_space<vmem>> -> memref<1x40x64xf32, #tpu.memory_space<vmem>>
      %dma_wait3A_835 = tpu.memref_squeeze %dma_wait3A_834 : memref<1x40x64xf32, #tpu.memory_space<vmem>> -> memref<40x64xf32, #tpu.memory_space<vmem>>
      %dma_wait3A_836 = arith.constant 120 : i32
      %dma_wait3A_837 = tpu.memref_slice %arg5[%add3A_787, %dma_wait3A_836] : memref<128x200xi32, #tpu.memory_space<vmem>> -> memref<1x40xi32, #tpu.memory_space<vmem>>
      %dma_wait3A_838 = tpu.memref_squeeze %dma_wait3A_837 : memref<1x40xi32, #tpu.memory_space<vmem>> -> memref<40xi32, #tpu.memory_space<vmem>>
      %dma_wait3A_839 = arith.constant 0 : i32
      %dma_wait3A_840 = arith.constant 0 : i32
      %dma_wait3A_841 = tpu.memref_slice %arg3[%dma_wait3A_839, %dma_wait3A_840] : memref<1000000x64xf32, #tpu.memory_space<hbm>> -> memref<1000000x64xf32, #tpu.memory_space<hbm>>
      %dma_wait3A_842 = tpu.memref_slice %arg7[%dma_wait3A_831] : memref<4x!tpu.dma_semaphore, #tpu.memory_space<semaphore_mem>> -> memref<1x!tpu.dma_semaphore, #tpu.memory_space<semaphore_mem>>
      %dma_wait3A_843 = tpu.memref_squeeze %dma_wait3A_842 : memref<1x!tpu.dma_semaphore, #tpu.memory_space<semaphore_mem>> -> memref<!tpu.dma_semaphore, #tpu.memory_space<semaphore_mem>>
      tpu.wait_indirect_dma semaphore(%dma_wait3A_843 : memref<!tpu.dma_semaphore, #tpu.memory_space<semaphore_mem>>) src(%dma_wait3A_841 : memref<1000000x64xf32, #tpu.memory_space<hbm>>) dst(%dma_wait3A_835 : memref<40x64xf32, #tpu.memory_space<vmem>>)
      %dma_wait3A_844 = arith.constant 0 : i32
      %dma_wait3A_845 = arith.constant 0 : i32
      %dma_wait3A_846 = arith.constant 160 : i32
      %dma_wait3A_847 = arith.constant 0 : i32
      %dma_wait3A_848 = tpu.memref_slice %arg6[%dma_wait3A_844, %dma_wait3A_846, %dma_wait3A_847] : memref<4x200x64xf32, #tpu.memory_space<vmem>> -> memref<1x40x64xf32, #tpu.memory_space<vmem>>
      %dma_wait3A_849 = tpu.memref_squeeze %dma_wait3A_848 : memref<1x40x64xf32, #tpu.memory_space<vmem>> -> memref<40x64xf32, #tpu.memory_space<vmem>>
      %dma_wait3A_850 = arith.constant 160 : i32
      %dma_wait3A_851 = tpu.memref_slice %arg5[%add3A_787, %dma_wait3A_850] : memref<128x200xi32, #tpu.memory_space<vmem>> -> memref<1x40xi32, #tpu.memory_space<vmem>>
      %dma_wait3A_852 = tpu.memref_squeeze %dma_wait3A_851 : memref<1x40xi32, #tpu.memory_space<vmem>> -> memref<40xi32, #tpu.memory_space<vmem>>
      %dma_wait3A_853 = arith.constant 0 : i32
      %dma_wait3A_854 = arith.constant 0 : i32
      %dma_wait3A_855 = tpu.memref_slice %arg3[%dma_wait3A_853, %dma_wait3A_854] : memref<1000000x64xf32, #tpu.memory_space<hbm>> -> memref<1000000x64xf32, #tpu.memory_space<hbm>>
      %dma_wait3A_856 = tpu.memref_slice %arg7[%dma_wait3A_845] : memref<4x!tpu.dma_semaphore, #tpu.memory_space<semaphore_mem>> -> memref<1x!tpu.dma_semaphore, #tpu.memory_space<semaphore_mem>>
      %dma_wait3A_857 = tpu.memref_squeeze %dma_wait3A_856 : memref<1x!tpu.dma_semaphore, #tpu.memory_space<semaphore_mem>> -> memref<!tpu.dma_semaphore, #tpu.memory_space<semaphore_mem>>
      tpu.wait_indirect_dma semaphore(%dma_wait3A_857 : memref<!tpu.dma_semaphore, #tpu.memory_space<semaphore_mem>>) src(%dma_wait3A_855 : memref<1000000x64xf32, #tpu.memory_space<hbm>>) dst(%dma_wait3A_849 : memref<40x64xf32, #tpu.memory_space<vmem>>)
      %add3A_858 = arith.constant 0 : i32
      %add3A_859 = arith.addi %add3A_785, %add3A_858 : i32
      %add3A_860 = arith.addi %mul3A_2, %add3A_859 : i32
      %dma_start3A_861 = arith.constant 0 : i32
      %dma_start3A_862 = arith.constant 0 : i32
      %dma_start3A_863 = arith.constant 0 : i32
      %dma_start3A_864 = arith.constant 0 : i32
      %dma_start3A_865 = tpu.memref_slice %arg6[%dma_start3A_861, %dma_start3A_863, %dma_start3A_864] : memref<4x200x64xf32, #tpu.memory_space<vmem>> -> memref<1x200x64xf32, #tpu.memory_space<vmem>>
      %dma_start3A_866 = tpu.memref_squeeze %dma_start3A_865 : memref<1x200x64xf32, #tpu.memory_space<vmem>> -> memref<200x64xf32, #tpu.memory_space<vmem>>
      %dma_start3A_867 = arith.constant 0 : i32
      %dma_start3A_868 = arith.constant 0 : i32
      %dma_start3A_869 = tpu.memref_slice %arg4[%add3A_860, %dma_start3A_867, %dma_start3A_868] : memref<4096x200x128xf32, #tpu.memory_space<hbm>> -> memref<1x200x64xf32, #tpu.memory_space<hbm>>
      %dma_start3A_870 = tpu.memref_squeeze %dma_start3A_869 : memref<1x200x64xf32, #tpu.memory_space<hbm>> -> memref<200x64xf32, #tpu.memory_space<hbm>>
      %dma_start3A_871 = tpu.memref_slice %arg8[%dma_start3A_862] : memref<4x!tpu.dma_semaphore, #tpu.memory_space<semaphore_mem>> -> memref<1x!tpu.dma_semaphore, #tpu.memory_space<semaphore_mem>>
      %dma_start3A_872 = tpu.memref_squeeze %dma_start3A_871 : memref<1x!tpu.dma_semaphore, #tpu.memory_space<semaphore_mem>> -> memref<!tpu.dma_semaphore, #tpu.memory_space<semaphore_mem>>
      %dma_start3A_873 = arith.constant 0 : i32
      %dma_start3A_874 = arith.constant 0 : i32
      %dma_start3A_875 = tpu.memref_slice %arg4[%add3A_860, %dma_start3A_873, %dma_start3A_874] : memref<4096x200x128xf32, #tpu.memory_space<hbm>> -> memref<1x200x64xf32, #tpu.memory_space<hbm>>
      %dma_start3A_876 = tpu.memref_squeeze %dma_start3A_875 : memref<1x200x64xf32, #tpu.memory_space<hbm>> -> memref<200x64xf32, #tpu.memory_space<hbm>>
      %dma_start3A_877 = arith.constant 0 : i32
      %dma_start3A_878 = arith.constant 0 : i32
      %dma_start3A_879 = tpu.memref_slice %arg6[%dma_start3A_861, %dma_start3A_877, %dma_start3A_878] : memref<4x200x64xf32, #tpu.memory_space<vmem>> -> memref<1x200x64xf32, #tpu.memory_space<vmem>>
      %dma_start3A_880 = tpu.memref_squeeze %dma_start3A_879 : memref<1x200x64xf32, #tpu.memory_space<vmem>> -> memref<200x64xf32, #tpu.memory_space<vmem>>
      tpu.enqueue_dma source(%dma_start3A_880 : memref<200x64xf32, #tpu.memory_space<vmem>>) target(%dma_start3A_876 : memref<200x64xf32, #tpu.memory_space<hbm>>) target_semaphore(%dma_start3A_872 : memref<!tpu.dma_semaphore, #tpu.memory_space<semaphore_mem>>)
      %add3A_881 = arith.constant 1 : i32
      %add3A_882 = arith.addi %add3A_785, %add3A_881 : i32
      %dma_wait3A_883 = arith.constant 1 : i32
      %dma_wait3A_884 = arith.constant 1 : i32
      %dma_wait3A_885 = arith.constant 0 : i32
      %dma_wait3A_886 = arith.constant 0 : i32
      %dma_wait3A_887 = tpu.memref_slice %arg6[%dma_wait3A_883, %dma_wait3A_885, %dma_wait3A_886] : memref<4x200x64xf32, #tpu.memory_space<vmem>> -> memref<1x40x64xf32, #tpu.memory_space<vmem>>
      %dma_wait3A_888 = tpu.memref_squeeze %dma_wait3A_887 : memref<1x40x64xf32, #tpu.memory_space<vmem>> -> memref<40x64xf32, #tpu.memory_space<vmem>>
      %dma_wait3A_889 = arith.constant 0 : i32
      %dma_wait3A_890 = tpu.memref_slice %arg5[%add3A_882, %dma_wait3A_889] : memref<128x200xi32, #tpu.memory_space<vmem>> -> memref<1x40xi32, #tpu.memory_space<vmem>>
      %dma_wait3A_891 = tpu.memref_squeeze %dma_wait3A_890 : memref<1x40xi32, #tpu.memory_space<vmem>> -> memref<40xi32, #tpu.memory_space<vmem>>
      %dma_wait3A_892 = arith.constant 0 : i32
      %dma_wait3A_893 = arith.constant 0 : i32
      %dma_wait3A_894 = tpu.memref_slice %arg3[%dma_wait3A_892, %dma_wait3A_893] : memref<1000000x64xf32, #tpu.memory_space<hbm>> -> memref<1000000x64xf32, #tpu.memory_space<hbm>>
      %dma_wait3A_895 = tpu.memref_slice %arg7[%dma_wait3A_884] : memref<4x!tpu.dma_semaphore, #tpu.memory_space<semaphore_mem>> -> memref<1x!tpu.dma_semaphore, #tpu.memory_space<semaphore_mem>>
      %dma_wait3A_896 = tpu.memref_squeeze %dma_wait3A_895 : memref<1x!tpu.dma_semaphore, #tpu.memory_space<semaphore_mem>> -> memref<!tpu.dma_semaphore, #tpu.memory_space<semaphore_mem>>
      tpu.wait_indirect_dma semaphore(%dma_wait3A_896 : memref<!tpu.dma_semaphore, #tpu.memory_space<semaphore_mem>>) src(%dma_wait3A_894 : memref<1000000x64xf32, #tpu.memory_space<hbm>>) dst(%dma_wait3A_888 : memref<40x64xf32, #tpu.memory_space<vmem>>)
      %dma_wait3A_897 = arith.constant 1 : i32
      %dma_wait3A_898 = arith.constant 1 : i32
      %dma_wait3A_899 = arith.constant 40 : i32
      %dma_wait3A_900 = arith.constant 0 : i32
      %dma_wait3A_901 = tpu.memref_slice %arg6[%dma_wait3A_897, %dma_wait3A_899, %dma_wait3A_900] : memref<4x200x64xf32, #tpu.memory_space<vmem>> -> memref<1x40x64xf32, #tpu.memory_space<vmem>>
      %dma_wait3A_902 = tpu.memref_squeeze %dma_wait3A_901 : memref<1x40x64xf32, #tpu.memory_space<vmem>> -> memref<40x64xf32, #tpu.memory_space<vmem>>
      %dma_wait3A_903 = arith.constant 40 : i32
      %dma_wait3A_904 = tpu.memref_slice %arg5[%add3A_882, %dma_wait3A_903] : memref<128x200xi32, #tpu.memory_space<vmem>> -> memref<1x40xi32, #tpu.memory_space<vmem>>
      %dma_wait3A_905 = tpu.memref_squeeze %dma_wait3A_904 : memref<1x40xi32, #tpu.memory_space<vmem>> -> memref<40xi32, #tpu.memory_space<vmem>>
      %dma_wait3A_906 = arith.constant 0 : i32
      %dma_wait3A_907 = arith.constant 0 : i32
      %dma_wait3A_908 = tpu.memref_slice %arg3[%dma_wait3A_906, %dma_wait3A_907] : memref<1000000x64xf32, #tpu.memory_space<hbm>> -> memref<1000000x64xf32, #tpu.memory_space<hbm>>
      %dma_wait3A_909 = tpu.memref_slice %arg7[%dma_wait3A_898] : memref<4x!tpu.dma_semaphore, #tpu.memory_space<semaphore_mem>> -> memref<1x!tpu.dma_semaphore, #tpu.memory_space<semaphore_mem>>
      %dma_wait3A_910 = tpu.memref_squeeze %dma_wait3A_909 : memref<1x!tpu.dma_semaphore, #tpu.memory_space<semaphore_mem>> -> memref<!tpu.dma_semaphore, #tpu.memory_space<semaphore_mem>>
      tpu.wait_indirect_dma semaphore(%dma_wait3A_910 : memref<!tpu.dma_semaphore, #tpu.memory_space<semaphore_mem>>) src(%dma_wait3A_908 : memref<1000000x64xf32, #tpu.memory_space<hbm>>) dst(%dma_wait3A_902 : memref<40x64xf32, #tpu.memory_space<vmem>>)
      %dma_wait3A_911 = arith.constant 1 : i32
      %dma_wait3A_912 = arith.constant 1 : i32
      %dma_wait3A_913 = arith.constant 80 : i32
      %dma_wait3A_914 = arith.constant 0 : i32
      %dma_wait3A_915 = tpu.memref_slice %arg6[%dma_wait3A_911, %dma_wait3A_913, %dma_wait3A_914] : memref<4x200x64xf32, #tpu.memory_space<vmem>> -> memref<1x40x64xf32, #tpu.memory_space<vmem>>
      %dma_wait3A_916 = tpu.memref_squeeze %dma_wait3A_915 : memref<1x40x64xf32, #tpu.memory_space<vmem>> -> memref<40x64xf32, #tpu.memory_space<vmem>>
      %dma_wait3A_917 = arith.constant 80 : i32
      %dma_wait3A_918 = tpu.memref_slice %arg5[%add3A_882, %dma_wait3A_917] : memref<128x200xi32, #tpu.memory_space<vmem>> -> memref<1x40xi32, #tpu.memory_space<vmem>>
      %dma_wait3A_919 = tpu.memref_squeeze %dma_wait3A_918 : memref<1x40xi32, #tpu.memory_space<vmem>> -> memref<40xi32, #tpu.memory_space<vmem>>
      %dma_wait3A_920 = arith.constant 0 : i32
      %dma_wait3A_921 = arith.constant 0 : i32
      %dma_wait3A_922 = tpu.memref_slice %arg3[%dma_wait3A_920, %dma_wait3A_921] : memref<1000000x64xf32, #tpu.memory_space<hbm>> -> memref<1000000x64xf32, #tpu.memory_space<hbm>>
      %dma_wait3A_923 = tpu.memref_slice %arg7[%dma_wait3A_912] : memref<4x!tpu.dma_semaphore, #tpu.memory_space<semaphore_mem>> -> memref<1x!tpu.dma_semaphore, #tpu.memory_space<semaphore_mem>>
      %dma_wait3A_924 = tpu.memref_squeeze %dma_wait3A_923 : memref<1x!tpu.dma_semaphore, #tpu.memory_space<semaphore_mem>> -> memref<!tpu.dma_semaphore, #tpu.memory_space<semaphore_mem>>
      tpu.wait_indirect_dma semaphore(%dma_wait3A_924 : memref<!tpu.dma_semaphore, #tpu.memory_space<semaphore_mem>>) src(%dma_wait3A_922 : memref<1000000x64xf32, #tpu.memory_space<hbm>>) dst(%dma_wait3A_916 : memref<40x64xf32, #tpu.memory_space<vmem>>)
      %dma_wait3A_925 = arith.constant 1 : i32
      %dma_wait3A_926 = arith.constant 1 : i32
      %dma_wait3A_927 = arith.constant 120 : i32
      %dma_wait3A_928 = arith.constant 0 : i32
      %dma_wait3A_929 = tpu.memref_slice %arg6[%dma_wait3A_925, %dma_wait3A_927, %dma_wait3A_928] : memref<4x200x64xf32, #tpu.memory_space<vmem>> -> memref<1x40x64xf32, #tpu.memory_space<vmem>>
      %dma_wait3A_930 = tpu.memref_squeeze %dma_wait3A_929 : memref<1x40x64xf32, #tpu.memory_space<vmem>> -> memref<40x64xf32, #tpu.memory_space<vmem>>
      %dma_wait3A_931 = arith.constant 120 : i32
      %dma_wait3A_932 = tpu.memref_slice %arg5[%add3A_882, %dma_wait3A_931] : memref<128x200xi32, #tpu.memory_space<vmem>> -> memref<1x40xi32, #tpu.memory_space<vmem>>
      %dma_wait3A_933 = tpu.memref_squeeze %dma_wait3A_932 : memref<1x40xi32, #tpu.memory_space<vmem>> -> memref<40xi32, #tpu.memory_space<vmem>>
      %dma_wait3A_934 = arith.constant 0 : i32
      %dma_wait3A_935 = arith.constant 0 : i32
      %dma_wait3A_936 = tpu.memref_slice %arg3[%dma_wait3A_934, %dma_wait3A_935] : memref<1000000x64xf32, #tpu.memory_space<hbm>> -> memref<1000000x64xf32, #tpu.memory_space<hbm>>
      %dma_wait3A_937 = tpu.memref_slice %arg7[%dma_wait3A_926] : memref<4x!tpu.dma_semaphore, #tpu.memory_space<semaphore_mem>> -> memref<1x!tpu.dma_semaphore, #tpu.memory_space<semaphore_mem>>
      %dma_wait3A_938 = tpu.memref_squeeze %dma_wait3A_937 : memref<1x!tpu.dma_semaphore, #tpu.memory_space<semaphore_mem>> -> memref<!tpu.dma_semaphore, #tpu.memory_space<semaphore_mem>>
      tpu.wait_indirect_dma semaphore(%dma_wait3A_938 : memref<!tpu.dma_semaphore, #tpu.memory_space<semaphore_mem>>) src(%dma_wait3A_936 : memref<1000000x64xf32, #tpu.memory_space<hbm>>) dst(%dma_wait3A_930 : memref<40x64xf32, #tpu.memory_space<vmem>>)
      %dma_wait3A_939 = arith.constant 1 : i32
      %dma_wait3A_940 = arith.constant 1 : i32
      %dma_wait3A_941 = arith.constant 160 : i32
      %dma_wait3A_942 = arith.constant 0 : i32
      %dma_wait3A_943 = tpu.memref_slice %arg6[%dma_wait3A_939, %dma_wait3A_941, %dma_wait3A_942] : memref<4x200x64xf32, #tpu.memory_space<vmem>> -> memref<1x40x64xf32, #tpu.memory_space<vmem>>
      %dma_wait3A_944 = tpu.memref_squeeze %dma_wait3A_943 : memref<1x40x64xf32, #tpu.memory_space<vmem>> -> memref<40x64xf32, #tpu.memory_space<vmem>>
      %dma_wait3A_945 = arith.constant 160 : i32
      %dma_wait3A_946 = tpu.memref_slice %arg5[%add3A_882, %dma_wait3A_945] : memref<128x200xi32, #tpu.memory_space<vmem>> -> memref<1x40xi32, #tpu.memory_space<vmem>>
      %dma_wait3A_947 = tpu.memref_squeeze %dma_wait3A_946 : memref<1x40xi32, #tpu.memory_space<vmem>> -> memref<40xi32, #tpu.memory_space<vmem>>
      %dma_wait3A_948 = arith.constant 0 : i32
      %dma_wait3A_949 = arith.constant 0 : i32
      %dma_wait3A_950 = tpu.memref_slice %arg3[%dma_wait3A_948, %dma_wait3A_949] : memref<1000000x64xf32, #tpu.memory_space<hbm>> -> memref<1000000x64xf32, #tpu.memory_space<hbm>>
      %dma_wait3A_951 = tpu.memref_slice %arg7[%dma_wait3A_940] : memref<4x!tpu.dma_semaphore, #tpu.memory_space<semaphore_mem>> -> memref<1x!tpu.dma_semaphore, #tpu.memory_space<semaphore_mem>>
      %dma_wait3A_952 = tpu.memref_squeeze %dma_wait3A_951 : memref<1x!tpu.dma_semaphore, #tpu.memory_space<semaphore_mem>> -> memref<!tpu.dma_semaphore, #tpu.memory_space<semaphore_mem>>
      tpu.wait_indirect_dma semaphore(%dma_wait3A_952 : memref<!tpu.dma_semaphore, #tpu.memory_space<semaphore_mem>>) src(%dma_wait3A_950 : memref<1000000x64xf32, #tpu.memory_space<hbm>>) dst(%dma_wait3A_944 : memref<40x64xf32, #tpu.memory_space<vmem>>)
      %add3A_953 = arith.constant 1 : i32
      %add3A_954 = arith.addi %add3A_785, %add3A_953 : i32
      %add3A_955 = arith.addi %mul3A_2, %add3A_954 : i32
      %dma_start3A_956 = arith.constant 1 : i32
      %dma_start3A_957 = arith.constant 1 : i32
      %dma_start3A_958 = arith.constant 0 : i32
      %dma_start3A_959 = arith.constant 0 : i32
      %dma_start3A_960 = tpu.memref_slice %arg6[%dma_start3A_956, %dma_start3A_958, %dma_start3A_959] : memref<4x200x64xf32, #tpu.memory_space<vmem>> -> memref<1x200x64xf32, #tpu.memory_space<vmem>>
      %dma_start3A_961 = tpu.memref_squeeze %dma_start3A_960 : memref<1x200x64xf32, #tpu.memory_space<vmem>> -> memref<200x64xf32, #tpu.memory_space<vmem>>
      %dma_start3A_962 = arith.constant 0 : i32
      %dma_start3A_963 = arith.constant 0 : i32
      %dma_start3A_964 = tpu.memref_slice %arg4[%add3A_955, %dma_start3A_962, %dma_start3A_963] : memref<4096x200x128xf32, #tpu.memory_space<hbm>> -> memref<1x200x64xf32, #tpu.memory_space<hbm>>
      %dma_start3A_965 = tpu.memref_squeeze %dma_start3A_964 : memref<1x200x64xf32, #tpu.memory_space<hbm>> -> memref<200x64xf32, #tpu.memory_space<hbm>>
      %dma_start3A_966 = tpu.memref_slice %arg8[%dma_start3A_957] : memref<4x!tpu.dma_semaphore, #tpu.memory_space<semaphore_mem>> -> memref<1x!tpu.dma_semaphore, #tpu.memory_space<semaphore_mem>>
      %dma_start3A_967 = tpu.memref_squeeze %dma_start3A_966 : memref<1x!tpu.dma_semaphore, #tpu.memory_space<semaphore_mem>> -> memref<!tpu.dma_semaphore, #tpu.memory_space<semaphore_mem>>
      %dma_start3A_968 = arith.constant 0 : i32
      %dma_start3A_969 = arith.constant 0 : i32
      %dma_start3A_970 = tpu.memref_slice %arg4[%add3A_955, %dma_start3A_968, %dma_start3A_969] : memref<4096x200x128xf32, #tpu.memory_space<hbm>> -> memref<1x200x64xf32, #tpu.memory_space<hbm>>
      %dma_start3A_971 = tpu.memref_squeeze %dma_start3A_970 : memref<1x200x64xf32, #tpu.memory_space<hbm>> -> memref<200x64xf32, #tpu.memory_space<hbm>>
      %dma_start3A_972 = arith.constant 0 : i32
      %dma_start3A_973 = arith.constant 0 : i32
      %dma_start3A_974 = tpu.memref_slice %arg6[%dma_start3A_956, %dma_start3A_972, %dma_start3A_973] : memref<4x200x64xf32, #tpu.memory_space<vmem>> -> memref<1x200x64xf32, #tpu.memory_space<vmem>>
      %dma_start3A_975 = tpu.memref_squeeze %dma_start3A_974 : memref<1x200x64xf32, #tpu.memory_space<vmem>> -> memref<200x64xf32, #tpu.memory_space<vmem>>
      tpu.enqueue_dma source(%dma_start3A_975 : memref<200x64xf32, #tpu.memory_space<vmem>>) target(%dma_start3A_971 : memref<200x64xf32, #tpu.memory_space<hbm>>) target_semaphore(%dma_start3A_967 : memref<!tpu.dma_semaphore, #tpu.memory_space<semaphore_mem>>)
      %add3A_976 = arith.constant 2 : i32
      %add3A_977 = arith.addi %add3A_785, %add3A_976 : i32
      %dma_wait3A_978 = arith.constant 2 : i32
      %dma_wait3A_979 = arith.constant 2 : i32
      %dma_wait3A_980 = arith.constant 0 : i32
      %dma_wait3A_981 = arith.constant 0 : i32
      %dma_wait3A_982 = tpu.memref_slice %arg6[%dma_wait3A_978, %dma_wait3A_980, %dma_wait3A_981] : memref<4x200x64xf32, #tpu.memory_space<vmem>> -> memref<1x40x64xf32, #tpu.memory_space<vmem>>
      %dma_wait3A_983 = tpu.memref_squeeze %dma_wait3A_982 : memref<1x40x64xf32, #tpu.memory_space<vmem>> -> memref<40x64xf32, #tpu.memory_space<vmem>>
      %dma_wait3A_984 = arith.constant 0 : i32
      %dma_wait3A_985 = tpu.memref_slice %arg5[%add3A_977, %dma_wait3A_984] : memref<128x200xi32, #tpu.memory_space<vmem>> -> memref<1x40xi32, #tpu.memory_space<vmem>>
      %dma_wait3A_986 = tpu.memref_squeeze %dma_wait3A_985 : memref<1x40xi32, #tpu.memory_space<vmem>> -> memref<40xi32, #tpu.memory_space<vmem>>
      %dma_wait3A_987 = arith.constant 0 : i32
      %dma_wait3A_988 = arith.constant 0 : i32
      %dma_wait3A_989 = tpu.memref_slice %arg3[%dma_wait3A_987, %dma_wait3A_988] : memref<1000000x64xf32, #tpu.memory_space<hbm>> -> memref<1000000x64xf32, #tpu.memory_space<hbm>>
      %dma_wait3A_990 = tpu.memref_slice %arg7[%dma_wait3A_979] : memref<4x!tpu.dma_semaphore, #tpu.memory_space<semaphore_mem>> -> memref<1x!tpu.dma_semaphore, #tpu.memory_space<semaphore_mem>>
      %dma_wait3A_991 = tpu.memref_squeeze %dma_wait3A_990 : memref<1x!tpu.dma_semaphore, #tpu.memory_space<semaphore_mem>> -> memref<!tpu.dma_semaphore, #tpu.memory_space<semaphore_mem>>
      tpu.wait_indirect_dma semaphore(%dma_wait3A_991 : memref<!tpu.dma_semaphore, #tpu.memory_space<semaphore_mem>>) src(%dma_wait3A_989 : memref<1000000x64xf32, #tpu.memory_space<hbm>>) dst(%dma_wait3A_983 : memref<40x64xf32, #tpu.memory_space<vmem>>)
      %dma_wait3A_992 = arith.constant 2 : i32
      %dma_wait3A_993 = arith.constant 2 : i32
      %dma_wait3A_994 = arith.constant 40 : i32
      %dma_wait3A_995 = arith.constant 0 : i32
      %dma_wait3A_996 = tpu.memref_slice %arg6[%dma_wait3A_992, %dma_wait3A_994, %dma_wait3A_995] : memref<4x200x64xf32, #tpu.memory_space<vmem>> -> memref<1x40x64xf32, #tpu.memory_space<vmem>>
      %dma_wait3A_997 = tpu.memref_squeeze %dma_wait3A_996 : memref<1x40x64xf32, #tpu.memory_space<vmem>> -> memref<40x64xf32, #tpu.memory_space<vmem>>
      %dma_wait3A_998 = arith.constant 40 : i32
      %dma_wait3A_999 = tpu.memref_slice %arg5[%add3A_977, %dma_wait3A_998] : memref<128x200xi32, #tpu.memory_space<vmem>> -> memref<1x40xi32, #tpu.memory_space<vmem>>
      %dma_wait3A_1000 = tpu.memref_squeeze %dma_wait3A_999 : memref<1x40xi32, #tpu.memory_space<vmem>> -> memref<40xi32, #tpu.memory_space<vmem>>
      %dma_wait3A_1001 = arith.constant 0 : i32
      %dma_wait3A_1002 = arith.constant 0 : i32
      %dma_wait3A_1003 = tpu.memref_slice %arg3[%dma_wait3A_1001, %dma_wait3A_1002] : memref<1000000x64xf32, #tpu.memory_space<hbm>> -> memref<1000000x64xf32, #tpu.memory_space<hbm>>
      %dma_wait3A_1004 = tpu.memref_slice %arg7[%dma_wait3A_993] : memref<4x!tpu.dma_semaphore, #tpu.memory_space<semaphore_mem>> -> memref<1x!tpu.dma_semaphore, #tpu.memory_space<semaphore_mem>>
      %dma_wait3A_1005 = tpu.memref_squeeze %dma_wait3A_1004 : memref<1x!tpu.dma_semaphore, #tpu.memory_space<semaphore_mem>> -> memref<!tpu.dma_semaphore, #tpu.memory_space<semaphore_mem>>
      tpu.wait_indirect_dma semaphore(%dma_wait3A_1005 : memref<!tpu.dma_semaphore, #tpu.memory_space<semaphore_mem>>) src(%dma_wait3A_1003 : memref<1000000x64xf32, #tpu.memory_space<hbm>>) dst(%dma_wait3A_997 : memref<40x64xf32, #tpu.memory_space<vmem>>)
      %dma_wait3A_1006 = arith.constant 2 : i32
      %dma_wait3A_1007 = arith.constant 2 : i32
      %dma_wait3A_1008 = arith.constant 80 : i32
      %dma_wait3A_1009 = arith.constant 0 : i32
      %dma_wait3A_1010 = tpu.memref_slice %arg6[%dma_wait3A_1006, %dma_wait3A_1008, %dma_wait3A_1009] : memref<4x200x64xf32, #tpu.memory_space<vmem>> -> memref<1x40x64xf32, #tpu.memory_space<vmem>>
      %dma_wait3A_1011 = tpu.memref_squeeze %dma_wait3A_1010 : memref<1x40x64xf32, #tpu.memory_space<vmem>> -> memref<40x64xf32, #tpu.memory_space<vmem>>
      %dma_wait3A_1012 = arith.constant 80 : i32
      %dma_wait3A_1013 = tpu.memref_slice %arg5[%add3A_977, %dma_wait3A_1012] : memref<128x200xi32, #tpu.memory_space<vmem>> -> memref<1x40xi32, #tpu.memory_space<vmem>>
      %dma_wait3A_1014 = tpu.memref_squeeze %dma_wait3A_1013 : memref<1x40xi32, #tpu.memory_space<vmem>> -> memref<40xi32, #tpu.memory_space<vmem>>
      %dma_wait3A_1015 = arith.constant 0 : i32
      %dma_wait3A_1016 = arith.constant 0 : i32
      %dma_wait3A_1017 = tpu.memref_slice %arg3[%dma_wait3A_1015, %dma_wait3A_1016] : memref<1000000x64xf32, #tpu.memory_space<hbm>> -> memref<1000000x64xf32, #tpu.memory_space<hbm>>
      %dma_wait3A_1018 = tpu.memref_slice %arg7[%dma_wait3A_1007] : memref<4x!tpu.dma_semaphore, #tpu.memory_space<semaphore_mem>> -> memref<1x!tpu.dma_semaphore, #tpu.memory_space<semaphore_mem>>
      %dma_wait3A_1019 = tpu.memref_squeeze %dma_wait3A_1018 : memref<1x!tpu.dma_semaphore, #tpu.memory_space<semaphore_mem>> -> memref<!tpu.dma_semaphore, #tpu.memory_space<semaphore_mem>>
      tpu.wait_indirect_dma semaphore(%dma_wait3A_1019 : memref<!tpu.dma_semaphore, #tpu.memory_space<semaphore_mem>>) src(%dma_wait3A_1017 : memref<1000000x64xf32, #tpu.memory_space<hbm>>) dst(%dma_wait3A_1011 : memref<40x64xf32, #tpu.memory_space<vmem>>)
      %dma_wait3A_1020 = arith.constant 2 : i32
      %dma_wait3A_1021 = arith.constant 2 : i32
      %dma_wait3A_1022 = arith.constant 120 : i32
      %dma_wait3A_1023 = arith.constant 0 : i32
      %dma_wait3A_1024 = tpu.memref_slice %arg6[%dma_wait3A_1020, %dma_wait3A_1022, %dma_wait3A_1023] : memref<4x200x64xf32, #tpu.memory_space<vmem>> -> memref<1x40x64xf32, #tpu.memory_space<vmem>>
      %dma_wait3A_1025 = tpu.memref_squeeze %dma_wait3A_1024 : memref<1x40x64xf32, #tpu.memory_space<vmem>> -> memref<40x64xf32, #tpu.memory_space<vmem>>
      %dma_wait3A_1026 = arith.constant 120 : i32
      %dma_wait3A_1027 = tpu.memref_slice %arg5[%add3A_977, %dma_wait3A_1026] : memref<128x200xi32, #tpu.memory_space<vmem>> -> memref<1x40xi32, #tpu.memory_space<vmem>>
      %dma_wait3A_1028 = tpu.memref_squeeze %dma_wait3A_1027 : memref<1x40xi32, #tpu.memory_space<vmem>> -> memref<40xi32, #tpu.memory_space<vmem>>
      %dma_wait3A_1029 = arith.constant 0 : i32
      %dma_wait3A_1030 = arith.constant 0 : i32
      %dma_wait3A_1031 = tpu.memref_slice %arg3[%dma_wait3A_1029, %dma_wait3A_1030] : memref<1000000x64xf32, #tpu.memory_space<hbm>> -> memref<1000000x64xf32, #tpu.memory_space<hbm>>
      %dma_wait3A_1032 = tpu.memref_slice %arg7[%dma_wait3A_1021] : memref<4x!tpu.dma_semaphore, #tpu.memory_space<semaphore_mem>> -> memref<1x!tpu.dma_semaphore, #tpu.memory_space<semaphore_mem>>
      %dma_wait3A_1033 = tpu.memref_squeeze %dma_wait3A_1032 : memref<1x!tpu.dma_semaphore, #tpu.memory_space<semaphore_mem>> -> memref<!tpu.dma_semaphore, #tpu.memory_space<semaphore_mem>>
      tpu.wait_indirect_dma semaphore(%dma_wait3A_1033 : memref<!tpu.dma_semaphore, #tpu.memory_space<semaphore_mem>>) src(%dma_wait3A_1031 : memref<1000000x64xf32, #tpu.memory_space<hbm>>) dst(%dma_wait3A_1025 : memref<40x64xf32, #tpu.memory_space<vmem>>)
      %dma_wait3A_1034 = arith.constant 2 : i32
      %dma_wait3A_1035 = arith.constant 2 : i32
      %dma_wait3A_1036 = arith.constant 160 : i32
      %dma_wait3A_1037 = arith.constant 0 : i32
      %dma_wait3A_1038 = tpu.memref_slice %arg6[%dma_wait3A_1034, %dma_wait3A_1036, %dma_wait3A_1037] : memref<4x200x64xf32, #tpu.memory_space<vmem>> -> memref<1x40x64xf32, #tpu.memory_space<vmem>>
      %dma_wait3A_1039 = tpu.memref_squeeze %dma_wait3A_1038 : memref<1x40x64xf32, #tpu.memory_space<vmem>> -> memref<40x64xf32, #tpu.memory_space<vmem>>
      %dma_wait3A_1040 = arith.constant 160 : i32
      %dma_wait3A_1041 = tpu.memref_slice %arg5[%add3A_977, %dma_wait3A_1040] : memref<128x200xi32, #tpu.memory_space<vmem>> -> memref<1x40xi32, #tpu.memory_space<vmem>>
      %dma_wait3A_1042 = tpu.memref_squeeze %dma_wait3A_1041 : memref<1x40xi32, #tpu.memory_space<vmem>> -> memref<40xi32, #tpu.memory_space<vmem>>
      %dma_wait3A_1043 = arith.constant 0 : i32
      %dma_wait3A_1044 = arith.constant 0 : i32
      %dma_wait3A_1045 = tpu.memref_slice %arg3[%dma_wait3A_1043, %dma_wait3A_1044] : memref<1000000x64xf32, #tpu.memory_space<hbm>> -> memref<1000000x64xf32, #tpu.memory_space<hbm>>
      %dma_wait3A_1046 = tpu.memref_slice %arg7[%dma_wait3A_1035] : memref<4x!tpu.dma_semaphore, #tpu.memory_space<semaphore_mem>> -> memref<1x!tpu.dma_semaphore, #tpu.memory_space<semaphore_mem>>
      %dma_wait3A_1047 = tpu.memref_squeeze %dma_wait3A_1046 : memref<1x!tpu.dma_semaphore, #tpu.memory_space<semaphore_mem>> -> memref<!tpu.dma_semaphore, #tpu.memory_space<semaphore_mem>>
      tpu.wait_indirect_dma semaphore(%dma_wait3A_1047 : memref<!tpu.dma_semaphore, #tpu.memory_space<semaphore_mem>>) src(%dma_wait3A_1045 : memref<1000000x64xf32, #tpu.memory_space<hbm>>) dst(%dma_wait3A_1039 : memref<40x64xf32, #tpu.memory_space<vmem>>)
      %add3A_1048 = arith.constant 2 : i32
      %add3A_1049 = arith.addi %add3A_785, %add3A_1048 : i32
      %add3A_1050 = arith.addi %mul3A_2, %add3A_1049 : i32
      %dma_start3A_1051 = arith.constant 2 : i32
      %dma_start3A_1052 = arith.constant 2 : i32
      %dma_start3A_1053 = arith.constant 0 : i32
      %dma_start3A_1054 = arith.constant 0 : i32
      %dma_start3A_1055 = tpu.memref_slice %arg6[%dma_start3A_1051, %dma_start3A_1053, %dma_start3A_1054] : memref<4x200x64xf32, #tpu.memory_space<vmem>> -> memref<1x200x64xf32, #tpu.memory_space<vmem>>
      %dma_start3A_1056 = tpu.memref_squeeze %dma_start3A_1055 : memref<1x200x64xf32, #tpu.memory_space<vmem>> -> memref<200x64xf32, #tpu.memory_space<vmem>>
      %dma_start3A_1057 = arith.constant 0 : i32
      %dma_start3A_1058 = arith.constant 0 : i32
      %dma_start3A_1059 = tpu.memref_slice %arg4[%add3A_1050, %dma_start3A_1057, %dma_start3A_1058] : memref<4096x200x128xf32, #tpu.memory_space<hbm>> -> memref<1x200x64xf32, #tpu.memory_space<hbm>>
      %dma_start3A_1060 = tpu.memref_squeeze %dma_start3A_1059 : memref<1x200x64xf32, #tpu.memory_space<hbm>> -> memref<200x64xf32, #tpu.memory_space<hbm>>
      %dma_start3A_1061 = tpu.memref_slice %arg8[%dma_start3A_1052] : memref<4x!tpu.dma_semaphore, #tpu.memory_space<semaphore_mem>> -> memref<1x!tpu.dma_semaphore, #tpu.memory_space<semaphore_mem>>
      %dma_start3A_1062 = tpu.memref_squeeze %dma_start3A_1061 : memref<1x!tpu.dma_semaphore, #tpu.memory_space<semaphore_mem>> -> memref<!tpu.dma_semaphore, #tpu.memory_space<semaphore_mem>>
      %dma_start3A_1063 = arith.constant 0 : i32
      %dma_start3A_1064 = arith.constant 0 : i32
      %dma_start3A_1065 = tpu.memref_slice %arg4[%add3A_1050, %dma_start3A_1063, %dma_start3A_1064] : memref<4096x200x128xf32, #tpu.memory_space<hbm>> -> memref<1x200x64xf32, #tpu.memory_space<hbm>>
      %dma_start3A_1066 = tpu.memref_squeeze %dma_start3A_1065 : memref<1x200x64xf32, #tpu.memory_space<hbm>> -> memref<200x64xf32, #tpu.memory_space<hbm>>
      %dma_start3A_1067 = arith.constant 0 : i32
      %dma_start3A_1068 = arith.constant 0 : i32
      %dma_start3A_1069 = tpu.memref_slice %arg6[%dma_start3A_1051, %dma_start3A_1067, %dma_start3A_1068] : memref<4x200x64xf32, #tpu.memory_space<vmem>> -> memref<1x200x64xf32, #tpu.memory_space<vmem>>
      %dma_start3A_1070 = tpu.memref_squeeze %dma_start3A_1069 : memref<1x200x64xf32, #tpu.memory_space<vmem>> -> memref<200x64xf32, #tpu.memory_space<vmem>>
      tpu.enqueue_dma source(%dma_start3A_1070 : memref<200x64xf32, #tpu.memory_space<vmem>>) target(%dma_start3A_1066 : memref<200x64xf32, #tpu.memory_space<hbm>>) target_semaphore(%dma_start3A_1062 : memref<!tpu.dma_semaphore, #tpu.memory_space<semaphore_mem>>)
      %add3A_1071 = arith.constant 3 : i32
      %add3A_1072 = arith.addi %add3A_785, %add3A_1071 : i32
      %dma_wait3A_1073 = arith.constant 3 : i32
      %dma_wait3A_1074 = arith.constant 3 : i32
      %dma_wait3A_1075 = arith.constant 0 : i32
      %dma_wait3A_1076 = arith.constant 0 : i32
      %dma_wait3A_1077 = tpu.memref_slice %arg6[%dma_wait3A_1073, %dma_wait3A_1075, %dma_wait3A_1076] : memref<4x200x64xf32, #tpu.memory_space<vmem>> -> memref<1x40x64xf32, #tpu.memory_space<vmem>>
      %dma_wait3A_1078 = tpu.memref_squeeze %dma_wait3A_1077 : memref<1x40x64xf32, #tpu.memory_space<vmem>> -> memref<40x64xf32, #tpu.memory_space<vmem>>
      %dma_wait3A_1079 = arith.constant 0 : i32
      %dma_wait3A_1080 = tpu.memref_slice %arg5[%add3A_1072, %dma_wait3A_1079] : memref<128x200xi32, #tpu.memory_space<vmem>> -> memref<1x40xi32, #tpu.memory_space<vmem>>
      %dma_wait3A_1081 = tpu.memref_squeeze %dma_wait3A_1080 : memref<1x40xi32, #tpu.memory_space<vmem>> -> memref<40xi32, #tpu.memory_space<vmem>>
      %dma_wait3A_1082 = arith.constant 0 : i32
      %dma_wait3A_1083 = arith.constant 0 : i32
      %dma_wait3A_1084 = tpu.memref_slice %arg3[%dma_wait3A_1082, %dma_wait3A_1083] : memref<1000000x64xf32, #tpu.memory_space<hbm>> -> memref<1000000x64xf32, #tpu.memory_space<hbm>>
      %dma_wait3A_1085 = tpu.memref_slice %arg7[%dma_wait3A_1074] : memref<4x!tpu.dma_semaphore, #tpu.memory_space<semaphore_mem>> -> memref<1x!tpu.dma_semaphore, #tpu.memory_space<semaphore_mem>>
      %dma_wait3A_1086 = tpu.memref_squeeze %dma_wait3A_1085 : memref<1x!tpu.dma_semaphore, #tpu.memory_space<semaphore_mem>> -> memref<!tpu.dma_semaphore, #tpu.memory_space<semaphore_mem>>
      tpu.wait_indirect_dma semaphore(%dma_wait3A_1086 : memref<!tpu.dma_semaphore, #tpu.memory_space<semaphore_mem>>) src(%dma_wait3A_1084 : memref<1000000x64xf32, #tpu.memory_space<hbm>>) dst(%dma_wait3A_1078 : memref<40x64xf32, #tpu.memory_space<vmem>>)
      %dma_wait3A_1087 = arith.constant 3 : i32
      %dma_wait3A_1088 = arith.constant 3 : i32
      %dma_wait3A_1089 = arith.constant 40 : i32
      %dma_wait3A_1090 = arith.constant 0 : i32
      %dma_wait3A_1091 = tpu.memref_slice %arg6[%dma_wait3A_1087, %dma_wait3A_1089, %dma_wait3A_1090] : memref<4x200x64xf32, #tpu.memory_space<vmem>> -> memref<1x40x64xf32, #tpu.memory_space<vmem>>
      %dma_wait3A_1092 = tpu.memref_squeeze %dma_wait3A_1091 : memref<1x40x64xf32, #tpu.memory_space<vmem>> -> memref<40x64xf32, #tpu.memory_space<vmem>>
      %dma_wait3A_1093 = arith.constant 40 : i32
      %dma_wait3A_1094 = tpu.memref_slice %arg5[%add3A_1072, %dma_wait3A_1093] : memref<128x200xi32, #tpu.memory_space<vmem>> -> memref<1x40xi32, #tpu.memory_space<vmem>>
      %dma_wait3A_1095 = tpu.memref_squeeze %dma_wait3A_1094 : memref<1x40xi32, #tpu.memory_space<vmem>> -> memref<40xi32, #tpu.memory_space<vmem>>
      %dma_wait3A_1096 = arith.constant 0 : i32
      %dma_wait3A_1097 = arith.constant 0 : i32
      %dma_wait3A_1098 = tpu.memref_slice %arg3[%dma_wait3A_1096, %dma_wait3A_1097] : memref<1000000x64xf32, #tpu.memory_space<hbm>> -> memref<1000000x64xf32, #tpu.memory_space<hbm>>
      %dma_wait3A_1099 = tpu.memref_slice %arg7[%dma_wait3A_1088] : memref<4x!tpu.dma_semaphore, #tpu.memory_space<semaphore_mem>> -> memref<1x!tpu.dma_semaphore, #tpu.memory_space<semaphore_mem>>
      %dma_wait3A_1100 = tpu.memref_squeeze %dma_wait3A_1099 : memref<1x!tpu.dma_semaphore, #tpu.memory_space<semaphore_mem>> -> memref<!tpu.dma_semaphore, #tpu.memory_space<semaphore_mem>>
      tpu.wait_indirect_dma semaphore(%dma_wait3A_1100 : memref<!tpu.dma_semaphore, #tpu.memory_space<semaphore_mem>>) src(%dma_wait3A_1098 : memref<1000000x64xf32, #tpu.memory_space<hbm>>) dst(%dma_wait3A_1092 : memref<40x64xf32, #tpu.memory_space<vmem>>)
      %dma_wait3A_1101 = arith.constant 3 : i32
      %dma_wait3A_1102 = arith.constant 3 : i32
      %dma_wait3A_1103 = arith.constant 80 : i32
      %dma_wait3A_1104 = arith.constant 0 : i32
      %dma_wait3A_1105 = tpu.memref_slice %arg6[%dma_wait3A_1101, %dma_wait3A_1103, %dma_wait3A_1104] : memref<4x200x64xf32, #tpu.memory_space<vmem>> -> memref<1x40x64xf32, #tpu.memory_space<vmem>>
      %dma_wait3A_1106 = tpu.memref_squeeze %dma_wait3A_1105 : memref<1x40x64xf32, #tpu.memory_space<vmem>> -> memref<40x64xf32, #tpu.memory_space<vmem>>
      %dma_wait3A_1107 = arith.constant 80 : i32
      %dma_wait3A_1108 = tpu.memref_slice %arg5[%add3A_1072, %dma_wait3A_1107] : memref<128x200xi32, #tpu.memory_space<vmem>> -> memref<1x40xi32, #tpu.memory_space<vmem>>
      %dma_wait3A_1109 = tpu.memref_squeeze %dma_wait3A_1108 : memref<1x40xi32, #tpu.memory_space<vmem>> -> memref<40xi32, #tpu.memory_space<vmem>>
      %dma_wait3A_1110 = arith.constant 0 : i32
      %dma_wait3A_1111 = arith.constant 0 : i32
      %dma_wait3A_1112 = tpu.memref_slice %arg3[%dma_wait3A_1110, %dma_wait3A_1111] : memref<1000000x64xf32, #tpu.memory_space<hbm>> -> memref<1000000x64xf32, #tpu.memory_space<hbm>>
      %dma_wait3A_1113 = tpu.memref_slice %arg7[%dma_wait3A_1102] : memref<4x!tpu.dma_semaphore, #tpu.memory_space<semaphore_mem>> -> memref<1x!tpu.dma_semaphore, #tpu.memory_space<semaphore_mem>>
      %dma_wait3A_1114 = tpu.memref_squeeze %dma_wait3A_1113 : memref<1x!tpu.dma_semaphore, #tpu.memory_space<semaphore_mem>> -> memref<!tpu.dma_semaphore, #tpu.memory_space<semaphore_mem>>
      tpu.wait_indirect_dma semaphore(%dma_wait3A_1114 : memref<!tpu.dma_semaphore, #tpu.memory_space<semaphore_mem>>) src(%dma_wait3A_1112 : memref<1000000x64xf32, #tpu.memory_space<hbm>>) dst(%dma_wait3A_1106 : memref<40x64xf32, #tpu.memory_space<vmem>>)
      %dma_wait3A_1115 = arith.constant 3 : i32
      %dma_wait3A_1116 = arith.constant 3 : i32
      %dma_wait3A_1117 = arith.constant 120 : i32
      %dma_wait3A_1118 = arith.constant 0 : i32
      %dma_wait3A_1119 = tpu.memref_slice %arg6[%dma_wait3A_1115, %dma_wait3A_1117, %dma_wait3A_1118] : memref<4x200x64xf32, #tpu.memory_space<vmem>> -> memref<1x40x64xf32, #tpu.memory_space<vmem>>
      %dma_wait3A_1120 = tpu.memref_squeeze %dma_wait3A_1119 : memref<1x40x64xf32, #tpu.memory_space<vmem>> -> memref<40x64xf32, #tpu.memory_space<vmem>>
      %dma_wait3A_1121 = arith.constant 120 : i32
      %dma_wait3A_1122 = tpu.memref_slice %arg5[%add3A_1072, %dma_wait3A_1121] : memref<128x200xi32, #tpu.memory_space<vmem>> -> memref<1x40xi32, #tpu.memory_space<vmem>>
      %dma_wait3A_1123 = tpu.memref_squeeze %dma_wait3A_1122 : memref<1x40xi32, #tpu.memory_space<vmem>> -> memref<40xi32, #tpu.memory_space<vmem>>
      %dma_wait3A_1124 = arith.constant 0 : i32
      %dma_wait3A_1125 = arith.constant 0 : i32
      %dma_wait3A_1126 = tpu.memref_slice %arg3[%dma_wait3A_1124, %dma_wait3A_1125] : memref<1000000x64xf32, #tpu.memory_space<hbm>> -> memref<1000000x64xf32, #tpu.memory_space<hbm>>
      %dma_wait3A_1127 = tpu.memref_slice %arg7[%dma_wait3A_1116] : memref<4x!tpu.dma_semaphore, #tpu.memory_space<semaphore_mem>> -> memref<1x!tpu.dma_semaphore, #tpu.memory_space<semaphore_mem>>
      %dma_wait3A_1128 = tpu.memref_squeeze %dma_wait3A_1127 : memref<1x!tpu.dma_semaphore, #tpu.memory_space<semaphore_mem>> -> memref<!tpu.dma_semaphore, #tpu.memory_space<semaphore_mem>>
      tpu.wait_indirect_dma semaphore(%dma_wait3A_1128 : memref<!tpu.dma_semaphore, #tpu.memory_space<semaphore_mem>>) src(%dma_wait3A_1126 : memref<1000000x64xf32, #tpu.memory_space<hbm>>) dst(%dma_wait3A_1120 : memref<40x64xf32, #tpu.memory_space<vmem>>)
      %dma_wait3A_1129 = arith.constant 3 : i32
      %dma_wait3A_1130 = arith.constant 3 : i32
      %dma_wait3A_1131 = arith.constant 160 : i32
      %dma_wait3A_1132 = arith.constant 0 : i32
      %dma_wait3A_1133 = tpu.memref_slice %arg6[%dma_wait3A_1129, %dma_wait3A_1131, %dma_wait3A_1132] : memref<4x200x64xf32, #tpu.memory_space<vmem>> -> memref<1x40x64xf32, #tpu.memory_space<vmem>>
      %dma_wait3A_1134 = tpu.memref_squeeze %dma_wait3A_1133 : memref<1x40x64xf32, #tpu.memory_space<vmem>> -> memref<40x64xf32, #tpu.memory_space<vmem>>
      %dma_wait3A_1135 = arith.constant 160 : i32
      %dma_wait3A_1136 = tpu.memref_slice %arg5[%add3A_1072, %dma_wait3A_1135] : memref<128x200xi32, #tpu.memory_space<vmem>> -> memref<1x40xi32, #tpu.memory_space<vmem>>
      %dma_wait3A_1137 = tpu.memref_squeeze %dma_wait3A_1136 : memref<1x40xi32, #tpu.memory_space<vmem>> -> memref<40xi32, #tpu.memory_space<vmem>>
      %dma_wait3A_1138 = arith.constant 0 : i32
      %dma_wait3A_1139 = arith.constant 0 : i32
      %dma_wait3A_1140 = tpu.memref_slice %arg3[%dma_wait3A_1138, %dma_wait3A_1139] : memref<1000000x64xf32, #tpu.memory_space<hbm>> -> memref<1000000x64xf32, #tpu.memory_space<hbm>>
      %dma_wait3A_1141 = tpu.memref_slice %arg7[%dma_wait3A_1130] : memref<4x!tpu.dma_semaphore, #tpu.memory_space<semaphore_mem>> -> memref<1x!tpu.dma_semaphore, #tpu.memory_space<semaphore_mem>>
      %dma_wait3A_1142 = tpu.memref_squeeze %dma_wait3A_1141 : memref<1x!tpu.dma_semaphore, #tpu.memory_space<semaphore_mem>> -> memref<!tpu.dma_semaphore, #tpu.memory_space<semaphore_mem>>
      tpu.wait_indirect_dma semaphore(%dma_wait3A_1142 : memref<!tpu.dma_semaphore, #tpu.memory_space<semaphore_mem>>) src(%dma_wait3A_1140 : memref<1000000x64xf32, #tpu.memory_space<hbm>>) dst(%dma_wait3A_1134 : memref<40x64xf32, #tpu.memory_space<vmem>>)
      %add3A_1143 = arith.constant 3 : i32
      %add3A_1144 = arith.addi %add3A_785, %add3A_1143 : i32
      %add3A_1145 = arith.addi %mul3A_2, %add3A_1144 : i32
      %dma_start3A_1146 = arith.constant 3 : i32
      %dma_start3A_1147 = arith.constant 3 : i32
      %dma_start3A_1148 = arith.constant 0 : i32
      %dma_start3A_1149 = arith.constant 0 : i32
      %dma_start3A_1150 = tpu.memref_slice %arg6[%dma_start3A_1146, %dma_start3A_1148, %dma_start3A_1149] : memref<4x200x64xf32, #tpu.memory_space<vmem>> -> memref<1x200x64xf32, #tpu.memory_space<vmem>>
      %dma_start3A_1151 = tpu.memref_squeeze %dma_start3A_1150 : memref<1x200x64xf32, #tpu.memory_space<vmem>> -> memref<200x64xf32, #tpu.memory_space<vmem>>
      %dma_start3A_1152 = arith.constant 0 : i32
      %dma_start3A_1153 = arith.constant 0 : i32
      %dma_start3A_1154 = tpu.memref_slice %arg4[%add3A_1145, %dma_start3A_1152, %dma_start3A_1153] : memref<4096x200x128xf32, #tpu.memory_space<hbm>> -> memref<1x200x64xf32, #tpu.memory_space<hbm>>
      %dma_start3A_1155 = tpu.memref_squeeze %dma_start3A_1154 : memref<1x200x64xf32, #tpu.memory_space<hbm>> -> memref<200x64xf32, #tpu.memory_space<hbm>>
      %dma_start3A_1156 = tpu.memref_slice %arg8[%dma_start3A_1147] : memref<4x!tpu.dma_semaphore, #tpu.memory_space<semaphore_mem>> -> memref<1x!tpu.dma_semaphore, #tpu.memory_space<semaphore_mem>>
      %dma_start3A_1157 = tpu.memref_squeeze %dma_start3A_1156 : memref<1x!tpu.dma_semaphore, #tpu.memory_space<semaphore_mem>> -> memref<!tpu.dma_semaphore, #tpu.memory_space<semaphore_mem>>
      %dma_start3A_1158 = arith.constant 0 : i32
      %dma_start3A_1159 = arith.constant 0 : i32
      %dma_start3A_1160 = tpu.memref_slice %arg4[%add3A_1145, %dma_start3A_1158, %dma_start3A_1159] : memref<4096x200x128xf32, #tpu.memory_space<hbm>> -> memref<1x200x64xf32, #tpu.memory_space<hbm>>
      %dma_start3A_1161 = tpu.memref_squeeze %dma_start3A_1160 : memref<1x200x64xf32, #tpu.memory_space<hbm>> -> memref<200x64xf32, #tpu.memory_space<hbm>>
      %dma_start3A_1162 = arith.constant 0 : i32
      %dma_start3A_1163 = arith.constant 0 : i32
      %dma_start3A_1164 = tpu.memref_slice %arg6[%dma_start3A_1146, %dma_start3A_1162, %dma_start3A_1163] : memref<4x200x64xf32, #tpu.memory_space<vmem>> -> memref<1x200x64xf32, #tpu.memory_space<vmem>>
      %dma_start3A_1165 = tpu.memref_squeeze %dma_start3A_1164 : memref<1x200x64xf32, #tpu.memory_space<vmem>> -> memref<200x64xf32, #tpu.memory_space<vmem>>
      tpu.enqueue_dma source(%dma_start3A_1165 : memref<200x64xf32, #tpu.memory_space<vmem>>) target(%dma_start3A_1161 : memref<200x64xf32, #tpu.memory_space<hbm>>) target_semaphore(%dma_start3A_1157 : memref<!tpu.dma_semaphore, #tpu.memory_space<semaphore_mem>>)
      %add3A_1166 = arith.constant 0 : i32
      %add3A_1167 = arith.addi %add3A_785, %add3A_1166 : i32
      %add3A_1168 = arith.addi %mul3A_2, %add3A_1167 : i32
      %dma_wait3A_1169 = arith.constant 0 : i32
      %dma_wait3A_1170 = arith.constant 0 : i32
      %dma_wait3A_1171 = arith.constant 0 : i32
      %dma_wait3A_1172 = arith.constant 0 : i32
      %dma_wait3A_1173 = tpu.memref_slice %arg6[%dma_wait3A_1169, %dma_wait3A_1171, %dma_wait3A_1172] : memref<4x200x64xf32, #tpu.memory_space<vmem>> -> memref<1x200x64xf32, #tpu.memory_space<vmem>>
      %dma_wait3A_1174 = tpu.memref_squeeze %dma_wait3A_1173 : memref<1x200x64xf32, #tpu.memory_space<vmem>> -> memref<200x64xf32, #tpu.memory_space<vmem>>
      %dma_wait3A_1175 = arith.constant 0 : i32
      %dma_wait3A_1176 = arith.constant 0 : i32
      %dma_wait3A_1177 = tpu.memref_slice %arg4[%add3A_1168, %dma_wait3A_1175, %dma_wait3A_1176] : memref<4096x200x128xf32, #tpu.memory_space<hbm>> -> memref<1x200x64xf32, #tpu.memory_space<hbm>>
      %dma_wait3A_1178 = tpu.memref_squeeze %dma_wait3A_1177 : memref<1x200x64xf32, #tpu.memory_space<hbm>> -> memref<200x64xf32, #tpu.memory_space<hbm>>
      %dma_wait3A_1179 = tpu.memref_slice %arg8[%dma_wait3A_1170] : memref<4x!tpu.dma_semaphore, #tpu.memory_space<semaphore_mem>> -> memref<1x!tpu.dma_semaphore, #tpu.memory_space<semaphore_mem>>
      %dma_wait3A_1180 = tpu.memref_squeeze %dma_wait3A_1179 : memref<1x!tpu.dma_semaphore, #tpu.memory_space<semaphore_mem>> -> memref<!tpu.dma_semaphore, #tpu.memory_space<semaphore_mem>>
      %dma_wait3A_1181 = arith.constant 0 : i32
      %dma_wait3A_1182 = arith.constant 0 : i32
      %dma_wait3A_1183 = tpu.memref_slice %arg4[%add3A_1168, %dma_wait3A_1181, %dma_wait3A_1182] : memref<4096x200x128xf32, #tpu.memory_space<hbm>> -> memref<1x200x64xf32, #tpu.memory_space<hbm>>
      %dma_wait3A_1184 = tpu.memref_squeeze %dma_wait3A_1183 : memref<1x200x64xf32, #tpu.memory_space<hbm>> -> memref<200x64xf32, #tpu.memory_space<hbm>>
      %dma_wait3A_1185 = arith.constant 0 : i32
      %dma_wait3A_1186 = arith.constant 0 : i32
      %dma_wait3A_1187 = tpu.memref_slice %arg6[%dma_wait3A_1169, %dma_wait3A_1185, %dma_wait3A_1186] : memref<4x200x64xf32, #tpu.memory_space<vmem>> -> memref<1x200x64xf32, #tpu.memory_space<vmem>>
      %dma_wait3A_1188 = tpu.memref_squeeze %dma_wait3A_1187 : memref<1x200x64xf32, #tpu.memory_space<vmem>> -> memref<200x64xf32, #tpu.memory_space<vmem>>
      tpu.wait_dma2 semaphore(%dma_wait3A_1180 : memref<!tpu.dma_semaphore, #tpu.memory_space<semaphore_mem>>) src(%dma_wait3A_1188 : memref<200x64xf32, #tpu.memory_space<vmem>>) dst(%dma_wait3A_1184 : memref<200x64xf32, #tpu.memory_space<hbm>>)
      %add3A_1189 = arith.constant 4 : i32
      %add3A_1190 = arith.addi %add3A_785, %add3A_1189 : i32
      %add3A_1191 = arith.constant 0 : i32
      %add3A_1192 = arith.addi %add3A_1190, %add3A_1191 : i32
      %dma_start3A_1193 = arith.constant 0 : i32
      %dma_start3A_1194 = arith.constant 0 : i32
      %dma_start3A_1195 = arith.constant 0 : i32
      %dma_start3A_1196 = arith.constant 0 : i32
      %dma_start3A_1197 = tpu.memref_slice %arg6[%dma_start3A_1193, %dma_start3A_1195, %dma_start3A_1196] : memref<4x200x64xf32, #tpu.memory_space<vmem>> -> memref<1x40x64xf32, #tpu.memory_space<vmem>>
      %dma_start3A_1198 = tpu.memref_squeeze %dma_start3A_1197 : memref<1x40x64xf32, #tpu.memory_space<vmem>> -> memref<40x64xf32, #tpu.memory_space<vmem>>
      %dma_start3A_1199 = arith.constant 0 : i32
      %dma_start3A_1200 = tpu.memref_slice %arg5[%add3A_1192, %dma_start3A_1199] : memref<128x200xi32, #tpu.memory_space<vmem>> -> memref<1x40xi32, #tpu.memory_space<vmem>>
      %dma_start3A_1201 = tpu.memref_squeeze %dma_start3A_1200 : memref<1x40xi32, #tpu.memory_space<vmem>> -> memref<40xi32, #tpu.memory_space<vmem>>
      %dma_start3A_1202 = arith.constant 0 : i32
      %dma_start3A_1203 = arith.constant 0 : i32
      %dma_start3A_1204 = tpu.memref_slice %arg3[%dma_start3A_1202, %dma_start3A_1203] : memref<1000000x64xf32, #tpu.memory_space<hbm>> -> memref<1000000x64xf32, #tpu.memory_space<hbm>>
      %dma_start3A_1205 = tpu.memref_slice %arg7[%dma_start3A_1194] : memref<4x!tpu.dma_semaphore, #tpu.memory_space<semaphore_mem>> -> memref<1x!tpu.dma_semaphore, #tpu.memory_space<semaphore_mem>>
      %dma_start3A_1206 = tpu.memref_squeeze %dma_start3A_1205 : memref<1x!tpu.dma_semaphore, #tpu.memory_space<semaphore_mem>> -> memref<!tpu.dma_semaphore, #tpu.memory_space<semaphore_mem>>
      tpu.enqueue_indirect_dma source(%dma_start3A_1204 : memref<1000000x64xf32, #tpu.memory_space<hbm>>) target(%dma_start3A_1198 : memref<40x64xf32, #tpu.memory_space<vmem>>) offsets(%dma_start3A_1201 : memref<40xi32, #tpu.memory_space<vmem>>) semaphore(%dma_start3A_1206 : memref<!tpu.dma_semaphore, #tpu.memory_space<semaphore_mem>>)
      %dma_start3A_1207 = arith.constant 0 : i32
      %dma_start3A_1208 = arith.constant 0 : i32
      %dma_start3A_1209 = arith.constant 40 : i32
      %dma_start3A_1210 = arith.constant 0 : i32
      %dma_start3A_1211 = tpu.memref_slice %arg6[%dma_start3A_1207, %dma_start3A_1209, %dma_start3A_1210] : memref<4x200x64xf32, #tpu.memory_space<vmem>> -> memref<1x40x64xf32, #tpu.memory_space<vmem>>
      %dma_start3A_1212 = tpu.memref_squeeze %dma_start3A_1211 : memref<1x40x64xf32, #tpu.memory_space<vmem>> -> memref<40x64xf32, #tpu.memory_space<vmem>>
      %dma_start3A_1213 = arith.constant 40 : i32
      %dma_start3A_1214 = tpu.memref_slice %arg5[%add3A_1192, %dma_start3A_1213] : memref<128x200xi32, #tpu.memory_space<vmem>> -> memref<1x40xi32, #tpu.memory_space<vmem>>
      %dma_start3A_1215 = tpu.memref_squeeze %dma_start3A_1214 : memref<1x40xi32, #tpu.memory_space<vmem>> -> memref<40xi32, #tpu.memory_space<vmem>>
      %dma_start3A_1216 = arith.constant 0 : i32
      %dma_start3A_1217 = arith.constant 0 : i32
      %dma_start3A_1218 = tpu.memref_slice %arg3[%dma_start3A_1216, %dma_start3A_1217] : memref<1000000x64xf32, #tpu.memory_space<hbm>> -> memref<1000000x64xf32, #tpu.memory_space<hbm>>
      %dma_start3A_1219 = tpu.memref_slice %arg7[%dma_start3A_1208] : memref<4x!tpu.dma_semaphore, #tpu.memory_space<semaphore_mem>> -> memref<1x!tpu.dma_semaphore, #tpu.memory_space<semaphore_mem>>
      %dma_start3A_1220 = tpu.memref_squeeze %dma_start3A_1219 : memref<1x!tpu.dma_semaphore, #tpu.memory_space<semaphore_mem>> -> memref<!tpu.dma_semaphore, #tpu.memory_space<semaphore_mem>>
      tpu.enqueue_indirect_dma source(%dma_start3A_1218 : memref<1000000x64xf32, #tpu.memory_space<hbm>>) target(%dma_start3A_1212 : memref<40x64xf32, #tpu.memory_space<vmem>>) offsets(%dma_start3A_1215 : memref<40xi32, #tpu.memory_space<vmem>>) semaphore(%dma_start3A_1220 : memref<!tpu.dma_semaphore, #tpu.memory_space<semaphore_mem>>)
      %dma_start3A_1221 = arith.constant 0 : i32
      %dma_start3A_1222 = arith.constant 0 : i32
      %dma_start3A_1223 = arith.constant 80 : i32
      %dma_start3A_1224 = arith.constant 0 : i32
      %dma_start3A_1225 = tpu.memref_slice %arg6[%dma_start3A_1221, %dma_start3A_1223, %dma_start3A_1224] : memref<4x200x64xf32, #tpu.memory_space<vmem>> -> memref<1x40x64xf32, #tpu.memory_space<vmem>>
      %dma_start3A_1226 = tpu.memref_squeeze %dma_start3A_1225 : memref<1x40x64xf32, #tpu.memory_space<vmem>> -> memref<40x64xf32, #tpu.memory_space<vmem>>
      %dma_start3A_1227 = arith.constant 80 : i32
      %dma_start3A_1228 = tpu.memref_slice %arg5[%add3A_1192, %dma_start3A_1227] : memref<128x200xi32, #tpu.memory_space<vmem>> -> memref<1x40xi32, #tpu.memory_space<vmem>>
      %dma_start3A_1229 = tpu.memref_squeeze %dma_start3A_1228 : memref<1x40xi32, #tpu.memory_space<vmem>> -> memref<40xi32, #tpu.memory_space<vmem>>
      %dma_start3A_1230 = arith.constant 0 : i32
      %dma_start3A_1231 = arith.constant 0 : i32
      %dma_start3A_1232 = tpu.memref_slice %arg3[%dma_start3A_1230, %dma_start3A_1231] : memref<1000000x64xf32, #tpu.memory_space<hbm>> -> memref<1000000x64xf32, #tpu.memory_space<hbm>>
      %dma_start3A_1233 = tpu.memref_slice %arg7[%dma_start3A_1222] : memref<4x!tpu.dma_semaphore, #tpu.memory_space<semaphore_mem>> -> memref<1x!tpu.dma_semaphore, #tpu.memory_space<semaphore_mem>>
      %dma_start3A_1234 = tpu.memref_squeeze %dma_start3A_1233 : memref<1x!tpu.dma_semaphore, #tpu.memory_space<semaphore_mem>> -> memref<!tpu.dma_semaphore, #tpu.memory_space<semaphore_mem>>
      tpu.enqueue_indirect_dma source(%dma_start3A_1232 : memref<1000000x64xf32, #tpu.memory_space<hbm>>) target(%dma_start3A_1226 : memref<40x64xf32, #tpu.memory_space<vmem>>) offsets(%dma_start3A_1229 : memref<40xi32, #tpu.memory_space<vmem>>) semaphore(%dma_start3A_1234 : memref<!tpu.dma_semaphore, #tpu.memory_space<semaphore_mem>>)
      %dma_start3A_1235 = arith.constant 0 : i32
      %dma_start3A_1236 = arith.constant 0 : i32
      %dma_start3A_1237 = arith.constant 120 : i32
      %dma_start3A_1238 = arith.constant 0 : i32
      %dma_start3A_1239 = tpu.memref_slice %arg6[%dma_start3A_1235, %dma_start3A_1237, %dma_start3A_1238] : memref<4x200x64xf32, #tpu.memory_space<vmem>> -> memref<1x40x64xf32, #tpu.memory_space<vmem>>
      %dma_start3A_1240 = tpu.memref_squeeze %dma_start3A_1239 : memref<1x40x64xf32, #tpu.memory_space<vmem>> -> memref<40x64xf32, #tpu.memory_space<vmem>>
      %dma_start3A_1241 = arith.constant 120 : i32
      %dma_start3A_1242 = tpu.memref_slice %arg5[%add3A_1192, %dma_start3A_1241] : memref<128x200xi32, #tpu.memory_space<vmem>> -> memref<1x40xi32, #tpu.memory_space<vmem>>
      %dma_start3A_1243 = tpu.memref_squeeze %dma_start3A_1242 : memref<1x40xi32, #tpu.memory_space<vmem>> -> memref<40xi32, #tpu.memory_space<vmem>>
      %dma_start3A_1244 = arith.constant 0 : i32
      %dma_start3A_1245 = arith.constant 0 : i32
      %dma_start3A_1246 = tpu.memref_slice %arg3[%dma_start3A_1244, %dma_start3A_1245] : memref<1000000x64xf32, #tpu.memory_space<hbm>> -> memref<1000000x64xf32, #tpu.memory_space<hbm>>
      %dma_start3A_1247 = tpu.memref_slice %arg7[%dma_start3A_1236] : memref<4x!tpu.dma_semaphore, #tpu.memory_space<semaphore_mem>> -> memref<1x!tpu.dma_semaphore, #tpu.memory_space<semaphore_mem>>
      %dma_start3A_1248 = tpu.memref_squeeze %dma_start3A_1247 : memref<1x!tpu.dma_semaphore, #tpu.memory_space<semaphore_mem>> -> memref<!tpu.dma_semaphore, #tpu.memory_space<semaphore_mem>>
      tpu.enqueue_indirect_dma source(%dma_start3A_1246 : memref<1000000x64xf32, #tpu.memory_space<hbm>>) target(%dma_start3A_1240 : memref<40x64xf32, #tpu.memory_space<vmem>>) offsets(%dma_start3A_1243 : memref<40xi32, #tpu.memory_space<vmem>>) semaphore(%dma_start3A_1248 : memref<!tpu.dma_semaphore, #tpu.memory_space<semaphore_mem>>)
      %dma_start3A_1249 = arith.constant 0 : i32
      %dma_start3A_1250 = arith.constant 0 : i32
      %dma_start3A_1251 = arith.constant 160 : i32
      %dma_start3A_1252 = arith.constant 0 : i32
      %dma_start3A_1253 = tpu.memref_slice %arg6[%dma_start3A_1249, %dma_start3A_1251, %dma_start3A_1252] : memref<4x200x64xf32, #tpu.memory_space<vmem>> -> memref<1x40x64xf32, #tpu.memory_space<vmem>>
      %dma_start3A_1254 = tpu.memref_squeeze %dma_start3A_1253 : memref<1x40x64xf32, #tpu.memory_space<vmem>> -> memref<40x64xf32, #tpu.memory_space<vmem>>
      %dma_start3A_1255 = arith.constant 160 : i32
      %dma_start3A_1256 = tpu.memref_slice %arg5[%add3A_1192, %dma_start3A_1255] : memref<128x200xi32, #tpu.memory_space<vmem>> -> memref<1x40xi32, #tpu.memory_space<vmem>>
      %dma_start3A_1257 = tpu.memref_squeeze %dma_start3A_1256 : memref<1x40xi32, #tpu.memory_space<vmem>> -> memref<40xi32, #tpu.memory_space<vmem>>
      %dma_start3A_1258 = arith.constant 0 : i32
      %dma_start3A_1259 = arith.constant 0 : i32
      %dma_start3A_1260 = tpu.memref_slice %arg3[%dma_start3A_1258, %dma_start3A_1259] : memref<1000000x64xf32, #tpu.memory_space<hbm>> -> memref<1000000x64xf32, #tpu.memory_space<hbm>>
      %dma_start3A_1261 = tpu.memref_slice %arg7[%dma_start3A_1250] : memref<4x!tpu.dma_semaphore, #tpu.memory_space<semaphore_mem>> -> memref<1x!tpu.dma_semaphore, #tpu.memory_space<semaphore_mem>>
      %dma_start3A_1262 = tpu.memref_squeeze %dma_start3A_1261 : memref<1x!tpu.dma_semaphore, #tpu.memory_space<semaphore_mem>> -> memref<!tpu.dma_semaphore, #tpu.memory_space<semaphore_mem>>
      tpu.enqueue_indirect_dma source(%dma_start3A_1260 : memref<1000000x64xf32, #tpu.memory_space<hbm>>) target(%dma_start3A_1254 : memref<40x64xf32, #tpu.memory_space<vmem>>) offsets(%dma_start3A_1257 : memref<40xi32, #tpu.memory_space<vmem>>) semaphore(%dma_start3A_1262 : memref<!tpu.dma_semaphore, #tpu.memory_space<semaphore_mem>>)
      %add3A_1263 = arith.constant 1 : i32
      %add3A_1264 = arith.addi %add3A_785, %add3A_1263 : i32
      %add3A_1265 = arith.addi %mul3A_2, %add3A_1264 : i32
      %dma_wait3A_1266 = arith.constant 1 : i32
      %dma_wait3A_1267 = arith.constant 1 : i32
      %dma_wait3A_1268 = arith.constant 0 : i32
      %dma_wait3A_1269 = arith.constant 0 : i32
      %dma_wait3A_1270 = tpu.memref_slice %arg6[%dma_wait3A_1266, %dma_wait3A_1268, %dma_wait3A_1269] : memref<4x200x64xf32, #tpu.memory_space<vmem>> -> memref<1x200x64xf32, #tpu.memory_space<vmem>>
      %dma_wait3A_1271 = tpu.memref_squeeze %dma_wait3A_1270 : memref<1x200x64xf32, #tpu.memory_space<vmem>> -> memref<200x64xf32, #tpu.memory_space<vmem>>
      %dma_wait3A_1272 = arith.constant 0 : i32
      %dma_wait3A_1273 = arith.constant 0 : i32
      %dma_wait3A_1274 = tpu.memref_slice %arg4[%add3A_1265, %dma_wait3A_1272, %dma_wait3A_1273] : memref<4096x200x128xf32, #tpu.memory_space<hbm>> -> memref<1x200x64xf32, #tpu.memory_space<hbm>>
      %dma_wait3A_1275 = tpu.memref_squeeze %dma_wait3A_1274 : memref<1x200x64xf32, #tpu.memory_space<hbm>> -> memref<200x64xf32, #tpu.memory_space<hbm>>
      %dma_wait3A_1276 = tpu.memref_slice %arg8[%dma_wait3A_1267] : memref<4x!tpu.dma_semaphore, #tpu.memory_space<semaphore_mem>> -> memref<1x!tpu.dma_semaphore, #tpu.memory_space<semaphore_mem>>
      %dma_wait3A_1277 = tpu.memref_squeeze %dma_wait3A_1276 : memref<1x!tpu.dma_semaphore, #tpu.memory_space<semaphore_mem>> -> memref<!tpu.dma_semaphore, #tpu.memory_space<semaphore_mem>>
      %dma_wait3A_1278 = arith.constant 0 : i32
      %dma_wait3A_1279 = arith.constant 0 : i32
      %dma_wait3A_1280 = tpu.memref_slice %arg4[%add3A_1265, %dma_wait3A_1278, %dma_wait3A_1279] : memref<4096x200x128xf32, #tpu.memory_space<hbm>> -> memref<1x200x64xf32, #tpu.memory_space<hbm>>
      %dma_wait3A_1281 = tpu.memref_squeeze %dma_wait3A_1280 : memref<1x200x64xf32, #tpu.memory_space<hbm>> -> memref<200x64xf32, #tpu.memory_space<hbm>>
      %dma_wait3A_1282 = arith.constant 0 : i32
      %dma_wait3A_1283 = arith.constant 0 : i32
      %dma_wait3A_1284 = tpu.memref_slice %arg6[%dma_wait3A_1266, %dma_wait3A_1282, %dma_wait3A_1283] : memref<4x200x64xf32, #tpu.memory_space<vmem>> -> memref<1x200x64xf32, #tpu.memory_space<vmem>>
      %dma_wait3A_1285 = tpu.memref_squeeze %dma_wait3A_1284 : memref<1x200x64xf32, #tpu.memory_space<vmem>> -> memref<200x64xf32, #tpu.memory_space<vmem>>
      tpu.wait_dma2 semaphore(%dma_wait3A_1277 : memref<!tpu.dma_semaphore, #tpu.memory_space<semaphore_mem>>) src(%dma_wait3A_1285 : memref<200x64xf32, #tpu.memory_space<vmem>>) dst(%dma_wait3A_1281 : memref<200x64xf32, #tpu.memory_space<hbm>>)
      %add3A_1286 = arith.constant 4 : i32
      %add3A_1287 = arith.addi %add3A_785, %add3A_1286 : i32
      %add3A_1288 = arith.constant 1 : i32
      %add3A_1289 = arith.addi %add3A_1287, %add3A_1288 : i32
      %dma_start3A_1290 = arith.constant 1 : i32
      %dma_start3A_1291 = arith.constant 1 : i32
      %dma_start3A_1292 = arith.constant 0 : i32
      %dma_start3A_1293 = arith.constant 0 : i32
      %dma_start3A_1294 = tpu.memref_slice %arg6[%dma_start3A_1290, %dma_start3A_1292, %dma_start3A_1293] : memref<4x200x64xf32, #tpu.memory_space<vmem>> -> memref<1x40x64xf32, #tpu.memory_space<vmem>>
      %dma_start3A_1295 = tpu.memref_squeeze %dma_start3A_1294 : memref<1x40x64xf32, #tpu.memory_space<vmem>> -> memref<40x64xf32, #tpu.memory_space<vmem>>
      %dma_start3A_1296 = arith.constant 0 : i32
      %dma_start3A_1297 = tpu.memref_slice %arg5[%add3A_1289, %dma_start3A_1296] : memref<128x200xi32, #tpu.memory_space<vmem>> -> memref<1x40xi32, #tpu.memory_space<vmem>>
      %dma_start3A_1298 = tpu.memref_squeeze %dma_start3A_1297 : memref<1x40xi32, #tpu.memory_space<vmem>> -> memref<40xi32, #tpu.memory_space<vmem>>
      %dma_start3A_1299 = arith.constant 0 : i32
      %dma_start3A_1300 = arith.constant 0 : i32
      %dma_start3A_1301 = tpu.memref_slice %arg3[%dma_start3A_1299, %dma_start3A_1300] : memref<1000000x64xf32, #tpu.memory_space<hbm>> -> memref<1000000x64xf32, #tpu.memory_space<hbm>>
      %dma_start3A_1302 = tpu.memref_slice %arg7[%dma_start3A_1291] : memref<4x!tpu.dma_semaphore, #tpu.memory_space<semaphore_mem>> -> memref<1x!tpu.dma_semaphore, #tpu.memory_space<semaphore_mem>>
      %dma_start3A_1303 = tpu.memref_squeeze %dma_start3A_1302 : memref<1x!tpu.dma_semaphore, #tpu.memory_space<semaphore_mem>> -> memref<!tpu.dma_semaphore, #tpu.memory_space<semaphore_mem>>
      tpu.enqueue_indirect_dma source(%dma_start3A_1301 : memref<1000000x64xf32, #tpu.memory_space<hbm>>) target(%dma_start3A_1295 : memref<40x64xf32, #tpu.memory_space<vmem>>) offsets(%dma_start3A_1298 : memref<40xi32, #tpu.memory_space<vmem>>) semaphore(%dma_start3A_1303 : memref<!tpu.dma_semaphore, #tpu.memory_space<semaphore_mem>>)
      %dma_start3A_1304 = arith.constant 1 : i32
      %dma_start3A_1305 = arith.constant 1 : i32
      %dma_start3A_1306 = arith.constant 40 : i32
      %dma_start3A_1307 = arith.constant 0 : i32
      %dma_start3A_1308 = tpu.memref_slice %arg6[%dma_start3A_1304, %dma_start3A_1306, %dma_start3A_1307] : memref<4x200x64xf32, #tpu.memory_space<vmem>> -> memref<1x40x64xf32, #tpu.memory_space<vmem>>
      %dma_start3A_1309 = tpu.memref_squeeze %dma_start3A_1308 : memref<1x40x64xf32, #tpu.memory_space<vmem>> -> memref<40x64xf32, #tpu.memory_space<vmem>>
      %dma_start3A_1310 = arith.constant 40 : i32
      %dma_start3A_1311 = tpu.memref_slice %arg5[%add3A_1289, %dma_start3A_1310] : memref<128x200xi32, #tpu.memory_space<vmem>> -> memref<1x40xi32, #tpu.memory_space<vmem>>
      %dma_start3A_1312 = tpu.memref_squeeze %dma_start3A_1311 : memref<1x40xi32, #tpu.memory_space<vmem>> -> memref<40xi32, #tpu.memory_space<vmem>>
      %dma_start3A_1313 = arith.constant 0 : i32
      %dma_start3A_1314 = arith.constant 0 : i32
      %dma_start3A_1315 = tpu.memref_slice %arg3[%dma_start3A_1313, %dma_start3A_1314] : memref<1000000x64xf32, #tpu.memory_space<hbm>> -> memref<1000000x64xf32, #tpu.memory_space<hbm>>
      %dma_start3A_1316 = tpu.memref_slice %arg7[%dma_start3A_1305] : memref<4x!tpu.dma_semaphore, #tpu.memory_space<semaphore_mem>> -> memref<1x!tpu.dma_semaphore, #tpu.memory_space<semaphore_mem>>
      %dma_start3A_1317 = tpu.memref_squeeze %dma_start3A_1316 : memref<1x!tpu.dma_semaphore, #tpu.memory_space<semaphore_mem>> -> memref<!tpu.dma_semaphore, #tpu.memory_space<semaphore_mem>>
      tpu.enqueue_indirect_dma source(%dma_start3A_1315 : memref<1000000x64xf32, #tpu.memory_space<hbm>>) target(%dma_start3A_1309 : memref<40x64xf32, #tpu.memory_space<vmem>>) offsets(%dma_start3A_1312 : memref<40xi32, #tpu.memory_space<vmem>>) semaphore(%dma_start3A_1317 : memref<!tpu.dma_semaphore, #tpu.memory_space<semaphore_mem>>)
      %dma_start3A_1318 = arith.constant 1 : i32
      %dma_start3A_1319 = arith.constant 1 : i32
      %dma_start3A_1320 = arith.constant 80 : i32
      %dma_start3A_1321 = arith.constant 0 : i32
      %dma_start3A_1322 = tpu.memref_slice %arg6[%dma_start3A_1318, %dma_start3A_1320, %dma_start3A_1321] : memref<4x200x64xf32, #tpu.memory_space<vmem>> -> memref<1x40x64xf32, #tpu.memory_space<vmem>>
      %dma_start3A_1323 = tpu.memref_squeeze %dma_start3A_1322 : memref<1x40x64xf32, #tpu.memory_space<vmem>> -> memref<40x64xf32, #tpu.memory_space<vmem>>
      %dma_start3A_1324 = arith.constant 80 : i32
      %dma_start3A_1325 = tpu.memref_slice %arg5[%add3A_1289, %dma_start3A_1324] : memref<128x200xi32, #tpu.memory_space<vmem>> -> memref<1x40xi32, #tpu.memory_space<vmem>>
      %dma_start3A_1326 = tpu.memref_squeeze %dma_start3A_1325 : memref<1x40xi32, #tpu.memory_space<vmem>> -> memref<40xi32, #tpu.memory_space<vmem>>
      %dma_start3A_1327 = arith.constant 0 : i32
      %dma_start3A_1328 = arith.constant 0 : i32
      %dma_start3A_1329 = tpu.memref_slice %arg3[%dma_start3A_1327, %dma_start3A_1328] : memref<1000000x64xf32, #tpu.memory_space<hbm>> -> memref<1000000x64xf32, #tpu.memory_space<hbm>>
      %dma_start3A_1330 = tpu.memref_slice %arg7[%dma_start3A_1319] : memref<4x!tpu.dma_semaphore, #tpu.memory_space<semaphore_mem>> -> memref<1x!tpu.dma_semaphore, #tpu.memory_space<semaphore_mem>>
      %dma_start3A_1331 = tpu.memref_squeeze %dma_start3A_1330 : memref<1x!tpu.dma_semaphore, #tpu.memory_space<semaphore_mem>> -> memref<!tpu.dma_semaphore, #tpu.memory_space<semaphore_mem>>
      tpu.enqueue_indirect_dma source(%dma_start3A_1329 : memref<1000000x64xf32, #tpu.memory_space<hbm>>) target(%dma_start3A_1323 : memref<40x64xf32, #tpu.memory_space<vmem>>) offsets(%dma_start3A_1326 : memref<40xi32, #tpu.memory_space<vmem>>) semaphore(%dma_start3A_1331 : memref<!tpu.dma_semaphore, #tpu.memory_space<semaphore_mem>>)
      %dma_start3A_1332 = arith.constant 1 : i32
      %dma_start3A_1333 = arith.constant 1 : i32
      %dma_start3A_1334 = arith.constant 120 : i32
      %dma_start3A_1335 = arith.constant 0 : i32
      %dma_start3A_1336 = tpu.memref_slice %arg6[%dma_start3A_1332, %dma_start3A_1334, %dma_start3A_1335] : memref<4x200x64xf32, #tpu.memory_space<vmem>> -> memref<1x40x64xf32, #tpu.memory_space<vmem>>
      %dma_start3A_1337 = tpu.memref_squeeze %dma_start3A_1336 : memref<1x40x64xf32, #tpu.memory_space<vmem>> -> memref<40x64xf32, #tpu.memory_space<vmem>>
      %dma_start3A_1338 = arith.constant 120 : i32
      %dma_start3A_1339 = tpu.memref_slice %arg5[%add3A_1289, %dma_start3A_1338] : memref<128x200xi32, #tpu.memory_space<vmem>> -> memref<1x40xi32, #tpu.memory_space<vmem>>
      %dma_start3A_1340 = tpu.memref_squeeze %dma_start3A_1339 : memref<1x40xi32, #tpu.memory_space<vmem>> -> memref<40xi32, #tpu.memory_space<vmem>>
      %dma_start3A_1341 = arith.constant 0 : i32
      %dma_start3A_1342 = arith.constant 0 : i32
      %dma_start3A_1343 = tpu.memref_slice %arg3[%dma_start3A_1341, %dma_start3A_1342] : memref<1000000x64xf32, #tpu.memory_space<hbm>> -> memref<1000000x64xf32, #tpu.memory_space<hbm>>
      %dma_start3A_1344 = tpu.memref_slice %arg7[%dma_start3A_1333] : memref<4x!tpu.dma_semaphore, #tpu.memory_space<semaphore_mem>> -> memref<1x!tpu.dma_semaphore, #tpu.memory_space<semaphore_mem>>
      %dma_start3A_1345 = tpu.memref_squeeze %dma_start3A_1344 : memref<1x!tpu.dma_semaphore, #tpu.memory_space<semaphore_mem>> -> memref<!tpu.dma_semaphore, #tpu.memory_space<semaphore_mem>>
      tpu.enqueue_indirect_dma source(%dma_start3A_1343 : memref<1000000x64xf32, #tpu.memory_space<hbm>>) target(%dma_start3A_1337 : memref<40x64xf32, #tpu.memory_space<vmem>>) offsets(%dma_start3A_1340 : memref<40xi32, #tpu.memory_space<vmem>>) semaphore(%dma_start3A_1345 : memref<!tpu.dma_semaphore, #tpu.memory_space<semaphore_mem>>)
      %dma_start3A_1346 = arith.constant 1 : i32
      %dma_start3A_1347 = arith.constant 1 : i32
      %dma_start3A_1348 = arith.constant 160 : i32
      %dma_start3A_1349 = arith.constant 0 : i32
      %dma_start3A_1350 = tpu.memref_slice %arg6[%dma_start3A_1346, %dma_start3A_1348, %dma_start3A_1349] : memref<4x200x64xf32, #tpu.memory_space<vmem>> -> memref<1x40x64xf32, #tpu.memory_space<vmem>>
      %dma_start3A_1351 = tpu.memref_squeeze %dma_start3A_1350 : memref<1x40x64xf32, #tpu.memory_space<vmem>> -> memref<40x64xf32, #tpu.memory_space<vmem>>
      %dma_start3A_1352 = arith.constant 160 : i32
      %dma_start3A_1353 = tpu.memref_slice %arg5[%add3A_1289, %dma_start3A_1352] : memref<128x200xi32, #tpu.memory_space<vmem>> -> memref<1x40xi32, #tpu.memory_space<vmem>>
      %dma_start3A_1354 = tpu.memref_squeeze %dma_start3A_1353 : memref<1x40xi32, #tpu.memory_space<vmem>> -> memref<40xi32, #tpu.memory_space<vmem>>
      %dma_start3A_1355 = arith.constant 0 : i32
      %dma_start3A_1356 = arith.constant 0 : i32
      %dma_start3A_1357 = tpu.memref_slice %arg3[%dma_start3A_1355, %dma_start3A_1356] : memref<1000000x64xf32, #tpu.memory_space<hbm>> -> memref<1000000x64xf32, #tpu.memory_space<hbm>>
      %dma_start3A_1358 = tpu.memref_slice %arg7[%dma_start3A_1347] : memref<4x!tpu.dma_semaphore, #tpu.memory_space<semaphore_mem>> -> memref<1x!tpu.dma_semaphore, #tpu.memory_space<semaphore_mem>>
      %dma_start3A_1359 = tpu.memref_squeeze %dma_start3A_1358 : memref<1x!tpu.dma_semaphore, #tpu.memory_space<semaphore_mem>> -> memref<!tpu.dma_semaphore, #tpu.memory_space<semaphore_mem>>
      tpu.enqueue_indirect_dma source(%dma_start3A_1357 : memref<1000000x64xf32, #tpu.memory_space<hbm>>) target(%dma_start3A_1351 : memref<40x64xf32, #tpu.memory_space<vmem>>) offsets(%dma_start3A_1354 : memref<40xi32, #tpu.memory_space<vmem>>) semaphore(%dma_start3A_1359 : memref<!tpu.dma_semaphore, #tpu.memory_space<semaphore_mem>>)
      %add3A_1360 = arith.constant 2 : i32
      %add3A_1361 = arith.addi %add3A_785, %add3A_1360 : i32
      %add3A_1362 = arith.addi %mul3A_2, %add3A_1361 : i32
      %dma_wait3A_1363 = arith.constant 2 : i32
      %dma_wait3A_1364 = arith.constant 2 : i32
      %dma_wait3A_1365 = arith.constant 0 : i32
      %dma_wait3A_1366 = arith.constant 0 : i32
      %dma_wait3A_1367 = tpu.memref_slice %arg6[%dma_wait3A_1363, %dma_wait3A_1365, %dma_wait3A_1366] : memref<4x200x64xf32, #tpu.memory_space<vmem>> -> memref<1x200x64xf32, #tpu.memory_space<vmem>>
      %dma_wait3A_1368 = tpu.memref_squeeze %dma_wait3A_1367 : memref<1x200x64xf32, #tpu.memory_space<vmem>> -> memref<200x64xf32, #tpu.memory_space<vmem>>
      %dma_wait3A_1369 = arith.constant 0 : i32
      %dma_wait3A_1370 = arith.constant 0 : i32
      %dma_wait3A_1371 = tpu.memref_slice %arg4[%add3A_1362, %dma_wait3A_1369, %dma_wait3A_1370] : memref<4096x200x128xf32, #tpu.memory_space<hbm>> -> memref<1x200x64xf32, #tpu.memory_space<hbm>>
      %dma_wait3A_1372 = tpu.memref_squeeze %dma_wait3A_1371 : memref<1x200x64xf32, #tpu.memory_space<hbm>> -> memref<200x64xf32, #tpu.memory_space<hbm>>
      %dma_wait3A_1373 = tpu.memref_slice %arg8[%dma_wait3A_1364] : memref<4x!tpu.dma_semaphore, #tpu.memory_space<semaphore_mem>> -> memref<1x!tpu.dma_semaphore, #tpu.memory_space<semaphore_mem>>
      %dma_wait3A_1374 = tpu.memref_squeeze %dma_wait3A_1373 : memref<1x!tpu.dma_semaphore, #tpu.memory_space<semaphore_mem>> -> memref<!tpu.dma_semaphore, #tpu.memory_space<semaphore_mem>>
      %dma_wait3A_1375 = arith.constant 0 : i32
      %dma_wait3A_1376 = arith.constant 0 : i32
      %dma_wait3A_1377 = tpu.memref_slice %arg4[%add3A_1362, %dma_wait3A_1375, %dma_wait3A_1376] : memref<4096x200x128xf32, #tpu.memory_space<hbm>> -> memref<1x200x64xf32, #tpu.memory_space<hbm>>
      %dma_wait3A_1378 = tpu.memref_squeeze %dma_wait3A_1377 : memref<1x200x64xf32, #tpu.memory_space<hbm>> -> memref<200x64xf32, #tpu.memory_space<hbm>>
      %dma_wait3A_1379 = arith.constant 0 : i32
      %dma_wait3A_1380 = arith.constant 0 : i32
      %dma_wait3A_1381 = tpu.memref_slice %arg6[%dma_wait3A_1363, %dma_wait3A_1379, %dma_wait3A_1380] : memref<4x200x64xf32, #tpu.memory_space<vmem>> -> memref<1x200x64xf32, #tpu.memory_space<vmem>>
      %dma_wait3A_1382 = tpu.memref_squeeze %dma_wait3A_1381 : memref<1x200x64xf32, #tpu.memory_space<vmem>> -> memref<200x64xf32, #tpu.memory_space<vmem>>
      tpu.wait_dma2 semaphore(%dma_wait3A_1374 : memref<!tpu.dma_semaphore, #tpu.memory_space<semaphore_mem>>) src(%dma_wait3A_1382 : memref<200x64xf32, #tpu.memory_space<vmem>>) dst(%dma_wait3A_1378 : memref<200x64xf32, #tpu.memory_space<hbm>>)
      %add3A_1383 = arith.constant 4 : i32
      %add3A_1384 = arith.addi %add3A_785, %add3A_1383 : i32
      %add3A_1385 = arith.constant 2 : i32
      %add3A_1386 = arith.addi %add3A_1384, %add3A_1385 : i32
      %dma_start3A_1387 = arith.constant 2 : i32
      %dma_start3A_1388 = arith.constant 2 : i32
      %dma_start3A_1389 = arith.constant 0 : i32
      %dma_start3A_1390 = arith.constant 0 : i32
      %dma_start3A_1391 = tpu.memref_slice %arg6[%dma_start3A_1387, %dma_start3A_1389, %dma_start3A_1390] : memref<4x200x64xf32, #tpu.memory_space<vmem>> -> memref<1x40x64xf32, #tpu.memory_space<vmem>>
      %dma_start3A_1392 = tpu.memref_squeeze %dma_start3A_1391 : memref<1x40x64xf32, #tpu.memory_space<vmem>> -> memref<40x64xf32, #tpu.memory_space<vmem>>
      %dma_start3A_1393 = arith.constant 0 : i32
      %dma_start3A_1394 = tpu.memref_slice %arg5[%add3A_1386, %dma_start3A_1393] : memref<128x200xi32, #tpu.memory_space<vmem>> -> memref<1x40xi32, #tpu.memory_space<vmem>>
      %dma_start3A_1395 = tpu.memref_squeeze %dma_start3A_1394 : memref<1x40xi32, #tpu.memory_space<vmem>> -> memref<40xi32, #tpu.memory_space<vmem>>
      %dma_start3A_1396 = arith.constant 0 : i32
      %dma_start3A_1397 = arith.constant 0 : i32
      %dma_start3A_1398 = tpu.memref_slice %arg3[%dma_start3A_1396, %dma_start3A_1397] : memref<1000000x64xf32, #tpu.memory_space<hbm>> -> memref<1000000x64xf32, #tpu.memory_space<hbm>>
      %dma_start3A_1399 = tpu.memref_slice %arg7[%dma_start3A_1388] : memref<4x!tpu.dma_semaphore, #tpu.memory_space<semaphore_mem>> -> memref<1x!tpu.dma_semaphore, #tpu.memory_space<semaphore_mem>>
      %dma_start3A_1400 = tpu.memref_squeeze %dma_start3A_1399 : memref<1x!tpu.dma_semaphore, #tpu.memory_space<semaphore_mem>> -> memref<!tpu.dma_semaphore, #tpu.memory_space<semaphore_mem>>
      tpu.enqueue_indirect_dma source(%dma_start3A_1398 : memref<1000000x64xf32, #tpu.memory_space<hbm>>) target(%dma_start3A_1392 : memref<40x64xf32, #tpu.memory_space<vmem>>) offsets(%dma_start3A_1395 : memref<40xi32, #tpu.memory_space<vmem>>) semaphore(%dma_start3A_1400 : memref<!tpu.dma_semaphore, #tpu.memory_space<semaphore_mem>>)
      %dma_start3A_1401 = arith.constant 2 : i32
      %dma_start3A_1402 = arith.constant 2 : i32
      %dma_start3A_1403 = arith.constant 40 : i32
      %dma_start3A_1404 = arith.constant 0 : i32
      %dma_start3A_1405 = tpu.memref_slice %arg6[%dma_start3A_1401, %dma_start3A_1403, %dma_start3A_1404] : memref<4x200x64xf32, #tpu.memory_space<vmem>> -> memref<1x40x64xf32, #tpu.memory_space<vmem>>
      %dma_start3A_1406 = tpu.memref_squeeze %dma_start3A_1405 : memref<1x40x64xf32, #tpu.memory_space<vmem>> -> memref<40x64xf32, #tpu.memory_space<vmem>>
      %dma_start3A_1407 = arith.constant 40 : i32
      %dma_start3A_1408 = tpu.memref_slice %arg5[%add3A_1386, %dma_start3A_1407] : memref<128x200xi32, #tpu.memory_space<vmem>> -> memref<1x40xi32, #tpu.memory_space<vmem>>
      %dma_start3A_1409 = tpu.memref_squeeze %dma_start3A_1408 : memref<1x40xi32, #tpu.memory_space<vmem>> -> memref<40xi32, #tpu.memory_space<vmem>>
      %dma_start3A_1410 = arith.constant 0 : i32
      %dma_start3A_1411 = arith.constant 0 : i32
      %dma_start3A_1412 = tpu.memref_slice %arg3[%dma_start3A_1410, %dma_start3A_1411] : memref<1000000x64xf32, #tpu.memory_space<hbm>> -> memref<1000000x64xf32, #tpu.memory_space<hbm>>
      %dma_start3A_1413 = tpu.memref_slice %arg7[%dma_start3A_1402] : memref<4x!tpu.dma_semaphore, #tpu.memory_space<semaphore_mem>> -> memref<1x!tpu.dma_semaphore, #tpu.memory_space<semaphore_mem>>
      %dma_start3A_1414 = tpu.memref_squeeze %dma_start3A_1413 : memref<1x!tpu.dma_semaphore, #tpu.memory_space<semaphore_mem>> -> memref<!tpu.dma_semaphore, #tpu.memory_space<semaphore_mem>>
      tpu.enqueue_indirect_dma source(%dma_start3A_1412 : memref<1000000x64xf32, #tpu.memory_space<hbm>>) target(%dma_start3A_1406 : memref<40x64xf32, #tpu.memory_space<vmem>>) offsets(%dma_start3A_1409 : memref<40xi32, #tpu.memory_space<vmem>>) semaphore(%dma_start3A_1414 : memref<!tpu.dma_semaphore, #tpu.memory_space<semaphore_mem>>)
      %dma_start3A_1415 = arith.constant 2 : i32
      %dma_start3A_1416 = arith.constant 2 : i32
      %dma_start3A_1417 = arith.constant 80 : i32
      %dma_start3A_1418 = arith.constant 0 : i32
      %dma_start3A_1419 = tpu.memref_slice %arg6[%dma_start3A_1415, %dma_start3A_1417, %dma_start3A_1418] : memref<4x200x64xf32, #tpu.memory_space<vmem>> -> memref<1x40x64xf32, #tpu.memory_space<vmem>>
      %dma_start3A_1420 = tpu.memref_squeeze %dma_start3A_1419 : memref<1x40x64xf32, #tpu.memory_space<vmem>> -> memref<40x64xf32, #tpu.memory_space<vmem>>
      %dma_start3A_1421 = arith.constant 80 : i32
      %dma_start3A_1422 = tpu.memref_slice %arg5[%add3A_1386, %dma_start3A_1421] : memref<128x200xi32, #tpu.memory_space<vmem>> -> memref<1x40xi32, #tpu.memory_space<vmem>>
      %dma_start3A_1423 = tpu.memref_squeeze %dma_start3A_1422 : memref<1x40xi32, #tpu.memory_space<vmem>> -> memref<40xi32, #tpu.memory_space<vmem>>
      %dma_start3A_1424 = arith.constant 0 : i32
      %dma_start3A_1425 = arith.constant 0 : i32
      %dma_start3A_1426 = tpu.memref_slice %arg3[%dma_start3A_1424, %dma_start3A_1425] : memref<1000000x64xf32, #tpu.memory_space<hbm>> -> memref<1000000x64xf32, #tpu.memory_space<hbm>>
      %dma_start3A_1427 = tpu.memref_slice %arg7[%dma_start3A_1416] : memref<4x!tpu.dma_semaphore, #tpu.memory_space<semaphore_mem>> -> memref<1x!tpu.dma_semaphore, #tpu.memory_space<semaphore_mem>>
      %dma_start3A_1428 = tpu.memref_squeeze %dma_start3A_1427 : memref<1x!tpu.dma_semaphore, #tpu.memory_space<semaphore_mem>> -> memref<!tpu.dma_semaphore, #tpu.memory_space<semaphore_mem>>
      tpu.enqueue_indirect_dma source(%dma_start3A_1426 : memref<1000000x64xf32, #tpu.memory_space<hbm>>) target(%dma_start3A_1420 : memref<40x64xf32, #tpu.memory_space<vmem>>) offsets(%dma_start3A_1423 : memref<40xi32, #tpu.memory_space<vmem>>) semaphore(%dma_start3A_1428 : memref<!tpu.dma_semaphore, #tpu.memory_space<semaphore_mem>>)
      %dma_start3A_1429 = arith.constant 2 : i32
      %dma_start3A_1430 = arith.constant 2 : i32
      %dma_start3A_1431 = arith.constant 120 : i32
      %dma_start3A_1432 = arith.constant 0 : i32
      %dma_start3A_1433 = tpu.memref_slice %arg6[%dma_start3A_1429, %dma_start3A_1431, %dma_start3A_1432] : memref<4x200x64xf32, #tpu.memory_space<vmem>> -> memref<1x40x64xf32, #tpu.memory_space<vmem>>
      %dma_start3A_1434 = tpu.memref_squeeze %dma_start3A_1433 : memref<1x40x64xf32, #tpu.memory_space<vmem>> -> memref<40x64xf32, #tpu.memory_space<vmem>>
      %dma_start3A_1435 = arith.constant 120 : i32
      %dma_start3A_1436 = tpu.memref_slice %arg5[%add3A_1386, %dma_start3A_1435] : memref<128x200xi32, #tpu.memory_space<vmem>> -> memref<1x40xi32, #tpu.memory_space<vmem>>
      %dma_start3A_1437 = tpu.memref_squeeze %dma_start3A_1436 : memref<1x40xi32, #tpu.memory_space<vmem>> -> memref<40xi32, #tpu.memory_space<vmem>>
      %dma_start3A_1438 = arith.constant 0 : i32
      %dma_start3A_1439 = arith.constant 0 : i32
      %dma_start3A_1440 = tpu.memref_slice %arg3[%dma_start3A_1438, %dma_start3A_1439] : memref<1000000x64xf32, #tpu.memory_space<hbm>> -> memref<1000000x64xf32, #tpu.memory_space<hbm>>
      %dma_start3A_1441 = tpu.memref_slice %arg7[%dma_start3A_1430] : memref<4x!tpu.dma_semaphore, #tpu.memory_space<semaphore_mem>> -> memref<1x!tpu.dma_semaphore, #tpu.memory_space<semaphore_mem>>
      %dma_start3A_1442 = tpu.memref_squeeze %dma_start3A_1441 : memref<1x!tpu.dma_semaphore, #tpu.memory_space<semaphore_mem>> -> memref<!tpu.dma_semaphore, #tpu.memory_space<semaphore_mem>>
      tpu.enqueue_indirect_dma source(%dma_start3A_1440 : memref<1000000x64xf32, #tpu.memory_space<hbm>>) target(%dma_start3A_1434 : memref<40x64xf32, #tpu.memory_space<vmem>>) offsets(%dma_start3A_1437 : memref<40xi32, #tpu.memory_space<vmem>>) semaphore(%dma_start3A_1442 : memref<!tpu.dma_semaphore, #tpu.memory_space<semaphore_mem>>)
      %dma_start3A_1443 = arith.constant 2 : i32
      %dma_start3A_1444 = arith.constant 2 : i32
      %dma_start3A_1445 = arith.constant 160 : i32
      %dma_start3A_1446 = arith.constant 0 : i32
      %dma_start3A_1447 = tpu.memref_slice %arg6[%dma_start3A_1443, %dma_start3A_1445, %dma_start3A_1446] : memref<4x200x64xf32, #tpu.memory_space<vmem>> -> memref<1x40x64xf32, #tpu.memory_space<vmem>>
      %dma_start3A_1448 = tpu.memref_squeeze %dma_start3A_1447 : memref<1x40x64xf32, #tpu.memory_space<vmem>> -> memref<40x64xf32, #tpu.memory_space<vmem>>
      %dma_start3A_1449 = arith.constant 160 : i32
      %dma_start3A_1450 = tpu.memref_slice %arg5[%add3A_1386, %dma_start3A_1449] : memref<128x200xi32, #tpu.memory_space<vmem>> -> memref<1x40xi32, #tpu.memory_space<vmem>>
      %dma_start3A_1451 = tpu.memref_squeeze %dma_start3A_1450 : memref<1x40xi32, #tpu.memory_space<vmem>> -> memref<40xi32, #tpu.memory_space<vmem>>
      %dma_start3A_1452 = arith.constant 0 : i32
      %dma_start3A_1453 = arith.constant 0 : i32
      %dma_start3A_1454 = tpu.memref_slice %arg3[%dma_start3A_1452, %dma_start3A_1453] : memref<1000000x64xf32, #tpu.memory_space<hbm>> -> memref<1000000x64xf32, #tpu.memory_space<hbm>>
      %dma_start3A_1455 = tpu.memref_slice %arg7[%dma_start3A_1444] : memref<4x!tpu.dma_semaphore, #tpu.memory_space<semaphore_mem>> -> memref<1x!tpu.dma_semaphore, #tpu.memory_space<semaphore_mem>>
      %dma_start3A_1456 = tpu.memref_squeeze %dma_start3A_1455 : memref<1x!tpu.dma_semaphore, #tpu.memory_space<semaphore_mem>> -> memref<!tpu.dma_semaphore, #tpu.memory_space<semaphore_mem>>
      tpu.enqueue_indirect_dma source(%dma_start3A_1454 : memref<1000000x64xf32, #tpu.memory_space<hbm>>) target(%dma_start3A_1448 : memref<40x64xf32, #tpu.memory_space<vmem>>) offsets(%dma_start3A_1451 : memref<40xi32, #tpu.memory_space<vmem>>) semaphore(%dma_start3A_1456 : memref<!tpu.dma_semaphore, #tpu.memory_space<semaphore_mem>>)
      %add3A_1457 = arith.constant 3 : i32
      %add3A_1458 = arith.addi %add3A_785, %add3A_1457 : i32
      %add3A_1459 = arith.addi %mul3A_2, %add3A_1458 : i32
      %dma_wait3A_1460 = arith.constant 3 : i32
      %dma_wait3A_1461 = arith.constant 3 : i32
      %dma_wait3A_1462 = arith.constant 0 : i32
      %dma_wait3A_1463 = arith.constant 0 : i32
      %dma_wait3A_1464 = tpu.memref_slice %arg6[%dma_wait3A_1460, %dma_wait3A_1462, %dma_wait3A_1463] : memref<4x200x64xf32, #tpu.memory_space<vmem>> -> memref<1x200x64xf32, #tpu.memory_space<vmem>>
      %dma_wait3A_1465 = tpu.memref_squeeze %dma_wait3A_1464 : memref<1x200x64xf32, #tpu.memory_space<vmem>> -> memref<200x64xf32, #tpu.memory_space<vmem>>
      %dma_wait3A_1466 = arith.constant 0 : i32
      %dma_wait3A_1467 = arith.constant 0 : i32
      %dma_wait3A_1468 = tpu.memref_slice %arg4[%add3A_1459, %dma_wait3A_1466, %dma_wait3A_1467] : memref<4096x200x128xf32, #tpu.memory_space<hbm>> -> memref<1x200x64xf32, #tpu.memory_space<hbm>>
      %dma_wait3A_1469 = tpu.memref_squeeze %dma_wait3A_1468 : memref<1x200x64xf32, #tpu.memory_space<hbm>> -> memref<200x64xf32, #tpu.memory_space<hbm>>
      %dma_wait3A_1470 = tpu.memref_slice %arg8[%dma_wait3A_1461] : memref<4x!tpu.dma_semaphore, #tpu.memory_space<semaphore_mem>> -> memref<1x!tpu.dma_semaphore, #tpu.memory_space<semaphore_mem>>
      %dma_wait3A_1471 = tpu.memref_squeeze %dma_wait3A_1470 : memref<1x!tpu.dma_semaphore, #tpu.memory_space<semaphore_mem>> -> memref<!tpu.dma_semaphore, #tpu.memory_space<semaphore_mem>>
      %dma_wait3A_1472 = arith.constant 0 : i32
      %dma_wait3A_1473 = arith.constant 0 : i32
      %dma_wait3A_1474 = tpu.memref_slice %arg4[%add3A_1459, %dma_wait3A_1472, %dma_wait3A_1473] : memref<4096x200x128xf32, #tpu.memory_space<hbm>> -> memref<1x200x64xf32, #tpu.memory_space<hbm>>
      %dma_wait3A_1475 = tpu.memref_squeeze %dma_wait3A_1474 : memref<1x200x64xf32, #tpu.memory_space<hbm>> -> memref<200x64xf32, #tpu.memory_space<hbm>>
      %dma_wait3A_1476 = arith.constant 0 : i32
      %dma_wait3A_1477 = arith.constant 0 : i32
      %dma_wait3A_1478 = tpu.memref_slice %arg6[%dma_wait3A_1460, %dma_wait3A_1476, %dma_wait3A_1477] : memref<4x200x64xf32, #tpu.memory_space<vmem>> -> memref<1x200x64xf32, #tpu.memory_space<vmem>>
      %dma_wait3A_1479 = tpu.memref_squeeze %dma_wait3A_1478 : memref<1x200x64xf32, #tpu.memory_space<vmem>> -> memref<200x64xf32, #tpu.memory_space<vmem>>
      tpu.wait_dma2 semaphore(%dma_wait3A_1471 : memref<!tpu.dma_semaphore, #tpu.memory_space<semaphore_mem>>) src(%dma_wait3A_1479 : memref<200x64xf32, #tpu.memory_space<vmem>>) dst(%dma_wait3A_1475 : memref<200x64xf32, #tpu.memory_space<hbm>>)
      %add3A_1480 = arith.constant 4 : i32
      %add3A_1481 = arith.addi %add3A_785, %add3A_1480 : i32
      %add3A_1482 = arith.constant 3 : i32
      %add3A_1483 = arith.addi %add3A_1481, %add3A_1482 : i32
      %dma_start3A_1484 = arith.constant 3 : i32
      %dma_start3A_1485 = arith.constant 3 : i32
      %dma_start3A_1486 = arith.constant 0 : i32
      %dma_start3A_1487 = arith.constant 0 : i32
      %dma_start3A_1488 = tpu.memref_slice %arg6[%dma_start3A_1484, %dma_start3A_1486, %dma_start3A_1487] : memref<4x200x64xf32, #tpu.memory_space<vmem>> -> memref<1x40x64xf32, #tpu.memory_space<vmem>>
      %dma_start3A_1489 = tpu.memref_squeeze %dma_start3A_1488 : memref<1x40x64xf32, #tpu.memory_space<vmem>> -> memref<40x64xf32, #tpu.memory_space<vmem>>
      %dma_start3A_1490 = arith.constant 0 : i32
      %dma_start3A_1491 = tpu.memref_slice %arg5[%add3A_1483, %dma_start3A_1490] : memref<128x200xi32, #tpu.memory_space<vmem>> -> memref<1x40xi32, #tpu.memory_space<vmem>>
      %dma_start3A_1492 = tpu.memref_squeeze %dma_start3A_1491 : memref<1x40xi32, #tpu.memory_space<vmem>> -> memref<40xi32, #tpu.memory_space<vmem>>
      %dma_start3A_1493 = arith.constant 0 : i32
      %dma_start3A_1494 = arith.constant 0 : i32
      %dma_start3A_1495 = tpu.memref_slice %arg3[%dma_start3A_1493, %dma_start3A_1494] : memref<1000000x64xf32, #tpu.memory_space<hbm>> -> memref<1000000x64xf32, #tpu.memory_space<hbm>>
      %dma_start3A_1496 = tpu.memref_slice %arg7[%dma_start3A_1485] : memref<4x!tpu.dma_semaphore, #tpu.memory_space<semaphore_mem>> -> memref<1x!tpu.dma_semaphore, #tpu.memory_space<semaphore_mem>>
      %dma_start3A_1497 = tpu.memref_squeeze %dma_start3A_1496 : memref<1x!tpu.dma_semaphore, #tpu.memory_space<semaphore_mem>> -> memref<!tpu.dma_semaphore, #tpu.memory_space<semaphore_mem>>
      tpu.enqueue_indirect_dma source(%dma_start3A_1495 : memref<1000000x64xf32, #tpu.memory_space<hbm>>) target(%dma_start3A_1489 : memref<40x64xf32, #tpu.memory_space<vmem>>) offsets(%dma_start3A_1492 : memref<40xi32, #tpu.memory_space<vmem>>) semaphore(%dma_start3A_1497 : memref<!tpu.dma_semaphore, #tpu.memory_space<semaphore_mem>>)
      %dma_start3A_1498 = arith.constant 3 : i32
      %dma_start3A_1499 = arith.constant 3 : i32
      %dma_start3A_1500 = arith.constant 40 : i32
      %dma_start3A_1501 = arith.constant 0 : i32
      %dma_start3A_1502 = tpu.memref_slice %arg6[%dma_start3A_1498, %dma_start3A_1500, %dma_start3A_1501] : memref<4x200x64xf32, #tpu.memory_space<vmem>> -> memref<1x40x64xf32, #tpu.memory_space<vmem>>
      %dma_start3A_1503 = tpu.memref_squeeze %dma_start3A_1502 : memref<1x40x64xf32, #tpu.memory_space<vmem>> -> memref<40x64xf32, #tpu.memory_space<vmem>>
      %dma_start3A_1504 = arith.constant 40 : i32
      %dma_start3A_1505 = tpu.memref_slice %arg5[%add3A_1483, %dma_start3A_1504] : memref<128x200xi32, #tpu.memory_space<vmem>> -> memref<1x40xi32, #tpu.memory_space<vmem>>
      %dma_start3A_1506 = tpu.memref_squeeze %dma_start3A_1505 : memref<1x40xi32, #tpu.memory_space<vmem>> -> memref<40xi32, #tpu.memory_space<vmem>>
      %dma_start3A_1507 = arith.constant 0 : i32
      %dma_start3A_1508 = arith.constant 0 : i32
      %dma_start3A_1509 = tpu.memref_slice %arg3[%dma_start3A_1507, %dma_start3A_1508] : memref<1000000x64xf32, #tpu.memory_space<hbm>> -> memref<1000000x64xf32, #tpu.memory_space<hbm>>
      %dma_start3A_1510 = tpu.memref_slice %arg7[%dma_start3A_1499] : memref<4x!tpu.dma_semaphore, #tpu.memory_space<semaphore_mem>> -> memref<1x!tpu.dma_semaphore, #tpu.memory_space<semaphore_mem>>
      %dma_start3A_1511 = tpu.memref_squeeze %dma_start3A_1510 : memref<1x!tpu.dma_semaphore, #tpu.memory_space<semaphore_mem>> -> memref<!tpu.dma_semaphore, #tpu.memory_space<semaphore_mem>>
      tpu.enqueue_indirect_dma source(%dma_start3A_1509 : memref<1000000x64xf32, #tpu.memory_space<hbm>>) target(%dma_start3A_1503 : memref<40x64xf32, #tpu.memory_space<vmem>>) offsets(%dma_start3A_1506 : memref<40xi32, #tpu.memory_space<vmem>>) semaphore(%dma_start3A_1511 : memref<!tpu.dma_semaphore, #tpu.memory_space<semaphore_mem>>)
      %dma_start3A_1512 = arith.constant 3 : i32
      %dma_start3A_1513 = arith.constant 3 : i32
      %dma_start3A_1514 = arith.constant 80 : i32
      %dma_start3A_1515 = arith.constant 0 : i32
      %dma_start3A_1516 = tpu.memref_slice %arg6[%dma_start3A_1512, %dma_start3A_1514, %dma_start3A_1515] : memref<4x200x64xf32, #tpu.memory_space<vmem>> -> memref<1x40x64xf32, #tpu.memory_space<vmem>>
      %dma_start3A_1517 = tpu.memref_squeeze %dma_start3A_1516 : memref<1x40x64xf32, #tpu.memory_space<vmem>> -> memref<40x64xf32, #tpu.memory_space<vmem>>
      %dma_start3A_1518 = arith.constant 80 : i32
      %dma_start3A_1519 = tpu.memref_slice %arg5[%add3A_1483, %dma_start3A_1518] : memref<128x200xi32, #tpu.memory_space<vmem>> -> memref<1x40xi32, #tpu.memory_space<vmem>>
      %dma_start3A_1520 = tpu.memref_squeeze %dma_start3A_1519 : memref<1x40xi32, #tpu.memory_space<vmem>> -> memref<40xi32, #tpu.memory_space<vmem>>
      %dma_start3A_1521 = arith.constant 0 : i32
      %dma_start3A_1522 = arith.constant 0 : i32
      %dma_start3A_1523 = tpu.memref_slice %arg3[%dma_start3A_1521, %dma_start3A_1522] : memref<1000000x64xf32, #tpu.memory_space<hbm>> -> memref<1000000x64xf32, #tpu.memory_space<hbm>>
      %dma_start3A_1524 = tpu.memref_slice %arg7[%dma_start3A_1513] : memref<4x!tpu.dma_semaphore, #tpu.memory_space<semaphore_mem>> -> memref<1x!tpu.dma_semaphore, #tpu.memory_space<semaphore_mem>>
      %dma_start3A_1525 = tpu.memref_squeeze %dma_start3A_1524 : memref<1x!tpu.dma_semaphore, #tpu.memory_space<semaphore_mem>> -> memref<!tpu.dma_semaphore, #tpu.memory_space<semaphore_mem>>
      tpu.enqueue_indirect_dma source(%dma_start3A_1523 : memref<1000000x64xf32, #tpu.memory_space<hbm>>) target(%dma_start3A_1517 : memref<40x64xf32, #tpu.memory_space<vmem>>) offsets(%dma_start3A_1520 : memref<40xi32, #tpu.memory_space<vmem>>) semaphore(%dma_start3A_1525 : memref<!tpu.dma_semaphore, #tpu.memory_space<semaphore_mem>>)
      %dma_start3A_1526 = arith.constant 3 : i32
      %dma_start3A_1527 = arith.constant 3 : i32
      %dma_start3A_1528 = arith.constant 120 : i32
      %dma_start3A_1529 = arith.constant 0 : i32
      %dma_start3A_1530 = tpu.memref_slice %arg6[%dma_start3A_1526, %dma_start3A_1528, %dma_start3A_1529] : memref<4x200x64xf32, #tpu.memory_space<vmem>> -> memref<1x40x64xf32, #tpu.memory_space<vmem>>
      %dma_start3A_1531 = tpu.memref_squeeze %dma_start3A_1530 : memref<1x40x64xf32, #tpu.memory_space<vmem>> -> memref<40x64xf32, #tpu.memory_space<vmem>>
      %dma_start3A_1532 = arith.constant 120 : i32
      %dma_start3A_1533 = tpu.memref_slice %arg5[%add3A_1483, %dma_start3A_1532] : memref<128x200xi32, #tpu.memory_space<vmem>> -> memref<1x40xi32, #tpu.memory_space<vmem>>
      %dma_start3A_1534 = tpu.memref_squeeze %dma_start3A_1533 : memref<1x40xi32, #tpu.memory_space<vmem>> -> memref<40xi32, #tpu.memory_space<vmem>>
      %dma_start3A_1535 = arith.constant 0 : i32
      %dma_start3A_1536 = arith.constant 0 : i32
      %dma_start3A_1537 = tpu.memref_slice %arg3[%dma_start3A_1535, %dma_start3A_1536] : memref<1000000x64xf32, #tpu.memory_space<hbm>> -> memref<1000000x64xf32, #tpu.memory_space<hbm>>
      %dma_start3A_1538 = tpu.memref_slice %arg7[%dma_start3A_1527] : memref<4x!tpu.dma_semaphore, #tpu.memory_space<semaphore_mem>> -> memref<1x!tpu.dma_semaphore, #tpu.memory_space<semaphore_mem>>
      %dma_start3A_1539 = tpu.memref_squeeze %dma_start3A_1538 : memref<1x!tpu.dma_semaphore, #tpu.memory_space<semaphore_mem>> -> memref<!tpu.dma_semaphore, #tpu.memory_space<semaphore_mem>>
      tpu.enqueue_indirect_dma source(%dma_start3A_1537 : memref<1000000x64xf32, #tpu.memory_space<hbm>>) target(%dma_start3A_1531 : memref<40x64xf32, #tpu.memory_space<vmem>>) offsets(%dma_start3A_1534 : memref<40xi32, #tpu.memory_space<vmem>>) semaphore(%dma_start3A_1539 : memref<!tpu.dma_semaphore, #tpu.memory_space<semaphore_mem>>)
      %dma_start3A_1540 = arith.constant 3 : i32
      %dma_start3A_1541 = arith.constant 3 : i32
      %dma_start3A_1542 = arith.constant 160 : i32
      %dma_start3A_1543 = arith.constant 0 : i32
      %dma_start3A_1544 = tpu.memref_slice %arg6[%dma_start3A_1540, %dma_start3A_1542, %dma_start3A_1543] : memref<4x200x64xf32, #tpu.memory_space<vmem>> -> memref<1x40x64xf32, #tpu.memory_space<vmem>>
      %dma_start3A_1545 = tpu.memref_squeeze %dma_start3A_1544 : memref<1x40x64xf32, #tpu.memory_space<vmem>> -> memref<40x64xf32, #tpu.memory_space<vmem>>
      %dma_start3A_1546 = arith.constant 160 : i32
      %dma_start3A_1547 = tpu.memref_slice %arg5[%add3A_1483, %dma_start3A_1546] : memref<128x200xi32, #tpu.memory_space<vmem>> -> memref<1x40xi32, #tpu.memory_space<vmem>>
      %dma_start3A_1548 = tpu.memref_squeeze %dma_start3A_1547 : memref<1x40xi32, #tpu.memory_space<vmem>> -> memref<40xi32, #tpu.memory_space<vmem>>
      %dma_start3A_1549 = arith.constant 0 : i32
      %dma_start3A_1550 = arith.constant 0 : i32
      %dma_start3A_1551 = tpu.memref_slice %arg3[%dma_start3A_1549, %dma_start3A_1550] : memref<1000000x64xf32, #tpu.memory_space<hbm>> -> memref<1000000x64xf32, #tpu.memory_space<hbm>>
      %dma_start3A_1552 = tpu.memref_slice %arg7[%dma_start3A_1541] : memref<4x!tpu.dma_semaphore, #tpu.memory_space<semaphore_mem>> -> memref<1x!tpu.dma_semaphore, #tpu.memory_space<semaphore_mem>>
      %dma_start3A_1553 = tpu.memref_squeeze %dma_start3A_1552 : memref<1x!tpu.dma_semaphore, #tpu.memory_space<semaphore_mem>> -> memref<!tpu.dma_semaphore, #tpu.memory_space<semaphore_mem>>
      tpu.enqueue_indirect_dma source(%dma_start3A_1551 : memref<1000000x64xf32, #tpu.memory_space<hbm>>) target(%dma_start3A_1545 : memref<40x64xf32, #tpu.memory_space<vmem>>) offsets(%dma_start3A_1548 : memref<40xi32, #tpu.memory_space<vmem>>) semaphore(%dma_start3A_1553 : memref<!tpu.dma_semaphore, #tpu.memory_space<semaphore_mem>>)
    }
    %scan3A_305 = arith.constant 31 : i32
    %dma_wait3A = arith.constant 124 : i32
    %dma_wait3A_306 = arith.constant 0 : i32
    %dma_wait3A_307 = arith.constant 0 : i32
    %dma_wait3A_308 = arith.constant 0 : i32
    %dma_wait3A_309 = arith.constant 0 : i32
    %dma_wait3A_310 = tpu.memref_slice %arg6[%dma_wait3A_306, %dma_wait3A_308, %dma_wait3A_309] : memref<4x200x64xf32, #tpu.memory_space<vmem>> -> memref<1x40x64xf32, #tpu.memory_space<vmem>>
    %dma_wait3A_311 = tpu.memref_squeeze %dma_wait3A_310 : memref<1x40x64xf32, #tpu.memory_space<vmem>> -> memref<40x64xf32, #tpu.memory_space<vmem>>
    %dma_wait3A_312 = arith.constant 0 : i32
    %dma_wait3A_313 = tpu.memref_slice %arg5[%dma_wait3A, %dma_wait3A_312] : memref<128x200xi32, #tpu.memory_space<vmem>> -> memref<1x40xi32, #tpu.memory_space<vmem>>
    %dma_wait3A_314 = tpu.memref_squeeze %dma_wait3A_313 : memref<1x40xi32, #tpu.memory_space<vmem>> -> memref<40xi32, #tpu.memory_space<vmem>>
    %dma_wait3A_315 = arith.constant 0 : i32
    %dma_wait3A_316 = arith.constant 0 : i32
    %dma_wait3A_317 = tpu.memref_slice %arg3[%dma_wait3A_315, %dma_wait3A_316] : memref<1000000x64xf32, #tpu.memory_space<hbm>> -> memref<1000000x64xf32, #tpu.memory_space<hbm>>
    %dma_wait3A_318 = tpu.memref_slice %arg7[%dma_wait3A_307] : memref<4x!tpu.dma_semaphore, #tpu.memory_space<semaphore_mem>> -> memref<1x!tpu.dma_semaphore, #tpu.memory_space<semaphore_mem>>
    %dma_wait3A_319 = tpu.memref_squeeze %dma_wait3A_318 : memref<1x!tpu.dma_semaphore, #tpu.memory_space<semaphore_mem>> -> memref<!tpu.dma_semaphore, #tpu.memory_space<semaphore_mem>>
    tpu.wait_indirect_dma semaphore(%dma_wait3A_319 : memref<!tpu.dma_semaphore, #tpu.memory_space<semaphore_mem>>) src(%dma_wait3A_317 : memref<1000000x64xf32, #tpu.memory_space<hbm>>) dst(%dma_wait3A_311 : memref<40x64xf32, #tpu.memory_space<vmem>>)
    %dma_wait3A_320 = arith.constant 124 : i32
    %dma_wait3A_321 = arith.constant 0 : i32
    %dma_wait3A_322 = arith.constant 0 : i32
    %dma_wait3A_323 = arith.constant 40 : i32
    %dma_wait3A_324 = arith.constant 0 : i32
    %dma_wait3A_325 = tpu.memref_slice %arg6[%dma_wait3A_321, %dma_wait3A_323, %dma_wait3A_324] : memref<4x200x64xf32, #tpu.memory_space<vmem>> -> memref<1x40x64xf32, #tpu.memory_space<vmem>>
    %dma_wait3A_326 = tpu.memref_squeeze %dma_wait3A_325 : memref<1x40x64xf32, #tpu.memory_space<vmem>> -> memref<40x64xf32, #tpu.memory_space<vmem>>
    %dma_wait3A_327 = arith.constant 40 : i32
    %dma_wait3A_328 = tpu.memref_slice %arg5[%dma_wait3A_320, %dma_wait3A_327] : memref<128x200xi32, #tpu.memory_space<vmem>> -> memref<1x40xi32, #tpu.memory_space<vmem>>
    %dma_wait3A_329 = tpu.memref_squeeze %dma_wait3A_328 : memref<1x40xi32, #tpu.memory_space<vmem>> -> memref<40xi32, #tpu.memory_space<vmem>>
    %dma_wait3A_330 = arith.constant 0 : i32
    %dma_wait3A_331 = arith.constant 0 : i32
    %dma_wait3A_332 = tpu.memref_slice %arg3[%dma_wait3A_330, %dma_wait3A_331] : memref<1000000x64xf32, #tpu.memory_space<hbm>> -> memref<1000000x64xf32, #tpu.memory_space<hbm>>
    %dma_wait3A_333 = tpu.memref_slice %arg7[%dma_wait3A_322] : memref<4x!tpu.dma_semaphore, #tpu.memory_space<semaphore_mem>> -> memref<1x!tpu.dma_semaphore, #tpu.memory_space<semaphore_mem>>
    %dma_wait3A_334 = tpu.memref_squeeze %dma_wait3A_333 : memref<1x!tpu.dma_semaphore, #tpu.memory_space<semaphore_mem>> -> memref<!tpu.dma_semaphore, #tpu.memory_space<semaphore_mem>>
    tpu.wait_indirect_dma semaphore(%dma_wait3A_334 : memref<!tpu.dma_semaphore, #tpu.memory_space<semaphore_mem>>) src(%dma_wait3A_332 : memref<1000000x64xf32, #tpu.memory_space<hbm>>) dst(%dma_wait3A_326 : memref<40x64xf32, #tpu.memory_space<vmem>>)
    %dma_wait3A_335 = arith.constant 124 : i32
    %dma_wait3A_336 = arith.constant 0 : i32
    %dma_wait3A_337 = arith.constant 0 : i32
    %dma_wait3A_338 = arith.constant 80 : i32
    %dma_wait3A_339 = arith.constant 0 : i32
    %dma_wait3A_340 = tpu.memref_slice %arg6[%dma_wait3A_336, %dma_wait3A_338, %dma_wait3A_339] : memref<4x200x64xf32, #tpu.memory_space<vmem>> -> memref<1x40x64xf32, #tpu.memory_space<vmem>>
    %dma_wait3A_341 = tpu.memref_squeeze %dma_wait3A_340 : memref<1x40x64xf32, #tpu.memory_space<vmem>> -> memref<40x64xf32, #tpu.memory_space<vmem>>
    %dma_wait3A_342 = arith.constant 80 : i32
    %dma_wait3A_343 = tpu.memref_slice %arg5[%dma_wait3A_335, %dma_wait3A_342] : memref<128x200xi32, #tpu.memory_space<vmem>> -> memref<1x40xi32, #tpu.memory_space<vmem>>
    %dma_wait3A_344 = tpu.memref_squeeze %dma_wait3A_343 : memref<1x40xi32, #tpu.memory_space<vmem>> -> memref<40xi32, #tpu.memory_space<vmem>>
    %dma_wait3A_345 = arith.constant 0 : i32
    %dma_wait3A_346 = arith.constant 0 : i32
    %dma_wait3A_347 = tpu.memref_slice %arg3[%dma_wait3A_345, %dma_wait3A_346] : memref<1000000x64xf32, #tpu.memory_space<hbm>> -> memref<1000000x64xf32, #tpu.memory_space<hbm>>
    %dma_wait3A_348 = tpu.memref_slice %arg7[%dma_wait3A_337] : memref<4x!tpu.dma_semaphore, #tpu.memory_space<semaphore_mem>> -> memref<1x!tpu.dma_semaphore, #tpu.memory_space<semaphore_mem>>
    %dma_wait3A_349 = tpu.memref_squeeze %dma_wait3A_348 : memref<1x!tpu.dma_semaphore, #tpu.memory_space<semaphore_mem>> -> memref<!tpu.dma_semaphore, #tpu.memory_space<semaphore_mem>>
    tpu.wait_indirect_dma semaphore(%dma_wait3A_349 : memref<!tpu.dma_semaphore, #tpu.memory_space<semaphore_mem>>) src(%dma_wait3A_347 : memref<1000000x64xf32, #tpu.memory_space<hbm>>) dst(%dma_wait3A_341 : memref<40x64xf32, #tpu.memory_space<vmem>>)
    %dma_wait3A_350 = arith.constant 124 : i32
    %dma_wait3A_351 = arith.constant 0 : i32
    %dma_wait3A_352 = arith.constant 0 : i32
    %dma_wait3A_353 = arith.constant 120 : i32
    %dma_wait3A_354 = arith.constant 0 : i32
    %dma_wait3A_355 = tpu.memref_slice %arg6[%dma_wait3A_351, %dma_wait3A_353, %dma_wait3A_354] : memref<4x200x64xf32, #tpu.memory_space<vmem>> -> memref<1x40x64xf32, #tpu.memory_space<vmem>>
    %dma_wait3A_356 = tpu.memref_squeeze %dma_wait3A_355 : memref<1x40x64xf32, #tpu.memory_space<vmem>> -> memref<40x64xf32, #tpu.memory_space<vmem>>
    %dma_wait3A_357 = arith.constant 120 : i32
    %dma_wait3A_358 = tpu.memref_slice %arg5[%dma_wait3A_350, %dma_wait3A_357] : memref<128x200xi32, #tpu.memory_space<vmem>> -> memref<1x40xi32, #tpu.memory_space<vmem>>
    %dma_wait3A_359 = tpu.memref_squeeze %dma_wait3A_358 : memref<1x40xi32, #tpu.memory_space<vmem>> -> memref<40xi32, #tpu.memory_space<vmem>>
    %dma_wait3A_360 = arith.constant 0 : i32
    %dma_wait3A_361 = arith.constant 0 : i32
    %dma_wait3A_362 = tpu.memref_slice %arg3[%dma_wait3A_360, %dma_wait3A_361] : memref<1000000x64xf32, #tpu.memory_space<hbm>> -> memref<1000000x64xf32, #tpu.memory_space<hbm>>
    %dma_wait3A_363 = tpu.memref_slice %arg7[%dma_wait3A_352] : memref<4x!tpu.dma_semaphore, #tpu.memory_space<semaphore_mem>> -> memref<1x!tpu.dma_semaphore, #tpu.memory_space<semaphore_mem>>
    %dma_wait3A_364 = tpu.memref_squeeze %dma_wait3A_363 : memref<1x!tpu.dma_semaphore, #tpu.memory_space<semaphore_mem>> -> memref<!tpu.dma_semaphore, #tpu.memory_space<semaphore_mem>>
    tpu.wait_indirect_dma semaphore(%dma_wait3A_364 : memref<!tpu.dma_semaphore, #tpu.memory_space<semaphore_mem>>) src(%dma_wait3A_362 : memref<1000000x64xf32, #tpu.memory_space<hbm>>) dst(%dma_wait3A_356 : memref<40x64xf32, #tpu.memory_space<vmem>>)
    %dma_wait3A_365 = arith.constant 124 : i32
    %dma_wait3A_366 = arith.constant 0 : i32
    %dma_wait3A_367 = arith.constant 0 : i32
    %dma_wait3A_368 = arith.constant 160 : i32
    %dma_wait3A_369 = arith.constant 0 : i32
    %dma_wait3A_370 = tpu.memref_slice %arg6[%dma_wait3A_366, %dma_wait3A_368, %dma_wait3A_369] : memref<4x200x64xf32, #tpu.memory_space<vmem>> -> memref<1x40x64xf32, #tpu.memory_space<vmem>>
    %dma_wait3A_371 = tpu.memref_squeeze %dma_wait3A_370 : memref<1x40x64xf32, #tpu.memory_space<vmem>> -> memref<40x64xf32, #tpu.memory_space<vmem>>
    %dma_wait3A_372 = arith.constant 160 : i32
    %dma_wait3A_373 = tpu.memref_slice %arg5[%dma_wait3A_365, %dma_wait3A_372] : memref<128x200xi32, #tpu.memory_space<vmem>> -> memref<1x40xi32, #tpu.memory_space<vmem>>
    %dma_wait3A_374 = tpu.memref_squeeze %dma_wait3A_373 : memref<1x40xi32, #tpu.memory_space<vmem>> -> memref<40xi32, #tpu.memory_space<vmem>>
    %dma_wait3A_375 = arith.constant 0 : i32
    %dma_wait3A_376 = arith.constant 0 : i32
    %dma_wait3A_377 = tpu.memref_slice %arg3[%dma_wait3A_375, %dma_wait3A_376] : memref<1000000x64xf32, #tpu.memory_space<hbm>> -> memref<1000000x64xf32, #tpu.memory_space<hbm>>
    %dma_wait3A_378 = tpu.memref_slice %arg7[%dma_wait3A_367] : memref<4x!tpu.dma_semaphore, #tpu.memory_space<semaphore_mem>> -> memref<1x!tpu.dma_semaphore, #tpu.memory_space<semaphore_mem>>
    %dma_wait3A_379 = tpu.memref_squeeze %dma_wait3A_378 : memref<1x!tpu.dma_semaphore, #tpu.memory_space<semaphore_mem>> -> memref<!tpu.dma_semaphore, #tpu.memory_space<semaphore_mem>>
    tpu.wait_indirect_dma semaphore(%dma_wait3A_379 : memref<!tpu.dma_semaphore, #tpu.memory_space<semaphore_mem>>) src(%dma_wait3A_377 : memref<1000000x64xf32, #tpu.memory_space<hbm>>) dst(%dma_wait3A_371 : memref<40x64xf32, #tpu.memory_space<vmem>>)
    %add3A_380 = arith.constant 124 : i32
    %add3A_381 = arith.addi %mul3A_2, %add3A_380 : i32
    %dma_start3A_382 = arith.constant 0 : i32
    %dma_start3A_383 = arith.constant 0 : i32
    %dma_start3A_384 = arith.constant 0 : i32
    %dma_start3A_385 = arith.constant 0 : i32
    %dma_start3A_386 = tpu.memref_slice %arg6[%dma_start3A_382, %dma_start3A_384, %dma_start3A_385] : memref<4x200x64xf32, #tpu.memory_space<vmem>> -> memref<1x200x64xf32, #tpu.memory_space<vmem>>
    %dma_start3A_387 = tpu.memref_squeeze %dma_start3A_386 : memref<1x200x64xf32, #tpu.memory_space<vmem>> -> memref<200x64xf32, #tpu.memory_space<vmem>>
    %dma_start3A_388 = arith.constant 0 : i32
    %dma_start3A_389 = arith.constant 0 : i32
    %dma_start3A_390 = tpu.memref_slice %arg4[%add3A_381, %dma_start3A_388, %dma_start3A_389] : memref<4096x200x128xf32, #tpu.memory_space<hbm>> -> memref<1x200x64xf32, #tpu.memory_space<hbm>>
    %dma_start3A_391 = tpu.memref_squeeze %dma_start3A_390 : memref<1x200x64xf32, #tpu.memory_space<hbm>> -> memref<200x64xf32, #tpu.memory_space<hbm>>
    %dma_start3A_392 = tpu.memref_slice %arg8[%dma_start3A_383] : memref<4x!tpu.dma_semaphore, #tpu.memory_space<semaphore_mem>> -> memref<1x!tpu.dma_semaphore, #tpu.memory_space<semaphore_mem>>
    %dma_start3A_393 = tpu.memref_squeeze %dma_start3A_392 : memref<1x!tpu.dma_semaphore, #tpu.memory_space<semaphore_mem>> -> memref<!tpu.dma_semaphore, #tpu.memory_space<semaphore_mem>>
    %dma_start3A_394 = arith.constant 0 : i32
    %dma_start3A_395 = arith.constant 0 : i32
    %dma_start3A_396 = tpu.memref_slice %arg4[%add3A_381, %dma_start3A_394, %dma_start3A_395] : memref<4096x200x128xf32, #tpu.memory_space<hbm>> -> memref<1x200x64xf32, #tpu.memory_space<hbm>>
    %dma_start3A_397 = tpu.memref_squeeze %dma_start3A_396 : memref<1x200x64xf32, #tpu.memory_space<hbm>> -> memref<200x64xf32, #tpu.memory_space<hbm>>
    %dma_start3A_398 = arith.constant 0 : i32
    %dma_start3A_399 = arith.constant 0 : i32
    %dma_start3A_400 = tpu.memref_slice %arg6[%dma_start3A_382, %dma_start3A_398, %dma_start3A_399] : memref<4x200x64xf32, #tpu.memory_space<vmem>> -> memref<1x200x64xf32, #tpu.memory_space<vmem>>
    %dma_start3A_401 = tpu.memref_squeeze %dma_start3A_400 : memref<1x200x64xf32, #tpu.memory_space<vmem>> -> memref<200x64xf32, #tpu.memory_space<vmem>>
    tpu.enqueue_dma source(%dma_start3A_401 : memref<200x64xf32, #tpu.memory_space<vmem>>) target(%dma_start3A_397 : memref<200x64xf32, #tpu.memory_space<hbm>>) target_semaphore(%dma_start3A_393 : memref<!tpu.dma_semaphore, #tpu.memory_space<semaphore_mem>>)
    %dma_wait3A_402 = arith.constant 125 : i32
    %dma_wait3A_403 = arith.constant 1 : i32
    %dma_wait3A_404 = arith.constant 1 : i32
    %dma_wait3A_405 = arith.constant 0 : i32
    %dma_wait3A_406 = arith.constant 0 : i32
    %dma_wait3A_407 = tpu.memref_slice %arg6[%dma_wait3A_403, %dma_wait3A_405, %dma_wait3A_406] : memref<4x200x64xf32, #tpu.memory_space<vmem>> -> memref<1x40x64xf32, #tpu.memory_space<vmem>>
    %dma_wait3A_408 = tpu.memref_squeeze %dma_wait3A_407 : memref<1x40x64xf32, #tpu.memory_space<vmem>> -> memref<40x64xf32, #tpu.memory_space<vmem>>
    %dma_wait3A_409 = arith.constant 0 : i32
    %dma_wait3A_410 = tpu.memref_slice %arg5[%dma_wait3A_402, %dma_wait3A_409] : memref<128x200xi32, #tpu.memory_space<vmem>> -> memref<1x40xi32, #tpu.memory_space<vmem>>
    %dma_wait3A_411 = tpu.memref_squeeze %dma_wait3A_410 : memref<1x40xi32, #tpu.memory_space<vmem>> -> memref<40xi32, #tpu.memory_space<vmem>>
    %dma_wait3A_412 = arith.constant 0 : i32
    %dma_wait3A_413 = arith.constant 0 : i32
    %dma_wait3A_414 = tpu.memref_slice %arg3[%dma_wait3A_412, %dma_wait3A_413] : memref<1000000x64xf32, #tpu.memory_space<hbm>> -> memref<1000000x64xf32, #tpu.memory_space<hbm>>
    %dma_wait3A_415 = tpu.memref_slice %arg7[%dma_wait3A_404] : memref<4x!tpu.dma_semaphore, #tpu.memory_space<semaphore_mem>> -> memref<1x!tpu.dma_semaphore, #tpu.memory_space<semaphore_mem>>
    %dma_wait3A_416 = tpu.memref_squeeze %dma_wait3A_415 : memref<1x!tpu.dma_semaphore, #tpu.memory_space<semaphore_mem>> -> memref<!tpu.dma_semaphore, #tpu.memory_space<semaphore_mem>>
    tpu.wait_indirect_dma semaphore(%dma_wait3A_416 : memref<!tpu.dma_semaphore, #tpu.memory_space<semaphore_mem>>) src(%dma_wait3A_414 : memref<1000000x64xf32, #tpu.memory_space<hbm>>) dst(%dma_wait3A_408 : memref<40x64xf32, #tpu.memory_space<vmem>>)
    %dma_wait3A_417 = arith.constant 125 : i32
    %dma_wait3A_418 = arith.constant 1 : i32
    %dma_wait3A_419 = arith.constant 1 : i32
    %dma_wait3A_420 = arith.constant 40 : i32
    %dma_wait3A_421 = arith.constant 0 : i32
    %dma_wait3A_422 = tpu.memref_slice %arg6[%dma_wait3A_418, %dma_wait3A_420, %dma_wait3A_421] : memref<4x200x64xf32, #tpu.memory_space<vmem>> -> memref<1x40x64xf32, #tpu.memory_space<vmem>>
    %dma_wait3A_423 = tpu.memref_squeeze %dma_wait3A_422 : memref<1x40x64xf32, #tpu.memory_space<vmem>> -> memref<40x64xf32, #tpu.memory_space<vmem>>
    %dma_wait3A_424 = arith.constant 40 : i32
    %dma_wait3A_425 = tpu.memref_slice %arg5[%dma_wait3A_417, %dma_wait3A_424] : memref<128x200xi32, #tpu.memory_space<vmem>> -> memref<1x40xi32, #tpu.memory_space<vmem>>
    %dma_wait3A_426 = tpu.memref_squeeze %dma_wait3A_425 : memref<1x40xi32, #tpu.memory_space<vmem>> -> memref<40xi32, #tpu.memory_space<vmem>>
    %dma_wait3A_427 = arith.constant 0 : i32
    %dma_wait3A_428 = arith.constant 0 : i32
    %dma_wait3A_429 = tpu.memref_slice %arg3[%dma_wait3A_427, %dma_wait3A_428] : memref<1000000x64xf32, #tpu.memory_space<hbm>> -> memref<1000000x64xf32, #tpu.memory_space<hbm>>
    %dma_wait3A_430 = tpu.memref_slice %arg7[%dma_wait3A_419] : memref<4x!tpu.dma_semaphore, #tpu.memory_space<semaphore_mem>> -> memref<1x!tpu.dma_semaphore, #tpu.memory_space<semaphore_mem>>
    %dma_wait3A_431 = tpu.memref_squeeze %dma_wait3A_430 : memref<1x!tpu.dma_semaphore, #tpu.memory_space<semaphore_mem>> -> memref<!tpu.dma_semaphore, #tpu.memory_space<semaphore_mem>>
    tpu.wait_indirect_dma semaphore(%dma_wait3A_431 : memref<!tpu.dma_semaphore, #tpu.memory_space<semaphore_mem>>) src(%dma_wait3A_429 : memref<1000000x64xf32, #tpu.memory_space<hbm>>) dst(%dma_wait3A_423 : memref<40x64xf32, #tpu.memory_space<vmem>>)
    %dma_wait3A_432 = arith.constant 125 : i32
    %dma_wait3A_433 = arith.constant 1 : i32
    %dma_wait3A_434 = arith.constant 1 : i32
    %dma_wait3A_435 = arith.constant 80 : i32
    %dma_wait3A_436 = arith.constant 0 : i32
    %dma_wait3A_437 = tpu.memref_slice %arg6[%dma_wait3A_433, %dma_wait3A_435, %dma_wait3A_436] : memref<4x200x64xf32, #tpu.memory_space<vmem>> -> memref<1x40x64xf32, #tpu.memory_space<vmem>>
    %dma_wait3A_438 = tpu.memref_squeeze %dma_wait3A_437 : memref<1x40x64xf32, #tpu.memory_space<vmem>> -> memref<40x64xf32, #tpu.memory_space<vmem>>
    %dma_wait3A_439 = arith.constant 80 : i32
    %dma_wait3A_440 = tpu.memref_slice %arg5[%dma_wait3A_432, %dma_wait3A_439] : memref<128x200xi32, #tpu.memory_space<vmem>> -> memref<1x40xi32, #tpu.memory_space<vmem>>
    %dma_wait3A_441 = tpu.memref_squeeze %dma_wait3A_440 : memref<1x40xi32, #tpu.memory_space<vmem>> -> memref<40xi32, #tpu.memory_space<vmem>>
    %dma_wait3A_442 = arith.constant 0 : i32
    %dma_wait3A_443 = arith.constant 0 : i32
    %dma_wait3A_444 = tpu.memref_slice %arg3[%dma_wait3A_442, %dma_wait3A_443] : memref<1000000x64xf32, #tpu.memory_space<hbm>> -> memref<1000000x64xf32, #tpu.memory_space<hbm>>
    %dma_wait3A_445 = tpu.memref_slice %arg7[%dma_wait3A_434] : memref<4x!tpu.dma_semaphore, #tpu.memory_space<semaphore_mem>> -> memref<1x!tpu.dma_semaphore, #tpu.memory_space<semaphore_mem>>
    %dma_wait3A_446 = tpu.memref_squeeze %dma_wait3A_445 : memref<1x!tpu.dma_semaphore, #tpu.memory_space<semaphore_mem>> -> memref<!tpu.dma_semaphore, #tpu.memory_space<semaphore_mem>>
    tpu.wait_indirect_dma semaphore(%dma_wait3A_446 : memref<!tpu.dma_semaphore, #tpu.memory_space<semaphore_mem>>) src(%dma_wait3A_444 : memref<1000000x64xf32, #tpu.memory_space<hbm>>) dst(%dma_wait3A_438 : memref<40x64xf32, #tpu.memory_space<vmem>>)
    %dma_wait3A_447 = arith.constant 125 : i32
    %dma_wait3A_448 = arith.constant 1 : i32
    %dma_wait3A_449 = arith.constant 1 : i32
    %dma_wait3A_450 = arith.constant 120 : i32
    %dma_wait3A_451 = arith.constant 0 : i32
    %dma_wait3A_452 = tpu.memref_slice %arg6[%dma_wait3A_448, %dma_wait3A_450, %dma_wait3A_451] : memref<4x200x64xf32, #tpu.memory_space<vmem>> -> memref<1x40x64xf32, #tpu.memory_space<vmem>>
    %dma_wait3A_453 = tpu.memref_squeeze %dma_wait3A_452 : memref<1x40x64xf32, #tpu.memory_space<vmem>> -> memref<40x64xf32, #tpu.memory_space<vmem>>
    %dma_wait3A_454 = arith.constant 120 : i32
    %dma_wait3A_455 = tpu.memref_slice %arg5[%dma_wait3A_447, %dma_wait3A_454] : memref<128x200xi32, #tpu.memory_space<vmem>> -> memref<1x40xi32, #tpu.memory_space<vmem>>
    %dma_wait3A_456 = tpu.memref_squeeze %dma_wait3A_455 : memref<1x40xi32, #tpu.memory_space<vmem>> -> memref<40xi32, #tpu.memory_space<vmem>>
    %dma_wait3A_457 = arith.constant 0 : i32
    %dma_wait3A_458 = arith.constant 0 : i32
    %dma_wait3A_459 = tpu.memref_slice %arg3[%dma_wait3A_457, %dma_wait3A_458] : memref<1000000x64xf32, #tpu.memory_space<hbm>> -> memref<1000000x64xf32, #tpu.memory_space<hbm>>
    %dma_wait3A_460 = tpu.memref_slice %arg7[%dma_wait3A_449] : memref<4x!tpu.dma_semaphore, #tpu.memory_space<semaphore_mem>> -> memref<1x!tpu.dma_semaphore, #tpu.memory_space<semaphore_mem>>
    %dma_wait3A_461 = tpu.memref_squeeze %dma_wait3A_460 : memref<1x!tpu.dma_semaphore, #tpu.memory_space<semaphore_mem>> -> memref<!tpu.dma_semaphore, #tpu.memory_space<semaphore_mem>>
    tpu.wait_indirect_dma semaphore(%dma_wait3A_461 : memref<!tpu.dma_semaphore, #tpu.memory_space<semaphore_mem>>) src(%dma_wait3A_459 : memref<1000000x64xf32, #tpu.memory_space<hbm>>) dst(%dma_wait3A_453 : memref<40x64xf32, #tpu.memory_space<vmem>>)
    %dma_wait3A_462 = arith.constant 125 : i32
    %dma_wait3A_463 = arith.constant 1 : i32
    %dma_wait3A_464 = arith.constant 1 : i32
    %dma_wait3A_465 = arith.constant 160 : i32
    %dma_wait3A_466 = arith.constant 0 : i32
    %dma_wait3A_467 = tpu.memref_slice %arg6[%dma_wait3A_463, %dma_wait3A_465, %dma_wait3A_466] : memref<4x200x64xf32, #tpu.memory_space<vmem>> -> memref<1x40x64xf32, #tpu.memory_space<vmem>>
    %dma_wait3A_468 = tpu.memref_squeeze %dma_wait3A_467 : memref<1x40x64xf32, #tpu.memory_space<vmem>> -> memref<40x64xf32, #tpu.memory_space<vmem>>
    %dma_wait3A_469 = arith.constant 160 : i32
    %dma_wait3A_470 = tpu.memref_slice %arg5[%dma_wait3A_462, %dma_wait3A_469] : memref<128x200xi32, #tpu.memory_space<vmem>> -> memref<1x40xi32, #tpu.memory_space<vmem>>
    %dma_wait3A_471 = tpu.memref_squeeze %dma_wait3A_470 : memref<1x40xi32, #tpu.memory_space<vmem>> -> memref<40xi32, #tpu.memory_space<vmem>>
    %dma_wait3A_472 = arith.constant 0 : i32
    %dma_wait3A_473 = arith.constant 0 : i32
    %dma_wait3A_474 = tpu.memref_slice %arg3[%dma_wait3A_472, %dma_wait3A_473] : memref<1000000x64xf32, #tpu.memory_space<hbm>> -> memref<1000000x64xf32, #tpu.memory_space<hbm>>
    %dma_wait3A_475 = tpu.memref_slice %arg7[%dma_wait3A_464] : memref<4x!tpu.dma_semaphore, #tpu.memory_space<semaphore_mem>> -> memref<1x!tpu.dma_semaphore, #tpu.memory_space<semaphore_mem>>
    %dma_wait3A_476 = tpu.memref_squeeze %dma_wait3A_475 : memref<1x!tpu.dma_semaphore, #tpu.memory_space<semaphore_mem>> -> memref<!tpu.dma_semaphore, #tpu.memory_space<semaphore_mem>>
    tpu.wait_indirect_dma semaphore(%dma_wait3A_476 : memref<!tpu.dma_semaphore, #tpu.memory_space<semaphore_mem>>) src(%dma_wait3A_474 : memref<1000000x64xf32, #tpu.memory_space<hbm>>) dst(%dma_wait3A_468 : memref<40x64xf32, #tpu.memory_space<vmem>>)
    %add3A_477 = arith.constant 125 : i32
    %add3A_478 = arith.addi %mul3A_2, %add3A_477 : i32
    %dma_start3A_479 = arith.constant 1 : i32
    %dma_start3A_480 = arith.constant 1 : i32
    %dma_start3A_481 = arith.constant 0 : i32
    %dma_start3A_482 = arith.constant 0 : i32
    %dma_start3A_483 = tpu.memref_slice %arg6[%dma_start3A_479, %dma_start3A_481, %dma_start3A_482] : memref<4x200x64xf32, #tpu.memory_space<vmem>> -> memref<1x200x64xf32, #tpu.memory_space<vmem>>
    %dma_start3A_484 = tpu.memref_squeeze %dma_start3A_483 : memref<1x200x64xf32, #tpu.memory_space<vmem>> -> memref<200x64xf32, #tpu.memory_space<vmem>>
    %dma_start3A_485 = arith.constant 0 : i32
    %dma_start3A_486 = arith.constant 0 : i32
    %dma_start3A_487 = tpu.memref_slice %arg4[%add3A_478, %dma_start3A_485, %dma_start3A_486] : memref<4096x200x128xf32, #tpu.memory_space<hbm>> -> memref<1x200x64xf32, #tpu.memory_space<hbm>>
    %dma_start3A_488 = tpu.memref_squeeze %dma_start3A_487 : memref<1x200x64xf32, #tpu.memory_space<hbm>> -> memref<200x64xf32, #tpu.memory_space<hbm>>
    %dma_start3A_489 = tpu.memref_slice %arg8[%dma_start3A_480] : memref<4x!tpu.dma_semaphore, #tpu.memory_space<semaphore_mem>> -> memref<1x!tpu.dma_semaphore, #tpu.memory_space<semaphore_mem>>
    %dma_start3A_490 = tpu.memref_squeeze %dma_start3A_489 : memref<1x!tpu.dma_semaphore, #tpu.memory_space<semaphore_mem>> -> memref<!tpu.dma_semaphore, #tpu.memory_space<semaphore_mem>>
    %dma_start3A_491 = arith.constant 0 : i32
    %dma_start3A_492 = arith.constant 0 : i32
    %dma_start3A_493 = tpu.memref_slice %arg4[%add3A_478, %dma_start3A_491, %dma_start3A_492] : memref<4096x200x128xf32, #tpu.memory_space<hbm>> -> memref<1x200x64xf32, #tpu.memory_space<hbm>>
    %dma_start3A_494 = tpu.memref_squeeze %dma_start3A_493 : memref<1x200x64xf32, #tpu.memory_space<hbm>> -> memref<200x64xf32, #tpu.memory_space<hbm>>
    %dma_start3A_495 = arith.constant 0 : i32
    %dma_start3A_496 = arith.constant 0 : i32
    %dma_start3A_497 = tpu.memref_slice %arg6[%dma_start3A_479, %dma_start3A_495, %dma_start3A_496] : memref<4x200x64xf32, #tpu.memory_space<vmem>> -> memref<1x200x64xf32, #tpu.memory_space<vmem>>
    %dma_start3A_498 = tpu.memref_squeeze %dma_start3A_497 : memref<1x200x64xf32, #tpu.memory_space<vmem>> -> memref<200x64xf32, #tpu.memory_space<vmem>>
    tpu.enqueue_dma source(%dma_start3A_498 : memref<200x64xf32, #tpu.memory_space<vmem>>) target(%dma_start3A_494 : memref<200x64xf32, #tpu.memory_space<hbm>>) target_semaphore(%dma_start3A_490 : memref<!tpu.dma_semaphore, #tpu.memory_space<semaphore_mem>>)
    %dma_wait3A_499 = arith.constant 126 : i32
    %dma_wait3A_500 = arith.constant 2 : i32
    %dma_wait3A_501 = arith.constant 2 : i32
    %dma_wait3A_502 = arith.constant 0 : i32
    %dma_wait3A_503 = arith.constant 0 : i32
    %dma_wait3A_504 = tpu.memref_slice %arg6[%dma_wait3A_500, %dma_wait3A_502, %dma_wait3A_503] : memref<4x200x64xf32, #tpu.memory_space<vmem>> -> memref<1x40x64xf32, #tpu.memory_space<vmem>>
    %dma_wait3A_505 = tpu.memref_squeeze %dma_wait3A_504 : memref<1x40x64xf32, #tpu.memory_space<vmem>> -> memref<40x64xf32, #tpu.memory_space<vmem>>
    %dma_wait3A_506 = arith.constant 0 : i32
    %dma_wait3A_507 = tpu.memref_slice %arg5[%dma_wait3A_499, %dma_wait3A_506] : memref<128x200xi32, #tpu.memory_space<vmem>> -> memref<1x40xi32, #tpu.memory_space<vmem>>
    %dma_wait3A_508 = tpu.memref_squeeze %dma_wait3A_507 : memref<1x40xi32, #tpu.memory_space<vmem>> -> memref<40xi32, #tpu.memory_space<vmem>>
    %dma_wait3A_509 = arith.constant 0 : i32
    %dma_wait3A_510 = arith.constant 0 : i32
    %dma_wait3A_511 = tpu.memref_slice %arg3[%dma_wait3A_509, %dma_wait3A_510] : memref<1000000x64xf32, #tpu.memory_space<hbm>> -> memref<1000000x64xf32, #tpu.memory_space<hbm>>
    %dma_wait3A_512 = tpu.memref_slice %arg7[%dma_wait3A_501] : memref<4x!tpu.dma_semaphore, #tpu.memory_space<semaphore_mem>> -> memref<1x!tpu.dma_semaphore, #tpu.memory_space<semaphore_mem>>
    %dma_wait3A_513 = tpu.memref_squeeze %dma_wait3A_512 : memref<1x!tpu.dma_semaphore, #tpu.memory_space<semaphore_mem>> -> memref<!tpu.dma_semaphore, #tpu.memory_space<semaphore_mem>>
    tpu.wait_indirect_dma semaphore(%dma_wait3A_513 : memref<!tpu.dma_semaphore, #tpu.memory_space<semaphore_mem>>) src(%dma_wait3A_511 : memref<1000000x64xf32, #tpu.memory_space<hbm>>) dst(%dma_wait3A_505 : memref<40x64xf32, #tpu.memory_space<vmem>>)
    %dma_wait3A_514 = arith.constant 126 : i32
    %dma_wait3A_515 = arith.constant 2 : i32
    %dma_wait3A_516 = arith.constant 2 : i32
    %dma_wait3A_517 = arith.constant 40 : i32
    %dma_wait3A_518 = arith.constant 0 : i32
    %dma_wait3A_519 = tpu.memref_slice %arg6[%dma_wait3A_515, %dma_wait3A_517, %dma_wait3A_518] : memref<4x200x64xf32, #tpu.memory_space<vmem>> -> memref<1x40x64xf32, #tpu.memory_space<vmem>>
    %dma_wait3A_520 = tpu.memref_squeeze %dma_wait3A_519 : memref<1x40x64xf32, #tpu.memory_space<vmem>> -> memref<40x64xf32, #tpu.memory_space<vmem>>
    %dma_wait3A_521 = arith.constant 40 : i32
    %dma_wait3A_522 = tpu.memref_slice %arg5[%dma_wait3A_514, %dma_wait3A_521] : memref<128x200xi32, #tpu.memory_space<vmem>> -> memref<1x40xi32, #tpu.memory_space<vmem>>
    %dma_wait3A_523 = tpu.memref_squeeze %dma_wait3A_522 : memref<1x40xi32, #tpu.memory_space<vmem>> -> memref<40xi32, #tpu.memory_space<vmem>>
    %dma_wait3A_524 = arith.constant 0 : i32
    %dma_wait3A_525 = arith.constant 0 : i32
    %dma_wait3A_526 = tpu.memref_slice %arg3[%dma_wait3A_524, %dma_wait3A_525] : memref<1000000x64xf32, #tpu.memory_space<hbm>> -> memref<1000000x64xf32, #tpu.memory_space<hbm>>
    %dma_wait3A_527 = tpu.memref_slice %arg7[%dma_wait3A_516] : memref<4x!tpu.dma_semaphore, #tpu.memory_space<semaphore_mem>> -> memref<1x!tpu.dma_semaphore, #tpu.memory_space<semaphore_mem>>
    %dma_wait3A_528 = tpu.memref_squeeze %dma_wait3A_527 : memref<1x!tpu.dma_semaphore, #tpu.memory_space<semaphore_mem>> -> memref<!tpu.dma_semaphore, #tpu.memory_space<semaphore_mem>>
    tpu.wait_indirect_dma semaphore(%dma_wait3A_528 : memref<!tpu.dma_semaphore, #tpu.memory_space<semaphore_mem>>) src(%dma_wait3A_526 : memref<1000000x64xf32, #tpu.memory_space<hbm>>) dst(%dma_wait3A_520 : memref<40x64xf32, #tpu.memory_space<vmem>>)
    %dma_wait3A_529 = arith.constant 126 : i32
    %dma_wait3A_530 = arith.constant 2 : i32
    %dma_wait3A_531 = arith.constant 2 : i32
    %dma_wait3A_532 = arith.constant 80 : i32
    %dma_wait3A_533 = arith.constant 0 : i32
    %dma_wait3A_534 = tpu.memref_slice %arg6[%dma_wait3A_530, %dma_wait3A_532, %dma_wait3A_533] : memref<4x200x64xf32, #tpu.memory_space<vmem>> -> memref<1x40x64xf32, #tpu.memory_space<vmem>>
    %dma_wait3A_535 = tpu.memref_squeeze %dma_wait3A_534 : memref<1x40x64xf32, #tpu.memory_space<vmem>> -> memref<40x64xf32, #tpu.memory_space<vmem>>
    %dma_wait3A_536 = arith.constant 80 : i32
    %dma_wait3A_537 = tpu.memref_slice %arg5[%dma_wait3A_529, %dma_wait3A_536] : memref<128x200xi32, #tpu.memory_space<vmem>> -> memref<1x40xi32, #tpu.memory_space<vmem>>
    %dma_wait3A_538 = tpu.memref_squeeze %dma_wait3A_537 : memref<1x40xi32, #tpu.memory_space<vmem>> -> memref<40xi32, #tpu.memory_space<vmem>>
    %dma_wait3A_539 = arith.constant 0 : i32
    %dma_wait3A_540 = arith.constant 0 : i32
    %dma_wait3A_541 = tpu.memref_slice %arg3[%dma_wait3A_539, %dma_wait3A_540] : memref<1000000x64xf32, #tpu.memory_space<hbm>> -> memref<1000000x64xf32, #tpu.memory_space<hbm>>
    %dma_wait3A_542 = tpu.memref_slice %arg7[%dma_wait3A_531] : memref<4x!tpu.dma_semaphore, #tpu.memory_space<semaphore_mem>> -> memref<1x!tpu.dma_semaphore, #tpu.memory_space<semaphore_mem>>
    %dma_wait3A_543 = tpu.memref_squeeze %dma_wait3A_542 : memref<1x!tpu.dma_semaphore, #tpu.memory_space<semaphore_mem>> -> memref<!tpu.dma_semaphore, #tpu.memory_space<semaphore_mem>>
    tpu.wait_indirect_dma semaphore(%dma_wait3A_543 : memref<!tpu.dma_semaphore, #tpu.memory_space<semaphore_mem>>) src(%dma_wait3A_541 : memref<1000000x64xf32, #tpu.memory_space<hbm>>) dst(%dma_wait3A_535 : memref<40x64xf32, #tpu.memory_space<vmem>>)
    %dma_wait3A_544 = arith.constant 126 : i32
    %dma_wait3A_545 = arith.constant 2 : i32
    %dma_wait3A_546 = arith.constant 2 : i32
    %dma_wait3A_547 = arith.constant 120 : i32
    %dma_wait3A_548 = arith.constant 0 : i32
    %dma_wait3A_549 = tpu.memref_slice %arg6[%dma_wait3A_545, %dma_wait3A_547, %dma_wait3A_548] : memref<4x200x64xf32, #tpu.memory_space<vmem>> -> memref<1x40x64xf32, #tpu.memory_space<vmem>>
    %dma_wait3A_550 = tpu.memref_squeeze %dma_wait3A_549 : memref<1x40x64xf32, #tpu.memory_space<vmem>> -> memref<40x64xf32, #tpu.memory_space<vmem>>
    %dma_wait3A_551 = arith.constant 120 : i32
    %dma_wait3A_552 = tpu.memref_slice %arg5[%dma_wait3A_544, %dma_wait3A_551] : memref<128x200xi32, #tpu.memory_space<vmem>> -> memref<1x40xi32, #tpu.memory_space<vmem>>
    %dma_wait3A_553 = tpu.memref_squeeze %dma_wait3A_552 : memref<1x40xi32, #tpu.memory_space<vmem>> -> memref<40xi32, #tpu.memory_space<vmem>>
    %dma_wait3A_554 = arith.constant 0 : i32
    %dma_wait3A_555 = arith.constant 0 : i32
    %dma_wait3A_556 = tpu.memref_slice %arg3[%dma_wait3A_554, %dma_wait3A_555] : memref<1000000x64xf32, #tpu.memory_space<hbm>> -> memref<1000000x64xf32, #tpu.memory_space<hbm>>
    %dma_wait3A_557 = tpu.memref_slice %arg7[%dma_wait3A_546] : memref<4x!tpu.dma_semaphore, #tpu.memory_space<semaphore_mem>> -> memref<1x!tpu.dma_semaphore, #tpu.memory_space<semaphore_mem>>
    %dma_wait3A_558 = tpu.memref_squeeze %dma_wait3A_557 : memref<1x!tpu.dma_semaphore, #tpu.memory_space<semaphore_mem>> -> memref<!tpu.dma_semaphore, #tpu.memory_space<semaphore_mem>>
    tpu.wait_indirect_dma semaphore(%dma_wait3A_558 : memref<!tpu.dma_semaphore, #tpu.memory_space<semaphore_mem>>) src(%dma_wait3A_556 : memref<1000000x64xf32, #tpu.memory_space<hbm>>) dst(%dma_wait3A_550 : memref<40x64xf32, #tpu.memory_space<vmem>>)
    %dma_wait3A_559 = arith.constant 126 : i32
    %dma_wait3A_560 = arith.constant 2 : i32
    %dma_wait3A_561 = arith.constant 2 : i32
    %dma_wait3A_562 = arith.constant 160 : i32
    %dma_wait3A_563 = arith.constant 0 : i32
    %dma_wait3A_564 = tpu.memref_slice %arg6[%dma_wait3A_560, %dma_wait3A_562, %dma_wait3A_563] : memref<4x200x64xf32, #tpu.memory_space<vmem>> -> memref<1x40x64xf32, #tpu.memory_space<vmem>>
    %dma_wait3A_565 = tpu.memref_squeeze %dma_wait3A_564 : memref<1x40x64xf32, #tpu.memory_space<vmem>> -> memref<40x64xf32, #tpu.memory_space<vmem>>
    %dma_wait3A_566 = arith.constant 160 : i32
    %dma_wait3A_567 = tpu.memref_slice %arg5[%dma_wait3A_559, %dma_wait3A_566] : memref<128x200xi32, #tpu.memory_space<vmem>> -> memref<1x40xi32, #tpu.memory_space<vmem>>
    %dma_wait3A_568 = tpu.memref_squeeze %dma_wait3A_567 : memref<1x40xi32, #tpu.memory_space<vmem>> -> memref<40xi32, #tpu.memory_space<vmem>>
    %dma_wait3A_569 = arith.constant 0 : i32
    %dma_wait3A_570 = arith.constant 0 : i32
    %dma_wait3A_571 = tpu.memref_slice %arg3[%dma_wait3A_569, %dma_wait3A_570] : memref<1000000x64xf32, #tpu.memory_space<hbm>> -> memref<1000000x64xf32, #tpu.memory_space<hbm>>
    %dma_wait3A_572 = tpu.memref_slice %arg7[%dma_wait3A_561] : memref<4x!tpu.dma_semaphore, #tpu.memory_space<semaphore_mem>> -> memref<1x!tpu.dma_semaphore, #tpu.memory_space<semaphore_mem>>
    %dma_wait3A_573 = tpu.memref_squeeze %dma_wait3A_572 : memref<1x!tpu.dma_semaphore, #tpu.memory_space<semaphore_mem>> -> memref<!tpu.dma_semaphore, #tpu.memory_space<semaphore_mem>>
    tpu.wait_indirect_dma semaphore(%dma_wait3A_573 : memref<!tpu.dma_semaphore, #tpu.memory_space<semaphore_mem>>) src(%dma_wait3A_571 : memref<1000000x64xf32, #tpu.memory_space<hbm>>) dst(%dma_wait3A_565 : memref<40x64xf32, #tpu.memory_space<vmem>>)
    %add3A_574 = arith.constant 126 : i32
    %add3A_575 = arith.addi %mul3A_2, %add3A_574 : i32
    %dma_start3A_576 = arith.constant 2 : i32
    %dma_start3A_577 = arith.constant 2 : i32
    %dma_start3A_578 = arith.constant 0 : i32
    %dma_start3A_579 = arith.constant 0 : i32
    %dma_start3A_580 = tpu.memref_slice %arg6[%dma_start3A_576, %dma_start3A_578, %dma_start3A_579] : memref<4x200x64xf32, #tpu.memory_space<vmem>> -> memref<1x200x64xf32, #tpu.memory_space<vmem>>
    %dma_start3A_581 = tpu.memref_squeeze %dma_start3A_580 : memref<1x200x64xf32, #tpu.memory_space<vmem>> -> memref<200x64xf32, #tpu.memory_space<vmem>>
    %dma_start3A_582 = arith.constant 0 : i32
    %dma_start3A_583 = arith.constant 0 : i32
    %dma_start3A_584 = tpu.memref_slice %arg4[%add3A_575, %dma_start3A_582, %dma_start3A_583] : memref<4096x200x128xf32, #tpu.memory_space<hbm>> -> memref<1x200x64xf32, #tpu.memory_space<hbm>>
    %dma_start3A_585 = tpu.memref_squeeze %dma_start3A_584 : memref<1x200x64xf32, #tpu.memory_space<hbm>> -> memref<200x64xf32, #tpu.memory_space<hbm>>
    %dma_start3A_586 = tpu.memref_slice %arg8[%dma_start3A_577] : memref<4x!tpu.dma_semaphore, #tpu.memory_space<semaphore_mem>> -> memref<1x!tpu.dma_semaphore, #tpu.memory_space<semaphore_mem>>
    %dma_start3A_587 = tpu.memref_squeeze %dma_start3A_586 : memref<1x!tpu.dma_semaphore, #tpu.memory_space<semaphore_mem>> -> memref<!tpu.dma_semaphore, #tpu.memory_space<semaphore_mem>>
    %dma_start3A_588 = arith.constant 0 : i32
    %dma_start3A_589 = arith.constant 0 : i32
    %dma_start3A_590 = tpu.memref_slice %arg4[%add3A_575, %dma_start3A_588, %dma_start3A_589] : memref<4096x200x128xf32, #tpu.memory_space<hbm>> -> memref<1x200x64xf32, #tpu.memory_space<hbm>>
    %dma_start3A_591 = tpu.memref_squeeze %dma_start3A_590 : memref<1x200x64xf32, #tpu.memory_space<hbm>> -> memref<200x64xf32, #tpu.memory_space<hbm>>
    %dma_start3A_592 = arith.constant 0 : i32
    %dma_start3A_593 = arith.constant 0 : i32
    %dma_start3A_594 = tpu.memref_slice %arg6[%dma_start3A_576, %dma_start3A_592, %dma_start3A_593] : memref<4x200x64xf32, #tpu.memory_space<vmem>> -> memref<1x200x64xf32, #tpu.memory_space<vmem>>
    %dma_start3A_595 = tpu.memref_squeeze %dma_start3A_594 : memref<1x200x64xf32, #tpu.memory_space<vmem>> -> memref<200x64xf32, #tpu.memory_space<vmem>>
    tpu.enqueue_dma source(%dma_start3A_595 : memref<200x64xf32, #tpu.memory_space<vmem>>) target(%dma_start3A_591 : memref<200x64xf32, #tpu.memory_space<hbm>>) target_semaphore(%dma_start3A_587 : memref<!tpu.dma_semaphore, #tpu.memory_space<semaphore_mem>>)
    %dma_wait3A_596 = arith.constant 127 : i32
    %dma_wait3A_597 = arith.constant 3 : i32
    %dma_wait3A_598 = arith.constant 3 : i32
    %dma_wait3A_599 = arith.constant 0 : i32
    %dma_wait3A_600 = arith.constant 0 : i32
    %dma_wait3A_601 = tpu.memref_slice %arg6[%dma_wait3A_597, %dma_wait3A_599, %dma_wait3A_600] : memref<4x200x64xf32, #tpu.memory_space<vmem>> -> memref<1x40x64xf32, #tpu.memory_space<vmem>>
    %dma_wait3A_602 = tpu.memref_squeeze %dma_wait3A_601 : memref<1x40x64xf32, #tpu.memory_space<vmem>> -> memref<40x64xf32, #tpu.memory_space<vmem>>
    %dma_wait3A_603 = arith.constant 0 : i32
    %dma_wait3A_604 = tpu.memref_slice %arg5[%dma_wait3A_596, %dma_wait3A_603] : memref<128x200xi32, #tpu.memory_space<vmem>> -> memref<1x40xi32, #tpu.memory_space<vmem>>
    %dma_wait3A_605 = tpu.memref_squeeze %dma_wait3A_604 : memref<1x40xi32, #tpu.memory_space<vmem>> -> memref<40xi32, #tpu.memory_space<vmem>>
    %dma_wait3A_606 = arith.constant 0 : i32
    %dma_wait3A_607 = arith.constant 0 : i32
    %dma_wait3A_608 = tpu.memref_slice %arg3[%dma_wait3A_606, %dma_wait3A_607] : memref<1000000x64xf32, #tpu.memory_space<hbm>> -> memref<1000000x64xf32, #tpu.memory_space<hbm>>
    %dma_wait3A_609 = tpu.memref_slice %arg7[%dma_wait3A_598] : memref<4x!tpu.dma_semaphore, #tpu.memory_space<semaphore_mem>> -> memref<1x!tpu.dma_semaphore, #tpu.memory_space<semaphore_mem>>
    %dma_wait3A_610 = tpu.memref_squeeze %dma_wait3A_609 : memref<1x!tpu.dma_semaphore, #tpu.memory_space<semaphore_mem>> -> memref<!tpu.dma_semaphore, #tpu.memory_space<semaphore_mem>>
    tpu.wait_indirect_dma semaphore(%dma_wait3A_610 : memref<!tpu.dma_semaphore, #tpu.memory_space<semaphore_mem>>) src(%dma_wait3A_608 : memref<1000000x64xf32, #tpu.memory_space<hbm>>) dst(%dma_wait3A_602 : memref<40x64xf32, #tpu.memory_space<vmem>>)
    %dma_wait3A_611 = arith.constant 127 : i32
    %dma_wait3A_612 = arith.constant 3 : i32
    %dma_wait3A_613 = arith.constant 3 : i32
    %dma_wait3A_614 = arith.constant 40 : i32
    %dma_wait3A_615 = arith.constant 0 : i32
    %dma_wait3A_616 = tpu.memref_slice %arg6[%dma_wait3A_612, %dma_wait3A_614, %dma_wait3A_615] : memref<4x200x64xf32, #tpu.memory_space<vmem>> -> memref<1x40x64xf32, #tpu.memory_space<vmem>>
    %dma_wait3A_617 = tpu.memref_squeeze %dma_wait3A_616 : memref<1x40x64xf32, #tpu.memory_space<vmem>> -> memref<40x64xf32, #tpu.memory_space<vmem>>
    %dma_wait3A_618 = arith.constant 40 : i32
    %dma_wait3A_619 = tpu.memref_slice %arg5[%dma_wait3A_611, %dma_wait3A_618] : memref<128x200xi32, #tpu.memory_space<vmem>> -> memref<1x40xi32, #tpu.memory_space<vmem>>
    %dma_wait3A_620 = tpu.memref_squeeze %dma_wait3A_619 : memref<1x40xi32, #tpu.memory_space<vmem>> -> memref<40xi32, #tpu.memory_space<vmem>>
    %dma_wait3A_621 = arith.constant 0 : i32
    %dma_wait3A_622 = arith.constant 0 : i32
    %dma_wait3A_623 = tpu.memref_slice %arg3[%dma_wait3A_621, %dma_wait3A_622] : memref<1000000x64xf32, #tpu.memory_space<hbm>> -> memref<1000000x64xf32, #tpu.memory_space<hbm>>
    %dma_wait3A_624 = tpu.memref_slice %arg7[%dma_wait3A_613] : memref<4x!tpu.dma_semaphore, #tpu.memory_space<semaphore_mem>> -> memref<1x!tpu.dma_semaphore, #tpu.memory_space<semaphore_mem>>
    %dma_wait3A_625 = tpu.memref_squeeze %dma_wait3A_624 : memref<1x!tpu.dma_semaphore, #tpu.memory_space<semaphore_mem>> -> memref<!tpu.dma_semaphore, #tpu.memory_space<semaphore_mem>>
    tpu.wait_indirect_dma semaphore(%dma_wait3A_625 : memref<!tpu.dma_semaphore, #tpu.memory_space<semaphore_mem>>) src(%dma_wait3A_623 : memref<1000000x64xf32, #tpu.memory_space<hbm>>) dst(%dma_wait3A_617 : memref<40x64xf32, #tpu.memory_space<vmem>>)
    %dma_wait3A_626 = arith.constant 127 : i32
    %dma_wait3A_627 = arith.constant 3 : i32
    %dma_wait3A_628 = arith.constant 3 : i32
    %dma_wait3A_629 = arith.constant 80 : i32
    %dma_wait3A_630 = arith.constant 0 : i32
    %dma_wait3A_631 = tpu.memref_slice %arg6[%dma_wait3A_627, %dma_wait3A_629, %dma_wait3A_630] : memref<4x200x64xf32, #tpu.memory_space<vmem>> -> memref<1x40x64xf32, #tpu.memory_space<vmem>>
    %dma_wait3A_632 = tpu.memref_squeeze %dma_wait3A_631 : memref<1x40x64xf32, #tpu.memory_space<vmem>> -> memref<40x64xf32, #tpu.memory_space<vmem>>
    %dma_wait3A_633 = arith.constant 80 : i32
    %dma_wait3A_634 = tpu.memref_slice %arg5[%dma_wait3A_626, %dma_wait3A_633] : memref<128x200xi32, #tpu.memory_space<vmem>> -> memref<1x40xi32, #tpu.memory_space<vmem>>
    %dma_wait3A_635 = tpu.memref_squeeze %dma_wait3A_634 : memref<1x40xi32, #tpu.memory_space<vmem>> -> memref<40xi32, #tpu.memory_space<vmem>>
    %dma_wait3A_636 = arith.constant 0 : i32
    %dma_wait3A_637 = arith.constant 0 : i32
    %dma_wait3A_638 = tpu.memref_slice %arg3[%dma_wait3A_636, %dma_wait3A_637] : memref<1000000x64xf32, #tpu.memory_space<hbm>> -> memref<1000000x64xf32, #tpu.memory_space<hbm>>
    %dma_wait3A_639 = tpu.memref_slice %arg7[%dma_wait3A_628] : memref<4x!tpu.dma_semaphore, #tpu.memory_space<semaphore_mem>> -> memref<1x!tpu.dma_semaphore, #tpu.memory_space<semaphore_mem>>
    %dma_wait3A_640 = tpu.memref_squeeze %dma_wait3A_639 : memref<1x!tpu.dma_semaphore, #tpu.memory_space<semaphore_mem>> -> memref<!tpu.dma_semaphore, #tpu.memory_space<semaphore_mem>>
    tpu.wait_indirect_dma semaphore(%dma_wait3A_640 : memref<!tpu.dma_semaphore, #tpu.memory_space<semaphore_mem>>) src(%dma_wait3A_638 : memref<1000000x64xf32, #tpu.memory_space<hbm>>) dst(%dma_wait3A_632 : memref<40x64xf32, #tpu.memory_space<vmem>>)
    %dma_wait3A_641 = arith.constant 127 : i32
    %dma_wait3A_642 = arith.constant 3 : i32
    %dma_wait3A_643 = arith.constant 3 : i32
    %dma_wait3A_644 = arith.constant 120 : i32
    %dma_wait3A_645 = arith.constant 0 : i32
    %dma_wait3A_646 = tpu.memref_slice %arg6[%dma_wait3A_642, %dma_wait3A_644, %dma_wait3A_645] : memref<4x200x64xf32, #tpu.memory_space<vmem>> -> memref<1x40x64xf32, #tpu.memory_space<vmem>>
    %dma_wait3A_647 = tpu.memref_squeeze %dma_wait3A_646 : memref<1x40x64xf32, #tpu.memory_space<vmem>> -> memref<40x64xf32, #tpu.memory_space<vmem>>
    %dma_wait3A_648 = arith.constant 120 : i32
    %dma_wait3A_649 = tpu.memref_slice %arg5[%dma_wait3A_641, %dma_wait3A_648] : memref<128x200xi32, #tpu.memory_space<vmem>> -> memref<1x40xi32, #tpu.memory_space<vmem>>
    %dma_wait3A_650 = tpu.memref_squeeze %dma_wait3A_649 : memref<1x40xi32, #tpu.memory_space<vmem>> -> memref<40xi32, #tpu.memory_space<vmem>>
    %dma_wait3A_651 = arith.constant 0 : i32
    %dma_wait3A_652 = arith.constant 0 : i32
    %dma_wait3A_653 = tpu.memref_slice %arg3[%dma_wait3A_651, %dma_wait3A_652] : memref<1000000x64xf32, #tpu.memory_space<hbm>> -> memref<1000000x64xf32, #tpu.memory_space<hbm>>
    %dma_wait3A_654 = tpu.memref_slice %arg7[%dma_wait3A_643] : memref<4x!tpu.dma_semaphore, #tpu.memory_space<semaphore_mem>> -> memref<1x!tpu.dma_semaphore, #tpu.memory_space<semaphore_mem>>
    %dma_wait3A_655 = tpu.memref_squeeze %dma_wait3A_654 : memref<1x!tpu.dma_semaphore, #tpu.memory_space<semaphore_mem>> -> memref<!tpu.dma_semaphore, #tpu.memory_space<semaphore_mem>>
    tpu.wait_indirect_dma semaphore(%dma_wait3A_655 : memref<!tpu.dma_semaphore, #tpu.memory_space<semaphore_mem>>) src(%dma_wait3A_653 : memref<1000000x64xf32, #tpu.memory_space<hbm>>) dst(%dma_wait3A_647 : memref<40x64xf32, #tpu.memory_space<vmem>>)
    %dma_wait3A_656 = arith.constant 127 : i32
    %dma_wait3A_657 = arith.constant 3 : i32
    %dma_wait3A_658 = arith.constant 3 : i32
    %dma_wait3A_659 = arith.constant 160 : i32
    %dma_wait3A_660 = arith.constant 0 : i32
    %dma_wait3A_661 = tpu.memref_slice %arg6[%dma_wait3A_657, %dma_wait3A_659, %dma_wait3A_660] : memref<4x200x64xf32, #tpu.memory_space<vmem>> -> memref<1x40x64xf32, #tpu.memory_space<vmem>>
    %dma_wait3A_662 = tpu.memref_squeeze %dma_wait3A_661 : memref<1x40x64xf32, #tpu.memory_space<vmem>> -> memref<40x64xf32, #tpu.memory_space<vmem>>
    %dma_wait3A_663 = arith.constant 160 : i32
    %dma_wait3A_664 = tpu.memref_slice %arg5[%dma_wait3A_656, %dma_wait3A_663] : memref<128x200xi32, #tpu.memory_space<vmem>> -> memref<1x40xi32, #tpu.memory_space<vmem>>
    %dma_wait3A_665 = tpu.memref_squeeze %dma_wait3A_664 : memref<1x40xi32, #tpu.memory_space<vmem>> -> memref<40xi32, #tpu.memory_space<vmem>>
    %dma_wait3A_666 = arith.constant 0 : i32
    %dma_wait3A_667 = arith.constant 0 : i32
    %dma_wait3A_668 = tpu.memref_slice %arg3[%dma_wait3A_666, %dma_wait3A_667] : memref<1000000x64xf32, #tpu.memory_space<hbm>> -> memref<1000000x64xf32, #tpu.memory_space<hbm>>
    %dma_wait3A_669 = tpu.memref_slice %arg7[%dma_wait3A_658] : memref<4x!tpu.dma_semaphore, #tpu.memory_space<semaphore_mem>> -> memref<1x!tpu.dma_semaphore, #tpu.memory_space<semaphore_mem>>
    %dma_wait3A_670 = tpu.memref_squeeze %dma_wait3A_669 : memref<1x!tpu.dma_semaphore, #tpu.memory_space<semaphore_mem>> -> memref<!tpu.dma_semaphore, #tpu.memory_space<semaphore_mem>>
    tpu.wait_indirect_dma semaphore(%dma_wait3A_670 : memref<!tpu.dma_semaphore, #tpu.memory_space<semaphore_mem>>) src(%dma_wait3A_668 : memref<1000000x64xf32, #tpu.memory_space<hbm>>) dst(%dma_wait3A_662 : memref<40x64xf32, #tpu.memory_space<vmem>>)
    %add3A_671 = arith.constant 127 : i32
    %add3A_672 = arith.addi %mul3A_2, %add3A_671 : i32
    %dma_start3A_673 = arith.constant 3 : i32
    %dma_start3A_674 = arith.constant 3 : i32
    %dma_start3A_675 = arith.constant 0 : i32
    %dma_start3A_676 = arith.constant 0 : i32
    %dma_start3A_677 = tpu.memref_slice %arg6[%dma_start3A_673, %dma_start3A_675, %dma_start3A_676] : memref<4x200x64xf32, #tpu.memory_space<vmem>> -> memref<1x200x64xf32, #tpu.memory_space<vmem>>
    %dma_start3A_678 = tpu.memref_squeeze %dma_start3A_677 : memref<1x200x64xf32, #tpu.memory_space<vmem>> -> memref<200x64xf32, #tpu.memory_space<vmem>>
    %dma_start3A_679 = arith.constant 0 : i32
    %dma_start3A_680 = arith.constant 0 : i32
    %dma_start3A_681 = tpu.memref_slice %arg4[%add3A_672, %dma_start3A_679, %dma_start3A_680] : memref<4096x200x128xf32, #tpu.memory_space<hbm>> -> memref<1x200x64xf32, #tpu.memory_space<hbm>>
    %dma_start3A_682 = tpu.memref_squeeze %dma_start3A_681 : memref<1x200x64xf32, #tpu.memory_space<hbm>> -> memref<200x64xf32, #tpu.memory_space<hbm>>
    %dma_start3A_683 = tpu.memref_slice %arg8[%dma_start3A_674] : memref<4x!tpu.dma_semaphore, #tpu.memory_space<semaphore_mem>> -> memref<1x!tpu.dma_semaphore, #tpu.memory_space<semaphore_mem>>
    %dma_start3A_684 = tpu.memref_squeeze %dma_start3A_683 : memref<1x!tpu.dma_semaphore, #tpu.memory_space<semaphore_mem>> -> memref<!tpu.dma_semaphore, #tpu.memory_space<semaphore_mem>>
    %dma_start3A_685 = arith.constant 0 : i32
    %dma_start3A_686 = arith.constant 0 : i32
    %dma_start3A_687 = tpu.memref_slice %arg4[%add3A_672, %dma_start3A_685, %dma_start3A_686] : memref<4096x200x128xf32, #tpu.memory_space<hbm>> -> memref<1x200x64xf32, #tpu.memory_space<hbm>>
    %dma_start3A_688 = tpu.memref_squeeze %dma_start3A_687 : memref<1x200x64xf32, #tpu.memory_space<hbm>> -> memref<200x64xf32, #tpu.memory_space<hbm>>
    %dma_start3A_689 = arith.constant 0 : i32
    %dma_start3A_690 = arith.constant 0 : i32
    %dma_start3A_691 = tpu.memref_slice %arg6[%dma_start3A_673, %dma_start3A_689, %dma_start3A_690] : memref<4x200x64xf32, #tpu.memory_space<vmem>> -> memref<1x200x64xf32, #tpu.memory_space<vmem>>
    %dma_start3A_692 = tpu.memref_squeeze %dma_start3A_691 : memref<1x200x64xf32, #tpu.memory_space<vmem>> -> memref<200x64xf32, #tpu.memory_space<vmem>>
    tpu.enqueue_dma source(%dma_start3A_692 : memref<200x64xf32, #tpu.memory_space<vmem>>) target(%dma_start3A_688 : memref<200x64xf32, #tpu.memory_space<hbm>>) target_semaphore(%dma_start3A_684 : memref<!tpu.dma_semaphore, #tpu.memory_space<semaphore_mem>>)
    %add3A_693 = arith.constant 124 : i32
    %add3A_694 = arith.addi %mul3A_2, %add3A_693 : i32
    %dma_wait3A_695 = arith.constant 0 : i32
    %dma_wait3A_696 = arith.constant 0 : i32
    %dma_wait3A_697 = arith.constant 0 : i32
    %dma_wait3A_698 = arith.constant 0 : i32
    %dma_wait3A_699 = tpu.memref_slice %arg6[%dma_wait3A_695, %dma_wait3A_697, %dma_wait3A_698] : memref<4x200x64xf32, #tpu.memory_space<vmem>> -> memref<1x200x64xf32, #tpu.memory_space<vmem>>
    %dma_wait3A_700 = tpu.memref_squeeze %dma_wait3A_699 : memref<1x200x64xf32, #tpu.memory_space<vmem>> -> memref<200x64xf32, #tpu.memory_space<vmem>>
    %dma_wait3A_701 = arith.constant 0 : i32
    %dma_wait3A_702 = arith.constant 0 : i32
    %dma_wait3A_703 = tpu.memref_slice %arg4[%add3A_694, %dma_wait3A_701, %dma_wait3A_702] : memref<4096x200x128xf32, #tpu.memory_space<hbm>> -> memref<1x200x64xf32, #tpu.memory_space<hbm>>
    %dma_wait3A_704 = tpu.memref_squeeze %dma_wait3A_703 : memref<1x200x64xf32, #tpu.memory_space<hbm>> -> memref<200x64xf32, #tpu.memory_space<hbm>>
    %dma_wait3A_705 = tpu.memref_slice %arg8[%dma_wait3A_696] : memref<4x!tpu.dma_semaphore, #tpu.memory_space<semaphore_mem>> -> memref<1x!tpu.dma_semaphore, #tpu.memory_space<semaphore_mem>>
    %dma_wait3A_706 = tpu.memref_squeeze %dma_wait3A_705 : memref<1x!tpu.dma_semaphore, #tpu.memory_space<semaphore_mem>> -> memref<!tpu.dma_semaphore, #tpu.memory_space<semaphore_mem>>
    %dma_wait3A_707 = arith.constant 0 : i32
    %dma_wait3A_708 = arith.constant 0 : i32
    %dma_wait3A_709 = tpu.memref_slice %arg4[%add3A_694, %dma_wait3A_707, %dma_wait3A_708] : memref<4096x200x128xf32, #tpu.memory_space<hbm>> -> memref<1x200x64xf32, #tpu.memory_space<hbm>>
    %dma_wait3A_710 = tpu.memref_squeeze %dma_wait3A_709 : memref<1x200x64xf32, #tpu.memory_space<hbm>> -> memref<200x64xf32, #tpu.memory_space<hbm>>
    %dma_wait3A_711 = arith.constant 0 : i32
    %dma_wait3A_712 = arith.constant 0 : i32
    %dma_wait3A_713 = tpu.memref_slice %arg6[%dma_wait3A_695, %dma_wait3A_711, %dma_wait3A_712] : memref<4x200x64xf32, #tpu.memory_space<vmem>> -> memref<1x200x64xf32, #tpu.memory_space<vmem>>
    %dma_wait3A_714 = tpu.memref_squeeze %dma_wait3A_713 : memref<1x200x64xf32, #tpu.memory_space<vmem>> -> memref<200x64xf32, #tpu.memory_space<vmem>>
    tpu.wait_dma2 semaphore(%dma_wait3A_706 : memref<!tpu.dma_semaphore, #tpu.memory_space<semaphore_mem>>) src(%dma_wait3A_714 : memref<200x64xf32, #tpu.memory_space<vmem>>) dst(%dma_wait3A_710 : memref<200x64xf32, #tpu.memory_space<hbm>>)
    %add3A_715 = arith.constant 125 : i32
    %add3A_716 = arith.addi %mul3A_2, %add3A_715 : i32
    %dma_wait3A_717 = arith.constant 1 : i32
    %dma_wait3A_718 = arith.constant 1 : i32
    %dma_wait3A_719 = arith.constant 0 : i32
    %dma_wait3A_720 = arith.constant 0 : i32
    %dma_wait3A_721 = tpu.memref_slice %arg6[%dma_wait3A_717, %dma_wait3A_719, %dma_wait3A_720] : memref<4x200x64xf32, #tpu.memory_space<vmem>> -> memref<1x200x64xf32, #tpu.memory_space<vmem>>
    %dma_wait3A_722 = tpu.memref_squeeze %dma_wait3A_721 : memref<1x200x64xf32, #tpu.memory_space<vmem>> -> memref<200x64xf32, #tpu.memory_space<vmem>>
    %dma_wait3A_723 = arith.constant 0 : i32
    %dma_wait3A_724 = arith.constant 0 : i32
    %dma_wait3A_725 = tpu.memref_slice %arg4[%add3A_716, %dma_wait3A_723, %dma_wait3A_724] : memref<4096x200x128xf32, #tpu.memory_space<hbm>> -> memref<1x200x64xf32, #tpu.memory_space<hbm>>
    %dma_wait3A_726 = tpu.memref_squeeze %dma_wait3A_725 : memref<1x200x64xf32, #tpu.memory_space<hbm>> -> memref<200x64xf32, #tpu.memory_space<hbm>>
    %dma_wait3A_727 = tpu.memref_slice %arg8[%dma_wait3A_718] : memref<4x!tpu.dma_semaphore, #tpu.memory_space<semaphore_mem>> -> memref<1x!tpu.dma_semaphore, #tpu.memory_space<semaphore_mem>>
    %dma_wait3A_728 = tpu.memref_squeeze %dma_wait3A_727 : memref<1x!tpu.dma_semaphore, #tpu.memory_space<semaphore_mem>> -> memref<!tpu.dma_semaphore, #tpu.memory_space<semaphore_mem>>
    %dma_wait3A_729 = arith.constant 0 : i32
    %dma_wait3A_730 = arith.constant 0 : i32
    %dma_wait3A_731 = tpu.memref_slice %arg4[%add3A_716, %dma_wait3A_729, %dma_wait3A_730] : memref<4096x200x128xf32, #tpu.memory_space<hbm>> -> memref<1x200x64xf32, #tpu.memory_space<hbm>>
    %dma_wait3A_732 = tpu.memref_squeeze %dma_wait3A_731 : memref<1x200x64xf32, #tpu.memory_space<hbm>> -> memref<200x64xf32, #tpu.memory_space<hbm>>
    %dma_wait3A_733 = arith.constant 0 : i32
    %dma_wait3A_734 = arith.constant 0 : i32
    %dma_wait3A_735 = tpu.memref_slice %arg6[%dma_wait3A_717, %dma_wait3A_733, %dma_wait3A_734] : memref<4x200x64xf32, #tpu.memory_space<vmem>> -> memref<1x200x64xf32, #tpu.memory_space<vmem>>
    %dma_wait3A_736 = tpu.memref_squeeze %dma_wait3A_735 : memref<1x200x64xf32, #tpu.memory_space<vmem>> -> memref<200x64xf32, #tpu.memory_space<vmem>>
    tpu.wait_dma2 semaphore(%dma_wait3A_728 : memref<!tpu.dma_semaphore, #tpu.memory_space<semaphore_mem>>) src(%dma_wait3A_736 : memref<200x64xf32, #tpu.memory_space<vmem>>) dst(%dma_wait3A_732 : memref<200x64xf32, #tpu.memory_space<hbm>>)
    %add3A_737 = arith.constant 126 : i32
    %add3A_738 = arith.addi %mul3A_2, %add3A_737 : i32
    %dma_wait3A_739 = arith.constant 2 : i32
    %dma_wait3A_740 = arith.constant 2 : i32
    %dma_wait3A_741 = arith.constant 0 : i32
    %dma_wait3A_742 = arith.constant 0 : i32
    %dma_wait3A_743 = tpu.memref_slice %arg6[%dma_wait3A_739, %dma_wait3A_741, %dma_wait3A_742] : memref<4x200x64xf32, #tpu.memory_space<vmem>> -> memref<1x200x64xf32, #tpu.memory_space<vmem>>
    %dma_wait3A_744 = tpu.memref_squeeze %dma_wait3A_743 : memref<1x200x64xf32, #tpu.memory_space<vmem>> -> memref<200x64xf32, #tpu.memory_space<vmem>>
    %dma_wait3A_745 = arith.constant 0 : i32
    %dma_wait3A_746 = arith.constant 0 : i32
    %dma_wait3A_747 = tpu.memref_slice %arg4[%add3A_738, %dma_wait3A_745, %dma_wait3A_746] : memref<4096x200x128xf32, #tpu.memory_space<hbm>> -> memref<1x200x64xf32, #tpu.memory_space<hbm>>
    %dma_wait3A_748 = tpu.memref_squeeze %dma_wait3A_747 : memref<1x200x64xf32, #tpu.memory_space<hbm>> -> memref<200x64xf32, #tpu.memory_space<hbm>>
    %dma_wait3A_749 = tpu.memref_slice %arg8[%dma_wait3A_740] : memref<4x!tpu.dma_semaphore, #tpu.memory_space<semaphore_mem>> -> memref<1x!tpu.dma_semaphore, #tpu.memory_space<semaphore_mem>>
    %dma_wait3A_750 = tpu.memref_squeeze %dma_wait3A_749 : memref<1x!tpu.dma_semaphore, #tpu.memory_space<semaphore_mem>> -> memref<!tpu.dma_semaphore, #tpu.memory_space<semaphore_mem>>
    %dma_wait3A_751 = arith.constant 0 : i32
    %dma_wait3A_752 = arith.constant 0 : i32
    %dma_wait3A_753 = tpu.memref_slice %arg4[%add3A_738, %dma_wait3A_751, %dma_wait3A_752] : memref<4096x200x128xf32, #tpu.memory_space<hbm>> -> memref<1x200x64xf32, #tpu.memory_space<hbm>>
    %dma_wait3A_754 = tpu.memref_squeeze %dma_wait3A_753 : memref<1x200x64xf32, #tpu.memory_space<hbm>> -> memref<200x64xf32, #tpu.memory_space<hbm>>
    %dma_wait3A_755 = arith.constant 0 : i32
    %dma_wait3A_756 = arith.constant 0 : i32
    %dma_wait3A_757 = tpu.memref_slice %arg6[%dma_wait3A_739, %dma_wait3A_755, %dma_wait3A_756] : memref<4x200x64xf32, #tpu.memory_space<vmem>> -> memref<1x200x64xf32, #tpu.memory_space<vmem>>
    %dma_wait3A_758 = tpu.memref_squeeze %dma_wait3A_757 : memref<1x200x64xf32, #tpu.memory_space<vmem>> -> memref<200x64xf32, #tpu.memory_space<vmem>>
    tpu.wait_dma2 semaphore(%dma_wait3A_750 : memref<!tpu.dma_semaphore, #tpu.memory_space<semaphore_mem>>) src(%dma_wait3A_758 : memref<200x64xf32, #tpu.memory_space<vmem>>) dst(%dma_wait3A_754 : memref<200x64xf32, #tpu.memory_space<hbm>>)
    %add3A_759 = arith.constant 127 : i32
    %add3A_760 = arith.addi %mul3A_2, %add3A_759 : i32
    %dma_wait3A_761 = arith.constant 3 : i32
    %dma_wait3A_762 = arith.constant 3 : i32
    %dma_wait3A_763 = arith.constant 0 : i32
    %dma_wait3A_764 = arith.constant 0 : i32
    %dma_wait3A_765 = tpu.memref_slice %arg6[%dma_wait3A_761, %dma_wait3A_763, %dma_wait3A_764] : memref<4x200x64xf32, #tpu.memory_space<vmem>> -> memref<1x200x64xf32, #tpu.memory_space<vmem>>
    %dma_wait3A_766 = tpu.memref_squeeze %dma_wait3A_765 : memref<1x200x64xf32, #tpu.memory_space<vmem>> -> memref<200x64xf32, #tpu.memory_space<vmem>>
    %dma_wait3A_767 = arith.constant 0 : i32
    %dma_wait3A_768 = arith.constant 0 : i32
    %dma_wait3A_769 = tpu.memref_slice %arg4[%add3A_760, %dma_wait3A_767, %dma_wait3A_768] : memref<4096x200x128xf32, #tpu.memory_space<hbm>> -> memref<1x200x64xf32, #tpu.memory_space<hbm>>
    %dma_wait3A_770 = tpu.memref_squeeze %dma_wait3A_769 : memref<1x200x64xf32, #tpu.memory_space<hbm>> -> memref<200x64xf32, #tpu.memory_space<hbm>>
    %dma_wait3A_771 = tpu.memref_slice %arg8[%dma_wait3A_762] : memref<4x!tpu.dma_semaphore, #tpu.memory_space<semaphore_mem>> -> memref<1x!tpu.dma_semaphore, #tpu.memory_space<semaphore_mem>>
    %dma_wait3A_772 = tpu.memref_squeeze %dma_wait3A_771 : memref<1x!tpu.dma_semaphore, #tpu.memory_space<semaphore_mem>> -> memref<!tpu.dma_semaphore, #tpu.memory_space<semaphore_mem>>
    %dma_wait3A_773 = arith.constant 0 : i32
    %dma_wait3A_774 = arith.constant 0 : i32
    %dma_wait3A_775 = tpu.memref_slice %arg4[%add3A_760, %dma_wait3A_773, %dma_wait3A_774] : memref<4096x200x128xf32, #tpu.memory_space<hbm>> -> memref<1x200x64xf32, #tpu.memory_space<hbm>>
    %dma_wait3A_776 = tpu.memref_squeeze %dma_wait3A_775 : memref<1x200x64xf32, #tpu.memory_space<hbm>> -> memref<200x64xf32, #tpu.memory_space<hbm>>
    %dma_wait3A_777 = arith.constant 0 : i32
    %dma_wait3A_778 = arith.constant 0 : i32
    %dma_wait3A_779 = tpu.memref_slice %arg6[%dma_wait3A_761, %dma_wait3A_777, %dma_wait3A_778] : memref<4x200x64xf32, #tpu.memory_space<vmem>> -> memref<1x200x64xf32, #tpu.memory_space<vmem>>
    %dma_wait3A_780 = tpu.memref_squeeze %dma_wait3A_779 : memref<1x200x64xf32, #tpu.memory_space<vmem>> -> memref<200x64xf32, #tpu.memory_space<vmem>>
    tpu.wait_dma2 semaphore(%dma_wait3A_772 : memref<!tpu.dma_semaphore, #tpu.memory_space<semaphore_mem>>) src(%dma_wait3A_780 : memref<200x64xf32, #tpu.memory_space<vmem>>) dst(%dma_wait3A_776 : memref<200x64xf32, #tpu.memory_space<hbm>>)
    return
  }
}

</mosaic_0001>

<sc_bundles>
// kernel: kernel.3.cloned.1.call-start
scs
__scs_entry_jumppad:
0x0: {  	(pc) =	sbr.rel $0x88, $3  }
0x1: {  	(tag) =	ssettag $0x0;
	lr =	simm.s32 $0x1  }
0x2: {  	[smem:$0x3F9F] =	sst lr;
	_ =	strace $0xD0000000  }
0x3: {  	_ = 	snop  }
0x4: {  	_ = 	snop  }
0x5: {  	_ = 	snop  }
0x6: {  	_ = 	snop  }
0x7: {  	_ = 	snop  }
__scs_overlays_trampoline_lowered:
0x8: {  	[smem:$0x3FAE] =	sst s0  }
0x9: {  	[smem:$0x3FAF] =	sst s1  }
0xa: {  	[smem:$0x3FB0] =	sst s2  }
0xb: {  	[smem:$0x3FB1] =	sst s3  }
0xc: {  	[smem:$0x3FB2] =	sst s4  }
0xd: {  	[smem:$0x3FB3] =	sst s5  }
0xe: {  	[smem:$0x3FB4] =	sst s6  }
0xf: {  	[smem:$0x3FB5] =	sst s7  }
0x10: {  	[smem:$0x3FB6] =	sst s8  }
0x11: {  	[smem:$0x3FB7] =	sst s9;
	s0 =	simm.s32 @!p0 $0x0  }
0x12: {  	s1 =	sld [smem:$0x3F9D];
	s0 =	simm.s32 @p0 $0x1  }
0x13: {  	[smem:$0x3FB8] =	sst s0;
	s0 =	simm.s32 @!p1 $0x0  }
0x14: {  	s2 =	sld [smem:$0x3F9C];
	s0 =	simm.s32 @p1 $0x1  }
0x15: {  	[smem:$0x3FB9] =	sst s0;
	s0 =	simm.s32 @!p2 $0x0  }
0x16: {  	s3 =	sld [smem:$0x3FDB];
	s0 =	simm.s32 @p2 $0x1  }
0x17: {  	s4 =	simm.s32 $0x1BF5;
	[smem:$0x3FBB] =	sst s0  }
0x18: {  	s0 =	sld [smem:$0x3F9E];
	_ =	swait.ge [sflag:s4], $0x0  }
0x19: {  	s7 =	sld [smem:$0x3F9F]  }
0x1a: {  	s8 =	sadd.s32 $0xFFFFE003, lr  }
0x1b: {  	s9 =	sadd.s32 $0xFFFFFEF7, lr;
	s5 =	simm.s32 $0xFFFFFFFF;
	p2 =	slt.u32 s8, $0xFFFFF086  }
0x1c: {  	p1 =	slt.u32 s9, $0xF7A;
	s5 =	simm.s32 @!p2 $0x0  }
0x1d: {  	s5 =	simm.s32 @p1 $0x1;
	p0 =	seq.s32 s7, s2  }
0x1e: {  	s7 =	smul.u32 @!p0 $0xF7A, s2;
	p2 =	seq.s32 @!p0 s5, $0x0  }
0x1f: {  	s9 =	smul.u32 $0xF7A, s1;
	s8 =	simm.s32 @!p0 $0x1BF5;
	p2 =	por !p2, p0  }
0x20: {  	[sflag:s8] =	ssyncset.s32 @!p0 $0xFFFFF086;
	s6 =	sadd.s32 @!p0 s3, s7;
	s7 =	simm.s32 @!p0 $0x108  }
0x21: {  	s3 =	sadd.s32 s3, s9;
	s6 =	sadd.s32 @!p0 $0x88, s6;
	s7 =	simm.s32 @p2 $0x1082  }
0x22: {  	[simem:s7], [sflag:s8] =	dma.local @!p0 [hbm:s6], $0xF7A  }
0x23: {  	s9 =	sor.u32 $0xD0000000, s2;
	s6 =	simm.s32 $0x108;
	_ =	swait.ge @!p0 [sflag:s8], $0x0  }
0x24: {  	s3 =	sadd.s32 $0x88, s3;
	s6 =	simm.s32 @!p1 $0x1082;
	[sflag:s4] =	ssyncset.s32 $0xFFFFF086  }
0x25: {  	[simem:s6], [sflag:s4] =	dma.local [hbm:s3], $0xF7A  }
0x26: {  	[smem:$0x3F9F] =	sst s1;
	(tag) =	ssettag s2;
	_ =	strace s9  }
0x27: {  	s1 =	sld [smem:$0x3FAF]  }
0x28: {  	s2 =	sld [smem:$0x3FB0]  }
0x29: {  	s4 =	sld [smem:$0x3FB2]  }
0x2a: {  	p0 =	seq.s32 s5, $0x0;
	s5 =	sld [smem:$0x3FB3]  }
0x2b: {  	s6 =	sld [smem:$0x3FB4]  }
0x2c: {  	s7 =	sld [smem:$0x3FB5]  }
0x2d: {  	s3 =	simm.s32 $0x108;
	s8 =	sld [smem:$0x3FB6]  }
0x2e: {  	s3 =	simm.s32 @!p0 $0x1082;
	s9 =	sld [smem:$0x3FB7]  }
0x2f: {  	lr =	sadd.s32 s0, s3;
	s0 =	sld [smem:$0x3FAE]  }
0x30: {  	s3 =	sld [smem:$0x3FB1]  }
0x31: {  	[smem:$0x3FBA] =	sst s10  }
0x32: {  	s10 =	sld [smem:$0x3FB8];
	_ =	sdelay $0x3  }
0x33: {  	p0 =	seq.s32 s10, $0x1;
	s10 =	sld [smem:$0x3FBA];
	_ =	sdelay $0x3  }
0x34: {  	[smem:$0x3FBA] =	sst s10  }
0x35: {  	s10 =	sld [smem:$0x3FB9];
	_ =	sdelay $0x3  }
0x36: {  	p1 =	seq.s32 s10, $0x1;
	s10 =	sld [smem:$0x3FBA];
	_ =	sdelay $0x3  }
0x37: {  	[smem:$0x3FBA] =	sst s10  }
0x38: {  	s10 =	sld [smem:$0x3FBB]  }
0x39: {  	_ = 	snop;
	(pc) =	sbr.ind lr, $3  }
0x3a: {  	_ = 	snop  }
0x3b: {  	_ = 	snop  }
0x3c: {  	p2 =	seq.s32 s10, $0x1;
	s10 =	sld [smem:$0x3FBA]  }
0x3d: {  	_ =	shalt  }
0x3e: {  	_ =	shalt  }
0x3f: {  	_ =	shalt  }
0x40: {  	_ =	shalt  }
0x41: {  	_ =	shalt  }
0x42: {  	_ =	shalt  }
0x43: {  	_ =	shalt  }
0x44: {  	_ =	shalt  }
0x45: {  	_ =	shalt  }
0x46: {  	_ =	shalt  }
0x47: {  	_ =	shalt  }
0x48: {  	_ =	shalt  }
0x49: {  	_ =	shalt  }
0x4a: {  	_ =	shalt  }
0x4b: {  	_ =	shalt  }
0x4c: {  	_ =	shalt  }
0x4d: {  	_ =	shalt  }
0x4e: {  	_ =	shalt  }
0x4f: {  	_ =	shalt  }
0x50: {  	_ =	shalt  }
0x51: {  	_ =	shalt  }
0x52: {  	_ =	shalt  }
0x53: {  	_ =	shalt  }
0x54: {  	_ =	shalt  }
0x55: {  	_ =	shalt  }
0x56: {  	_ =	shalt  }
0x57: {  	_ =	shalt  }
0x58: {  	_ =	shalt  }
0x59: {  	_ =	shalt  }
0x5a: {  	_ =	shalt  }
0x5b: {  	_ =	shalt  }
0x5c: {  	_ =	shalt  }
0x5d: {  	_ =	shalt  }
0x5e: {  	_ =	shalt  }
0x5f: {  	_ =	shalt  }
0x60: {  	_ =	shalt  }
0x61: {  	_ =	shalt  }
0x62: {  	_ =	shalt  }
0x63: {  	_ =	shalt  }
0x64: {  	_ =	shalt  }
0x65: {  	_ =	shalt  }
0x66: {  	_ =	shalt  }
0x67: {  	_ =	shalt  }
0x68: {  	_ =	shalt  }
0x69: {  	_ =	shalt  }
0x6a: {  	_ =	shalt  }
0x6b: {  	_ =	shalt  }
0x6c: {  	_ =	shalt  }
0x6d: {  	_ =	shalt  }
0x6e: {  	_ =	shalt  }
0x6f: {  	_ =	shalt  }
0x70: {  	_ =	shalt  }
0x71: {  	_ =	shalt  }
0x72: {  	_ =	shalt  }
0x73: {  	_ =	shalt  }
0x74: {  	_ =	shalt  }
0x75: {  	_ =	shalt  }
0x76: {  	_ =	shalt  }
0x77: {  	_ =	shalt  }
0x78: {  	_ =	shalt  }
0x79: {  	_ =	shalt  }
0x7a: {  	_ =	shalt  }
0x7b: {  	_ =	shalt  }
0x7c: {  	_ =	shalt  }
0x7d: {  	_ =	shalt  }
0x7e: {  	_ =	shalt  }
0x7f: {  	_ =	shalt  }
0x80: {  	_ =	shalt  }
0x81: {  	_ =	shalt  }
0x82: {  	_ =	shalt  }
0x83: {  	_ =	shalt  }
0x84: {  	_ =	shalt  }
0x85: {  	_ =	shalt  }
0x86: {  	_ =	shalt  }
0x87: {  	_ =	shalt  }
.Lfunc_end0:
.L_simem_size_0:
called_computation.1_lowered:
.L_overlay_start_0:
0x88: {  	s2 =	sld [smem:$0x3FD9]  }
0x89: {  	s3 =	sld [smem:$0x3FFE];
	_ =	sdelay $0x1  }
0x8a: {  	s1 =	srdreg.scid  }
0x8b: {  	s0 =	sand.u32 $0x1, s1  }
0x8c: {  	s17 =	sshll.u32 s0, $0xA;
	s2 =	sadd.s32 s3, s2  }
0x8d: {  	s2 =	sadd.s32 s2, s17  }
0x8e: {  	[smem:$0x3FC6] =	sst s2  }
0x8f: {  	_ = 	snop  }
0x90: {  	s2 =	sld [smem:$0x3FD0];
	(tm) =	ssettm $0x1  }
0x91: {  	s18 =	sld [smem:$0x3FFB];
	_ =	sdelay $0x3  }
0x92: {  	_ =	strace s18  }
0x93: {  	s3 =	sld [smem:$0x3FFC];
	_ =	sdelay $0x3  }
0x94: {  	_ =	strace s3  }
0x95: {  	s3 =	sld [smem:$0x3FFD];
	_ =	sdelay $0x3  }
0x96: {  	_ =	strace s3  }
0x97: {  	_ =	strace $0x8FFFFFFF  }
0x98: {  	s19 =	sld [smem:$0x3FDB];
	_ =	sdelay $0x1  }
0x99: {  	s4 =	simm.s32 $_scs_section_size  }
0x9a: {  	s5 =	simm.s32 $_size__tile_overlayer_lowered;
	s6 =	simm.s32 $_tile_overlayer_lowered  }
0x9b: {  	s22 =	simm.s32 $0x1BFF;
	s21 =	sshll.u32 s6, $0x1;
	s3 =	sadd.s32 s4, s19  }
0x9c: {  	s7 =	simm.s32 $0x0;
	s20 =	sshll.u32 s5, $0x1;
	s5 =	sadd.s32 s21, s3  }
0x9d: {  	[timem:s7], [sflag:s22] =	dma.local [hbm:s5], s20  }
0x9e: {  	_ =	swait.ge [sflag:s22], s20  }
0x9f: {  	s4 =	ssub.s32 $0x0, s20;
	[sflag:s22] =	ssyncset.done $0x0  }
0xa0: {  	[sflag:s22] =	ssyncadd.s32 s4;
	_ =	sdelay $0x1  }
0xa1: {  	s23 =	simm.s32 $0x1B8B  }
0xa2: {  	_ =	swait.ge [sflag:s23], $0x1  }
0xa3: {  	[sflag:s23] =	ssyncset.done $0x0  }
0xa4: {  	s25 =	simm.s32 $0x1B8E;
	s24 =	sld [smem:$0x3FFE];
	[sflag:s23] =	ssyncadd.s32 $0xFFFFFFFF  }
0xa5: {  	s26 =	simm.s32 $execute0_lowered;
	[smem:$0x3FD2] =	sst s25  }
0xa6: {  	s5 =	sshll.u32 s26, $0x1;
	_ =	strace $0x80000046;
	[dreg:$0x1] =	wrdreg $0xFFFFFFFF  }
0xa7: {  	s28 =	simm.s32 $_size_execute0_lowered;
	s3 =	sadd.s32 s3, s5;
	[dreg:$0x0] =	wrdreg $0x0  }
0xa8: {  	s5 =	sshll.u32 s28, $0x1;
	[dreg:$0x2] =	wrdreg s3  }
0xa9: {  	[dreg:$0x3] =	wrdreg s5  }
0xaa: {  	[dreg:$0x4] =	wrdreg $0xC0  }
0xab: {  	_ =	task [dreg:s7], $0x5FFFF  }
0xac: {  	[dreg:$0x1] =	wrdreg $0xFFFFFFFF  }
0xad: {  	[dreg:$0x0] =	wrdreg $0x60  }
0xae: {  	[dreg:$0x2] =	wrdreg s2  }
0xaf: {  	[dreg:$0x3] =	wrdreg s24  }
0xb0: {  	[dreg:$0x4] =	wrdreg $0x9  }
0xb1: {  	_ =	task.clear_ibuf [dreg:s7], $0x5FFFF;
	_ =	strace $0x90000046  }
0xb2: {  	s29 =	simm.s32 $0x9;
	_ =	strace $0x80000048  }
0xb3: {  	_ =	swait.ge [sflag:s29], $0x1  }
0xb4: {  	[sflag:s29] =	ssyncadd.s32 $0xFFFFFFFF  }
0xb5: {  	_ =	strace $0x90000048  }
0xb6: {  	_ =	sfence  }
0xb7: {  	s30 =	sld [smem:$0x0];
	_ =	sdelay $0x2  }
0xb8: {  	s31 =	sshll.u32 s1, $0xD;
	s1 =	sshrl.u32 s1, $0x2  }
0xb9: {  	s3 =	sand.u32 $0x4000, s31;
	s1 =	sadd.s32 s1, s30  }
0xba: {  	s0 =	sor.u32 s3, s0;
	s1 =	sshll.u32 s1, $0x11  }
0xbb: {  	s0 =	sor.u32 s1, s0  }
0xbc: {  	s0 =	sadd.s32 $0x8F2B, s0  }
0xbd: {  	[sflag:s0] =	ssyncadd.remote.s32 $0x1  }
0xbe: {  	_ =	sfence.sel $0xFFFF  }
0xbf: {  	[dreg:$0x0] =	wrdreg $0xFFFFFFFF;
	(pc) =	sbr.abs _section_cstart, $3  }
0xc0: {  	[dreg:$0x1] =	wrdreg $0xFFFFFFFF  }
0xc1: {  	_ =	task.clear_ibuf [dreg:s7], $0x2FFFF;
	_ =	strace $0x9FFFFFFF  }
0xc2: {  	(tm) =	ssettm $0x7FFFFFFF  }
0xc3: {  	_ =	shalt  }
tec
execute0_lowered:
.L_overlay_start_1:
0x0: {  	(tag) =	ssettag $0x1  }
0x1: {  	s0 =	rddreg [dreg:$0x0]  }
0x2: {  	s1 =	rddreg [dreg:$0x1]  }
0x3: {  	s2 =	srdreg.scid;
	s8 =	stileid.u32  }
0x4: {  	s5 =	simm.s32 $0x0;
	s12 =	simm.s32 $0x28;
	s20 =	simm.s32 $0x6E00  }
0x5: {  	s17 =	simm.s32 $0x8C00;
	s29 =	simm.s32 $0xB400;
	s28 =	simm.s32 $0xDC00  }
0x6: {  	s19 =	simm.s32 $0xE600;
	s13 =	simm.s32 $0xF000;
	s15 =	simm.s32 $0xFA00  }
0x7: {  	s9 =	simm.s32 $0x5;
	s11 =	simm.s32 $0x6;
	s10 =	simm.s32 $0x7  }
0x8: {  	s14 =	simm.s32 $0x8;
	s18 =	simm.s32 $0x0;
	s2 =	sand.u32 $0x1, s2  }
0x9: {  	s3 =	sshll.u32 s8, $0x8;
	[smem:$0x7FF] =	sst s5;
	s22 =	smul.u32 $0xC8000, s8  }
0xa: {  	s8 =	simm.s32 $0x4;
	s4 =	sshll.u32 s2, $0x7;
	_ =	strace $0x80000047  }
0xb: {  	s6 =	ssub.s32 $0x2, s2;
	s24 =	smul.u32 $0x64000, s2;
	s4 =	sor.u32 s4, s3  }
0xc: {  	s2 =	simm.s32 $0x1;
	s7 =	sshrl.u32 s6, $0x1;
	s21 =	smul.u32 $0x6400, s4  }
0xd: {  	s3 =	sadd.s32 $0xF42E00, s1;
	s4 =	smul.u32 $0x19, s4;
	s6 =	ssub.s32 s6, s7  }
0xe: {  	s1 =	sadd.s32 $0xA00, s1;
	s7 =	simm.s32 $0x3;
	s31 =	smax.u32 s6, $0x1  }
0xf: {  	s6 =	simm.s32 $0x2;
	s5 =	sshrl.u32 s21, $0x3;
	s0 =	sadd.s32 s0, s4  }
0x10: {  	[dreg:$0x8] =	wrdreg s31;
	s21 =	simm.s32 $0xA000;
	s5 =	sadd.s32 s1, s5  }
0x11: {  	s4 =	simm.s32 $0x40;
	[dreg:$0x3] =	wrdreg s0;
	s23 =	sadd.s32 $0x60E00, s5  }
0x12: {  	s1 =	sadd.s32 s22, s1;
	s25 =	sadd.s32 $0x61A80, s5;
	[dreg:$0x4] =	wrdreg s23  }
0x13: {  	s22 =	simm.s32 $0x10400;
	s26 =	sadd.s32 $0x62700, s5;
	[dreg:$0x5] =	wrdreg s25  }
0x14: {  	s30 =	sadd.s32 $0x63380, s5;
	s0 =	sadd.s32 s24, s1;
	[dreg:$0x6] =	wrdreg s26  }
0x15: {  	s24 =	simm.s32 $0x7800;
	s1 =	simm.s32 $0xC800;
	[dreg:$0x7] =	wrdreg s30  }
0x16: {  	s5 =	simm.s32 $0x80;
	[dreg:$0x9] =	wrdreg s0;
	s26 =	simm.s32 $0x8200  }
0x17: {  	s25 =	simm.s32 $0xAA00;
	s23 =	simm.s32 $0xBE00;
	s0 =	simm.s32 $0xD200  }
.LBB2_1:
0x18: {  	s16 =	simm.s32 $0x0;
	s31 =	rddreg [dreg:$0x3]  }
0x19: {  	[tilespmem:s16], [sflag:$0x9] =	stream.linear.gather [hbm4b:s31+s16], $0x6400, $0x38;
	[tilespmem:$0x12C00] =	vst v63  }
0x1a: {  	[dreg:$0xa] =	wrdreg s18;
	s31 =	simm.s32 $0x9  }
0x1b: {  	_ =	swait.ge [sflag:s31], $0x6400  }
0x1c: {  	[sflag:s31] =	ssyncset.done $0x0  }
0x1d: {  	s30 =	simm.s32 $0x6400;
	[sflag:s31] =	ssyncadd.s32 $0xFFFF9C00  }
0x1e: {  	[tilespmem:s30], [sflag:$0x1] =	stream.indirect.gather [hbm4b:s3+s12], $0x40, s16, s12, $0xb8;
	[tilespmem:$0x12C00] =	vst v63  }
0x1f: {  	_ = 	snop  }
0x20: {  	[tilespmem:s20], [sflag:$0x1] =	stream.indirect.gather [hbm4b:s3+s12], $0x40, s12, s12, $0xb8;
	[tilespmem:$0x12C00] =	vst v63  }
0x21: {  	s31 =	simm.s32 $0x50  }
0x22: {  	[tilespmem:s24], [sflag:$0x1] =	stream.indirect.gather [hbm4b:s3+s12], $0x40, s31, s12, $0xb8;
	[tilespmem:$0x12C00] =	vst v63  }
0x23: {  	s18 =	simm.s32 $0x78  }
0x24: {  	[tilespmem:s26], [sflag:$0x1] =	stream.indirect.gather [hbm4b:s3+s12], $0x40, s18, s12, $0xb8;
	[tilespmem:$0x12C00] =	vst v63  }
0x25: {  	s31 =	simm.s32 $0xA0  }
0x26: {  	[tilespmem:s17], [sflag:$0x1] =	stream.indirect.gather [hbm4b:s3+s12], $0x40, s31, s12, $0xb8;
	[tilespmem:$0x12C00] =	vst v63  }
0x27: {  	s18 =	simm.s32 $0xC8;
	s31 =	simm.s32 $0x9600  }
0x28: {  	[tilespmem:s31], [sflag:$0x2] =	stream.indirect.gather [hbm4b:s3+s12], $0x40, s18, s12, $0xb8;
	[tilespmem:$0x12C00] =	vst v63  }
0x29: {  	s18 =	simm.s32 $0xF0  }
0x2a: {  	[tilespmem:s21], [sflag:$0x2] =	stream.indirect.gather [hbm4b:s3+s12], $0x40, s18, s12, $0xb8;
	[tilespmem:$0x12C00] =	vst v63  }
0x2b: {  	s18 =	simm.s32 $0x118  }
0x2c: {  	[tilespmem:s25], [sflag:$0x2] =	stream.indirect.gather [hbm4b:s3+s12], $0x40, s18, s12, $0xb8;
	[tilespmem:$0x12C00] =	vst v63  }
0x2d: {  	s18 =	simm.s32 $0x140  }
0x2e: {  	[tilespmem:s29], [sflag:$0x2] =	stream.indirect.gather [hbm4b:s3+s12], $0x40, s18, s12, $0xb8;
	[tilespmem:$0x12C00] =	vst v63  }
0x2f: {  	s18 =	simm.s32 $0x168  }
0x30: {  	[tilespmem:s23], [sflag:$0x2] =	stream.indirect.gather [hbm4b:s3+s12], $0x40, s18, s12, $0xb8;
	[tilespmem:$0x12C00] =	vst v63  }
0x31: {  	s18 =	simm.s32 $0x190  }
0x32: {  	[tilespmem:s1], [sflag:$0x3] =	stream.indirect.gather [hbm4b:s3+s12], $0x40, s18, s12, $0xb8;
	[tilespmem:$0x12C00] =	vst v63  }
0x33: {  	s18 =	simm.s32 $0x1B8  }
0x34: {  	[tilespmem:s0], [sflag:$0x3] =	stream.indirect.gather [hbm4b:s3+s12], $0x40, s18, s12, $0xb8;
	[tilespmem:$0x12C00] =	vst v63  }
0x35: {  	s18 =	simm.s32 $0x1E0  }
0x36: {  	[tilespmem:s28], [sflag:$0x3] =	stream.indirect.gather [hbm4b:s3+s12], $0x40, s18, s12, $0xb8;
	[tilespmem:$0x12C00] =	vst v63  }
0x37: {  	s18 =	simm.s32 $0x208  }
0x38: {  	[tilespmem:s19], [sflag:$0x3] =	stream.indirect.gather [hbm4b:s3+s12], $0x40, s18, s12, $0xb8;
	[tilespmem:$0x12C00] =	vst v63  }
0x39: {  	s18 =	simm.s32 $0x230  }
0x3a: {  	[tilespmem:s13], [sflag:$0x3] =	stream.indirect.gather [hbm4b:s3+s12], $0x40, s18, s12, $0xb8;
	[tilespmem:$0x12C00] =	vst v63  }
0x3b: {  	s18 =	simm.s32 $0x258  }
0x3c: {  	[tilespmem:s15], [sflag:$0x4] =	stream.indirect.gather [hbm4b:s3+s12], $0x40, s18, s12, $0xb8;
	[tilespmem:$0x12C00] =	vst v63  }
0x3d: {  	s18 =	simm.s32 $0x280  }
0x3e: {  	[tilespmem:s22], [sflag:$0x4] =	stream.indirect.gather [hbm4b:s3+s12], $0x40, s18, s12, $0xb8;
	[tilespmem:$0x12C00] =	vst v63  }
0x3f: {  	s16 =	simm.s32 $0x2A8;
	s18 =	simm.s32 $0x10E00  }
0x40: {  	[tilespmem:s18], [sflag:$0x4] =	stream.indirect.gather [hbm4b:s3+s12], $0x40, s16, s12, $0xb8;
	[tilespmem:$0x12C00] =	vst v63  }
0x41: {  	s18 =	simm.s32 $0x11800;
	s16 =	simm.s32 $0x2D0  }
0x42: {  	[tilespmem:s18], [sflag:$0x4] =	stream.indirect.gather [hbm4b:s3+s12], $0x40, s16, s12, $0xb8;
	[tilespmem:$0x12C00] =	vst v63  }
0x43: {  	s16 =	simm.s32 $0x12200;
	s18 =	simm.s32 $0x2F8  }
0x44: {  	[tilespmem:s16], [sflag:$0x4] =	stream.indirect.gather [hbm4b:s3+s12], $0x40, s18, s12, $0xb8;
	[tilespmem:$0x12C00] =	vst v63  }
0x45: {  	_ =	swait.ge [sflag:s2], $0xA00  }
0x46: {  	[sflag:s2] =	ssyncset.done $0x0  }
0x47: {  	[sflag:s2] =	ssyncadd.s32 $0xFFFFF600  }
0x48: {  	_ =	swait.ge [sflag:s2], $0xA00  }
0x49: {  	[sflag:s2] =	ssyncset.done $0x0  }
0x4a: {  	[sflag:s2] =	ssyncadd.s32 $0xFFFFF600  }
0x4b: {  	_ =	swait.ge [sflag:s2], $0xA00  }
0x4c: {  	[sflag:s2] =	ssyncset.done $0x0  }
0x4d: {  	[sflag:s2] =	ssyncadd.s32 $0xFFFFF600  }
0x4e: {  	_ =	swait.ge [sflag:s2], $0xA00  }
0x4f: {  	[sflag:s2] =	ssyncset.done $0x0  }
0x50: {  	[sflag:s2] =	ssyncadd.s32 $0xFFFFF600  }
0x51: {  	_ =	swait.ge [sflag:s2], $0xA00  }
0x52: {  	[sflag:s2] =	ssyncset.done $0x0  }
0x53: {  	s18 =	rddreg [dreg:$0x9];
	[sflag:s2] =	ssyncadd.s32 $0xFFFFF600  }
0x54: {  	[hbm4b:s18+s4] =	stream.strided.scatter [tilespmem:s30], [sflag:$0x5], $0x3200, s5, s4, $0x38;
	[tilespmem:$0x12C00] =	vst v63  }
0x55: {  	_ =	swait.ge [sflag:s6], $0xA00  }
0x56: {  	[sflag:s6] =	ssyncset.done $0x0  }
0x57: {  	[sflag:s6] =	ssyncadd.s32 $0xFFFFF600  }
0x58: {  	_ =	swait.ge [sflag:s6], $0xA00  }
0x59: {  	[sflag:s6] =	ssyncset.done $0x0  }
0x5a: {  	[sflag:s6] =	ssyncadd.s32 $0xFFFFF600  }
0x5b: {  	_ =	swait.ge [sflag:s6], $0xA00  }
0x5c: {  	[sflag:s6] =	ssyncset.done $0x0  }
0x5d: {  	[sflag:s6] =	ssyncadd.s32 $0xFFFFF600  }
0x5e: {  	_ =	swait.ge [sflag:s6], $0xA00  }
0x5f: {  	[sflag:s6] =	ssyncset.done $0x0  }
0x60: {  	[sflag:s6] =	ssyncadd.s32 $0xFFFFF600  }
0x61: {  	_ =	swait.ge [sflag:s6], $0xA00  }
0x62: {  	[sflag:s6] =	ssyncset.done $0x0  }
0x63: {  	s16 =	sadd.s32 $0xC80, s18;
	[sflag:s6] =	ssyncadd.s32 $0xFFFFF600  }
0x64: {  	[hbm4b:s16+s4] =	stream.strided.scatter [tilespmem:s31], [sflag:$0x6], $0x3200, s5, s4, $0x38;
	[tilespmem:$0x12C00] =	vst v63  }
0x65: {  	_ =	swait.ge [sflag:s7], $0xA00  }
0x66: {  	[sflag:s7] =	ssyncset.done $0x0  }
0x67: {  	[sflag:s7] =	ssyncadd.s32 $0xFFFFF600  }
0x68: {  	_ =	swait.ge [sflag:s7], $0xA00  }
0x69: {  	[sflag:s7] =	ssyncset.done $0x0  }
0x6a: {  	[sflag:s7] =	ssyncadd.s32 $0xFFFFF600  }
0x6b: {  	_ =	swait.ge [sflag:s7], $0xA00  }
0x6c: {  	[sflag:s7] =	ssyncset.done $0x0  }
0x6d: {  	[sflag:s7] =	ssyncadd.s32 $0xFFFFF600  }
0x6e: {  	_ =	swait.ge [sflag:s7], $0xA00  }
0x6f: {  	[sflag:s7] =	ssyncset.done $0x0  }
0x70: {  	[sflag:s7] =	ssyncadd.s32 $0xFFFFF600  }
0x71: {  	_ =	swait.ge [sflag:s7], $0xA00  }
0x72: {  	[sflag:s7] =	ssyncset.done $0x0  }
0x73: {  	s16 =	sadd.s32 $0x1900, s18;
	[sflag:s7] =	ssyncadd.s32 $0xFFFFF600  }
0x74: {  	[hbm4b:s16+s4] =	stream.strided.scatter [tilespmem:s1], [sflag:$0x7], $0x3200, s5, s4, $0x38;
	[tilespmem:$0x12C00] =	vst v63  }
0x75: {  	_ =	swait.ge [sflag:s8], $0xA00  }
0x76: {  	[sflag:s8] =	ssyncset.done $0x0  }
0x77: {  	[sflag:s8] =	ssyncadd.s32 $0xFFFFF600  }
0x78: {  	_ =	swait.ge [sflag:s8], $0xA00  }
0x79: {  	[sflag:s8] =	ssyncset.done $0x0  }
0x7a: {  	[sflag:s8] =	ssyncadd.s32 $0xFFFFF600  }
0x7b: {  	_ =	swait.ge [sflag:s8], $0xA00  }
0x7c: {  	[sflag:s8] =	ssyncset.done $0x0  }
0x7d: {  	[sflag:s8] =	ssyncadd.s32 $0xFFFFF600  }
0x7e: {  	_ =	swait.ge [sflag:s8], $0xA00  }
0x7f: {  	[sflag:s8] =	ssyncset.done $0x0  }
0x80: {  	[sflag:s8] =	ssyncadd.s32 $0xFFFFF600  }
0x81: {  	_ =	swait.ge [sflag:s8], $0xA00  }
0x82: {  	[sflag:s8] =	ssyncset.done $0x0  }
0x83: {  	s16 =	sadd.s32 $0x2580, s18;
	[sflag:s8] =	ssyncadd.s32 $0xFFFFF600  }
0x84: {  	[hbm4b:s16+s4] =	stream.strided.scatter [tilespmem:s15], [sflag:$0x8], $0x3200, s5, s4, $0x38;
	[tilespmem:$0x12C00] =	vst v63  }
0x85: {  	_ =	swait.ge [sflag:s9], $0x3200  }
0x86: {  	[sflag:s9] =	ssyncset.done $0x0  }
0x87: {  	s16 =	simm.s32 $0x320;
	[sflag:s9] =	ssyncadd.s32 $0xFFFFCE00  }
0x88: {  	[tilespmem:s30], [sflag:$0x1] =	stream.indirect.gather [hbm4b:s3+s12], $0x40, s16, s12, $0xb8;
	[tilespmem:$0x12C00] =	vst v63  }
0x89: {  	s16 =	simm.s32 $0x348  }
0x8a: {  	[tilespmem:s20], [sflag:$0x1] =	stream.indirect.gather [hbm4b:s3+s12], $0x40, s16, s12, $0xb8;
	[tilespmem:$0x12C00] =	vst v63  }
0x8b: {  	s20 =	simm.s32 $0x370  }
0x8c: {  	[tilespmem:s24], [sflag:$0x1] =	stream.indirect.gather [hbm4b:s3+s12], $0x40, s20, s12, $0xb8;
	[tilespmem:$0x12C00] =	vst v63  }
0x8d: {  	s24 =	simm.s32 $0x398  }
0x8e: {  	[tilespmem:s26], [sflag:$0x1] =	stream.indirect.gather [hbm4b:s3+s12], $0x40, s24, s12, $0xb8;
	[tilespmem:$0x12C00] =	vst v63  }
0x8f: {  	s26 =	simm.s32 $0x3C0  }
0x90: {  	[tilespmem:s17], [sflag:$0x1] =	stream.indirect.gather [hbm4b:s3+s12], $0x40, s26, s12, $0xb8;
	[tilespmem:$0x12C00] =	vst v63  }
0x91: {  	_ =	swait.ge [sflag:s11], $0x3200  }
0x92: {  	[sflag:s11] =	ssyncset.done $0x0  }
0x93: {  	s17 =	simm.s32 $0x3E8;
	[sflag:s11] =	ssyncadd.s32 $0xFFFFCE00  }
0x94: {  	[tilespmem:s31], [sflag:$0x2] =	stream.indirect.gather [hbm4b:s3+s12], $0x40, s17, s12, $0xb8;
	[tilespmem:$0x12C00] =	vst v63  }
0x95: {  	s20 =	simm.s32 $0x410  }
0x96: {  	[tilespmem:s21], [sflag:$0x2] =	stream.indirect.gather [hbm4b:s3+s12], $0x40, s20, s12, $0xb8;
	[tilespmem:$0x12C00] =	vst v63  }
0x97: {  	s21 =	simm.s32 $0x438  }
0x98: {  	[tilespmem:s25], [sflag:$0x2] =	stream.indirect.gather [hbm4b:s3+s12], $0x40, s21, s12, $0xb8;
	[tilespmem:$0x12C00] =	vst v63  }
0x99: {  	s24 =	simm.s32 $0x460  }
0x9a: {  	[tilespmem:s29], [sflag:$0x2] =	stream.indirect.gather [hbm4b:s3+s12], $0x40, s24, s12, $0xb8;
	[tilespmem:$0x12C00] =	vst v63  }
0x9b: {  	s25 =	simm.s32 $0x488  }
0x9c: {  	[tilespmem:s23], [sflag:$0x2] =	stream.indirect.gather [hbm4b:s3+s12], $0x40, s25, s12, $0xb8;
	[tilespmem:$0x12C00] =	vst v63  }
0x9d: {  	_ =	swait.ge [sflag:s10], $0x3200  }
0x9e: {  	[sflag:s10] =	ssyncset.done $0x0  }
0x9f: {  	s26 =	simm.s32 $0x4B0;
	[sflag:s10] =	ssyncadd.s32 $0xFFFFCE00  }
0xa0: {  	[tilespmem:s1], [sflag:$0x3] =	stream.indirect.gather [hbm4b:s3+s12], $0x40, s26, s12, $0xb8;
	[tilespmem:$0x12C00] =	vst v63  }
0xa1: {  	s31 =	simm.s32 $0x4D8  }
0xa2: {  	[tilespmem:s0], [sflag:$0x3] =	stream.indirect.gather [hbm4b:s3+s12], $0x40, s31, s12, $0xb8;
	[tilespmem:$0x12C00] =	vst v63  }
0xa3: {  	s0 =	simm.s32 $0x500  }
0xa4: {  	[tilespmem:s28], [sflag:$0x3] =	stream.indirect.gather [hbm4b:s3+s12], $0x40, s0, s12, $0xb8;
	[tilespmem:$0x12C00] =	vst v63  }
0xa5: {  	s18 =	sadd.s32 $0x3200, s18;
	s30 =	simm.s32 $0xB400;
	s17 =	simm.s32 $0x528  }
0xa6: {  	[tilespmem:s19], [sflag:$0x3] =	stream.indirect.gather [hbm4b:s3+s12], $0x40, s17, s12, $0xb8;
	[tilespmem:$0x12C00] =	vst v63  }
0xa7: {  	s16 =	simm.s32 $0xC80;
	s20 =	simm.s32 $0x550;
	s21 =	simm.s32 $0x578  }
0xa8: {  	[tilespmem:s13], [sflag:$0x3] =	stream.indirect.gather [hbm4b:s3+s12], $0x40, s20, s12, $0xb8;
	[tilespmem:$0x12C00] =	vst v63  }
0xa9: {  	s24 =	simm.s32 $0x5C8;
	s29 =	simm.s32 $0x7800;
	_ =	swait.ge [sflag:s14], $0x3200  }
0xaa: {  	s23 =	simm.s32 $0x5A0;
	s25 =	simm.s32 $0x10E00;
	[sflag:s14] =	ssyncset.done $0x0  }
0xab: {  	s26 =	simm.s32 $0x5F0;
	s31 =	simm.s32 $0x11800;
	[sflag:s14] =	ssyncadd.s32 $0xFFFFCE00  }
0xac: {  	[tilespmem:s15], [sflag:$0x4] =	stream.indirect.gather [hbm4b:s3+s12], $0x40, s21, s12, $0xb8;
	[tilespmem:$0x12C00] =	vst v63  }
0xad: {  	s0 =	simm.s32 $0xD200;
	s28 =	simm.s32 $0xDC00;
	s19 =	simm.s32 $0xE600  }
0xae: {  	[tilespmem:s22], [sflag:$0x4] =	stream.indirect.gather [hbm4b:s3+s12], $0x40, s23, s12, $0xb8;
	[tilespmem:$0x12C00] =	vst v63  }
0xaf: {  	s20 =	simm.s32 $0x618;
	s13 =	simm.s32 $0xF000;
	s21 =	simm.s32 $0xA000  }
0xb0: {  	[tilespmem:s25], [sflag:$0x4] =	stream.indirect.gather [hbm4b:s3+s12], $0x40, s24, s12, $0xb8;
	[tilespmem:$0x12C00] =	vst v63  }
0xb1: {  	s23 =	simm.s32 $0xBE00;
	s22 =	simm.s32 $0x10400;
	s25 =	simm.s32 $0xAA00  }
0xb2: {  	[tilespmem:s31], [sflag:$0x4] =	stream.indirect.gather [hbm4b:s3+s12], $0x40, s26, s12, $0xb8;
	[tilespmem:$0x12C00] =	vst v63  }
.LBB2_2:
0xb3: {  	s17 =	simm.s32 $0x12200  }
0xb4: {  	[tilespmem:s17], [sflag:$0x4] =	stream.indirect.gather [hbm4b:s3+s12], $0x40, s20, s12, $0xb8;
	[tilespmem:$0x12C00] =	vst v63  }
0xb5: {  	s20 =	smov.u32 s16  }
0xb6: {  	p0 =	sne.s32 s16, $0x17700;
	s16 =	sadd.s32 $0xC80, s16;
	_ =	swait.ge [sflag:s2], $0xA00  }
0xb7: {  	[sflag:s2] =	ssyncset.done $0x0  }
0xb8: {  	[sflag:s2] =	ssyncadd.s32 $0xFFFFF600  }
0xb9: {  	_ =	swait.ge [sflag:s2], $0xA00  }
0xba: {  	[sflag:s2] =	ssyncset.done $0x0  }
0xbb: {  	[sflag:s2] =	ssyncadd.s32 $0xFFFFF600  }
0xbc: {  	_ =	swait.ge [sflag:s2], $0xA00  }
0xbd: {  	[sflag:s2] =	ssyncset.done $0x0  }
0xbe: {  	[sflag:s2] =	ssyncadd.s32 $0xFFFFF600  }
0xbf: {  	_ =	swait.ge [sflag:s2], $0xA00  }
0xc0: {  	[sflag:s2] =	ssyncset.done $0x0  }
0xc1: {  	[sflag:s2] =	ssyncadd.s32 $0xFFFFF600  }
0xc2: {  	_ =	swait.ge [sflag:s2], $0xA00  }
0xc3: {  	[sflag:s2] =	ssyncset.done $0x0  }
0xc4: {  	s26 =	simm.s32 $0x6400;
	[sflag:s2] =	ssyncadd.s32 $0xFFFFF600  }
0xc5: {  	[hbm4b:s18+s4] =	stream.strided.scatter [tilespmem:s26], [sflag:$0x5], $0x3200, s5, s4, $0x38;
	[tilespmem:$0x12C00] =	vst v63  }
0xc6: {  	_ =	swait.ge [sflag:s6], $0xA00  }
0xc7: {  	[sflag:s6] =	ssyncset.done $0x0  }
0xc8: {  	[sflag:s6] =	ssyncadd.s32 $0xFFFFF600  }
0xc9: {  	_ =	swait.ge [sflag:s6], $0xA00  }
0xca: {  	[sflag:s6] =	ssyncset.done $0x0  }
0xcb: {  	[sflag:s6] =	ssyncadd.s32 $0xFFFFF600  }
0xcc: {  	_ =	swait.ge [sflag:s6], $0xA00  }
0xcd: {  	[sflag:s6] =	ssyncset.done $0x0  }
0xce: {  	[sflag:s6] =	ssyncadd.s32 $0xFFFFF600  }
0xcf: {  	_ =	swait.ge [sflag:s6], $0xA00  }
0xd0: {  	[sflag:s6] =	ssyncset.done $0x0  }
0xd1: {  	[sflag:s6] =	ssyncadd.s32 $0xFFFFF600  }
0xd2: {  	_ =	swait.ge [sflag:s6], $0xA00  }
0xd3: {  	[sflag:s6] =	ssyncset.done $0x0  }
0xd4: {  	s24 =	sadd.s32 $0xC80, s18;
	s17 =	simm.s32 $0x9600;
	[sflag:s6] =	ssyncadd.s32 $0xFFFFF600  }
0xd5: {  	[hbm4b:s24+s4] =	stream.strided.scatter [tilespmem:s17], [sflag:$0x6], $0x3200, s5, s4, $0x38;
	[tilespmem:$0x12C00] =	vst v63  }
0xd6: {  	_ =	swait.ge [sflag:s7], $0xA00  }
0xd7: {  	[sflag:s7] =	ssyncset.done $0x0  }
0xd8: {  	[sflag:s7] =	ssyncadd.s32 $0xFFFFF600  }
0xd9: {  	_ =	swait.ge [sflag:s7], $0xA00  }
0xda: {  	[sflag:s7] =	ssyncset.done $0x0  }
0xdb: {  	[sflag:s7] =	ssyncadd.s32 $0xFFFFF600  }
0xdc: {  	_ =	swait.ge [sflag:s7], $0xA00  }
0xdd: {  	[sflag:s7] =	ssyncset.done $0x0  }
0xde: {  	[sflag:s7] =	ssyncadd.s32 $0xFFFFF600  }
0xdf: {  	_ =	swait.ge [sflag:s7], $0xA00  }
0xe0: {  	[sflag:s7] =	ssyncset.done $0x0  }
0xe1: {  	[sflag:s7] =	ssyncadd.s32 $0xFFFFF600  }
0xe2: {  	_ =	swait.ge [sflag:s7], $0xA00  }
0xe3: {  	[sflag:s7] =	ssyncset.done $0x0  }
0xe4: {  	s24 =	sadd.s32 $0x1900, s18;
	[sflag:s7] =	ssyncadd.s32 $0xFFFFF600  }
0xe5: {  	[hbm4b:s24+s4] =	stream.strided.scatter [tilespmem:s1], [sflag:$0x7], $0x3200, s5, s4, $0x38;
	[tilespmem:$0x12C00] =	vst v63  }
0xe6: {  	_ =	swait.ge [sflag:s8], $0xA00  }
0xe7: {  	[sflag:s8] =	ssyncset.done $0x0  }
0xe8: {  	[sflag:s8] =	ssyncadd.s32 $0xFFFFF600  }
0xe9: {  	_ =	swait.ge [sflag:s8], $0xA00  }
0xea: {  	[sflag:s8] =	ssyncset.done $0x0  }
0xeb: {  	[sflag:s8] =	ssyncadd.s32 $0xFFFFF600  }
0xec: {  	_ =	swait.ge [sflag:s8], $0xA00  }
0xed: {  	[sflag:s8] =	ssyncset.done $0x0  }
0xee: {  	[sflag:s8] =	ssyncadd.s32 $0xFFFFF600  }
0xef: {  	_ =	swait.ge [sflag:s8], $0xA00  }
0xf0: {  	[sflag:s8] =	ssyncset.done $0x0  }
0xf1: {  	[sflag:s8] =	ssyncadd.s32 $0xFFFFF600  }
0xf2: {  	_ =	swait.ge [sflag:s8], $0xA00  }
0xf3: {  	[sflag:s8] =	ssyncset.done $0x0  }
0xf4: {  	s24 =	sadd.s32 $0x2580, s18;
	[sflag:s8] =	ssyncadd.s32 $0xFFFFF600  }
0xf5: {  	[hbm4b:s24+s4] =	stream.strided.scatter [tilespmem:s15], [sflag:$0x8], $0x3200, s5, s4, $0x38;
	[tilespmem:$0x12C00] =	vst v63  }
0xf6: {  	_ =	swait.ge [sflag:s9], $0x3200  }
0xf7: {  	s20 =	sshra.s32 s20, $0x2;
	[sflag:s9] =	ssyncset.done $0x0  }
0xf8: {  	s31 =	simm.s32 $0x6400;
	s24 =	sadd.s32 $0x320, s20;
	[sflag:s9] =	ssyncadd.s32 $0xFFFFCE00  }
0xf9: {  	[tilespmem:s26], [sflag:$0x1] =	stream.indirect.gather [hbm4b:s3+s12], $0x40, s24, s12, $0xb8;
	[tilespmem:$0x12C00] =	vst v63  }
0xfa: {  	s24 =	sadd.s32 $0x348, s20;
	s26 =	simm.s32 $0x6E00  }
0xfb: {  	[tilespmem:s26], [sflag:$0x1] =	stream.indirect.gather [hbm4b:s3+s12], $0x40, s24, s12, $0xb8;
	[tilespmem:$0x12C00] =	vst v63  }
0xfc: {  	s24 =	sadd.s32 $0x370, s20  }
0xfd: {  	[tilespmem:s29], [sflag:$0x1] =	stream.indirect.gather [hbm4b:s3+s12], $0x40, s24, s12, $0xb8;
	[tilespmem:$0x12C00] =	vst v63  }
0xfe: {  	s26 =	simm.s32 $0x8200;
	s24 =	sadd.s32 $0x398, s20  }
0xff: {  	[tilespmem:s26], [sflag:$0x1] =	stream.indirect.gather [hbm4b:s3+s12], $0x40, s24, s12, $0xb8;
	[tilespmem:$0x12C00] =	vst v63  }
0x100: {  	s24 =	sadd.s32 $0x3C0, s20;
	s26 =	simm.s32 $0x8C00  }
0x101: {  	[tilespmem:s26], [sflag:$0x1] =	stream.indirect.gather [hbm4b:s3+s12], $0x40, s24, s12, $0xb8;
	[tilespmem:$0x12C00] =	vst v63  }
0x102: {  	_ =	swait.ge [sflag:s11], $0x3200  }
0x103: {  	[sflag:s11] =	ssyncset.done $0x0  }
0x104: {  	s24 =	sadd.s32 $0x3E8, s20;
	s26 =	simm.s32 $0x9600;
	[sflag:s11] =	ssyncadd.s32 $0xFFFFCE00  }
0x105: {  	[tilespmem:s17], [sflag:$0x2] =	stream.indirect.gather [hbm4b:s3+s12], $0x40, s24, s12, $0xb8;
	[tilespmem:$0x12C00] =	vst v63  }
0x106: {  	s24 =	sadd.s32 $0x410, s20  }
0x107: {  	[tilespmem:s21], [sflag:$0x2] =	stream.indirect.gather [hbm4b:s3+s12], $0x40, s24, s12, $0xb8;
	[tilespmem:$0x12C00] =	vst v63  }
0x108: {  	s24 =	sadd.s32 $0x438, s20  }
0x109: {  	[tilespmem:s25], [sflag:$0x2] =	stream.indirect.gather [hbm4b:s3+s12], $0x40, s24, s12, $0xb8;
	[tilespmem:$0x12C00] =	vst v63  }
0x10a: {  	s24 =	sadd.s32 $0x460, s20  }
0x10b: {  	[tilespmem:s30], [sflag:$0x2] =	stream.indirect.gather [hbm4b:s3+s12], $0x40, s24, s12, $0xb8;
	[tilespmem:$0x12C00] =	vst v63  }
0x10c: {  	s24 =	sadd.s32 $0x488, s20  }
0x10d: {  	[tilespmem:s23], [sflag:$0x2] =	stream.indirect.gather [hbm4b:s3+s12], $0x40, s24, s12, $0xb8;
	[tilespmem:$0x12C00] =	vst v63  }
0x10e: {  	_ =	swait.ge [sflag:s10], $0x3200  }
0x10f: {  	[sflag:s10] =	ssyncset.done $0x0  }
0x110: {  	s24 =	sadd.s32 $0x4B0, s20;
	[sflag:s10] =	ssyncadd.s32 $0xFFFFCE00  }
0x111: {  	[tilespmem:s1], [sflag:$0x3] =	stream.indirect.gather [hbm4b:s3+s12], $0x40, s24, s12, $0xb8;
	[tilespmem:$0x12C00] =	vst v63  }
0x112: {  	s24 =	sadd.s32 $0x4D8, s20  }
0x113: {  	[tilespmem:s0], [sflag:$0x3] =	stream.indirect.gather [hbm4b:s3+s12], $0x40, s24, s12, $0xb8;
	[tilespmem:$0x12C00] =	vst v63  }
0x114: {  	s24 =	sadd.s32 $0x500, s20  }
0x115: {  	[tilespmem:s28], [sflag:$0x3] =	stream.indirect.gather [hbm4b:s3+s12], $0x40, s24, s12, $0xb8;
	[tilespmem:$0x12C00] =	vst v63  }
0x116: {  	s24 =	sadd.s32 $0x528, s20  }
0x117: {  	[tilespmem:s19], [sflag:$0x3] =	stream.indirect.gather [hbm4b:s3+s12], $0x40, s24, s12, $0xb8;
	[tilespmem:$0x12C00] =	vst v63  }
0x118: {  	s24 =	sadd.s32 $0x550, s20  }
0x119: {  	[tilespmem:s13], [sflag:$0x3] =	stream.indirect.gather [hbm4b:s3+s12], $0x40, s24, s12, $0xb8;
	[tilespmem:$0x12C00] =	vst v63  }
0x11a: {  	_ =	swait.ge [sflag:s14], $0x3200  }
0x11b: {  	[sflag:s14] =	ssyncset.done $0x0  }
0x11c: {  	s24 =	sadd.s32 $0x578, s20;
	[sflag:s14] =	ssyncadd.s32 $0xFFFFCE00  }
0x11d: {  	[tilespmem:s15], [sflag:$0x4] =	stream.indirect.gather [hbm4b:s3+s12], $0x40, s24, s12, $0xb8;
	[tilespmem:$0x12C00] =	vst v63  }
0x11e: {  	s24 =	sadd.s32 $0x5A0, s20  }
0x11f: {  	[tilespmem:s22], [sflag:$0x4] =	stream.indirect.gather [hbm4b:s3+s12], $0x40, s24, s12, $0xb8;
	[tilespmem:$0x12C00] =	vst v63  }
.Ltmp0:
0x120: {  	s17 =	simm.s32 $0x10E00;
	s24 =	sadd.s32 $0x5C8, s20;
	(pc) =	sbr.rel @p0 .LBB2_2-.Ltmp0, $4  }
0x121: {  	[tilespmem:s17], [sflag:$0x4] =	stream.indirect.gather [hbm4b:s3+s12], $0x40, s24, s12, $0xb8;
	[tilespmem:$0x12C00] =	vst v63  }
0x122: {  	s24 =	sadd.s32 $0x5F0, s20;
	s17 =	simm.s32 $0x11800  }
0x123: {  	[tilespmem:s17], [sflag:$0x4] =	stream.indirect.gather [hbm4b:s3+s12], $0x40, s24, s12, $0xb8;
	[tilespmem:$0x12C00] =	vst v63  }
0x124: {  	s18 =	sadd.s32 $0x3200, s18;
	s20 =	sadd.s32 $0x618, s20  }
0x125: {  	s0 =	simm.s32 $0x12200  }
0x126: {  	[tilespmem:s0], [sflag:$0x4] =	stream.indirect.gather [hbm4b:s3+s12], $0x40, s20, s12, $0xb8;
	[tilespmem:$0x12C00] =	vst v63  }
0x127: {  	_ =	swait.ge [sflag:s2], $0xA00  }
0x128: {  	[sflag:s2] =	ssyncset.done $0x0  }
0x129: {  	[sflag:s2] =	ssyncadd.s32 $0xFFFFF600  }
0x12a: {  	_ =	swait.ge [sflag:s2], $0xA00  }
0x12b: {  	[sflag:s2] =	ssyncset.done $0x0  }
0x12c: {  	[sflag:s2] =	ssyncadd.s32 $0xFFFFF600  }
0x12d: {  	_ =	swait.ge [sflag:s2], $0xA00  }
0x12e: {  	[sflag:s2] =	ssyncset.done $0x0  }
0x12f: {  	[sflag:s2] =	ssyncadd.s32 $0xFFFFF600  }
0x130: {  	_ =	swait.ge [sflag:s2], $0xA00  }
0x131: {  	[sflag:s2] =	ssyncset.done $0x0  }
0x132: {  	[sflag:s2] =	ssyncadd.s32 $0xFFFFF600  }
0x133: {  	_ =	swait.ge [sflag:s2], $0xA00  }
0x134: {  	[sflag:s2] =	ssyncset.done $0x0  }
0x135: {  	s16 =	rddreg [dreg:$0x4];
	[sflag:s2] =	ssyncadd.s32 $0xFFFFF600  }
0x136: {  	[hbm4b:s16+s4] =	stream.strided.scatter [tilespmem:s31], [sflag:$0x5], $0x3200, s5, s4, $0x38;
	[tilespmem:$0x12C00] =	vst v63  }
0x137: {  	_ =	swait.ge [sflag:s6], $0xA00  }
0x138: {  	[sflag:s6] =	ssyncset.done $0x0  }
0x139: {  	[sflag:s6] =	ssyncadd.s32 $0xFFFFF600  }
0x13a: {  	_ =	swait.ge [sflag:s6], $0xA00  }
0x13b: {  	[sflag:s6] =	ssyncset.done $0x0  }
0x13c: {  	[sflag:s6] =	ssyncadd.s32 $0xFFFFF600  }
0x13d: {  	_ =	swait.ge [sflag:s6], $0xA00  }
0x13e: {  	[sflag:s6] =	ssyncset.done $0x0  }
0x13f: {  	[sflag:s6] =	ssyncadd.s32 $0xFFFFF600  }
0x140: {  	_ =	swait.ge [sflag:s6], $0xA00  }
0x141: {  	[sflag:s6] =	ssyncset.done $0x0  }
0x142: {  	[sflag:s6] =	ssyncadd.s32 $0xFFFFF600  }
0x143: {  	_ =	swait.ge [sflag:s6], $0xA00  }
0x144: {  	[sflag:s6] =	ssyncset.done $0x0  }
0x145: {  	s25 =	rddreg [dreg:$0x5];
	[sflag:s6] =	ssyncadd.s32 $0xFFFFF600  }
0x146: {  	[hbm4b:s25+s4] =	stream.strided.scatter [tilespmem:s26], [sflag:$0x6], $0x3200, s5, s4, $0x38;
	[tilespmem:$0x12C00] =	vst v63  }
0x147: {  	_ =	swait.ge [sflag:s7], $0xA00  }
0x148: {  	[sflag:s7] =	ssyncset.done $0x0  }
0x149: {  	[sflag:s7] =	ssyncadd.s32 $0xFFFFF600  }
0x14a: {  	_ =	swait.ge [sflag:s7], $0xA00  }
0x14b: {  	[sflag:s7] =	ssyncset.done $0x0  }
0x14c: {  	[sflag:s7] =	ssyncadd.s32 $0xFFFFF600  }
0x14d: {  	_ =	swait.ge [sflag:s7], $0xA00  }
0x14e: {  	[sflag:s7] =	ssyncset.done $0x0  }
0x14f: {  	[sflag:s7] =	ssyncadd.s32 $0xFFFFF600  }
0x150: {  	_ =	swait.ge [sflag:s7], $0xA00  }
0x151: {  	[sflag:s7] =	ssyncset.done $0x0  }
0x152: {  	[sflag:s7] =	ssyncadd.s32 $0xFFFFF600  }
0x153: {  	_ =	swait.ge [sflag:s7], $0xA00  }
0x154: {  	[sflag:s7] =	ssyncset.done $0x0  }
0x155: {  	s26 =	rddreg [dreg:$0x6];
	[sflag:s7] =	ssyncadd.s32 $0xFFFFF600  }
0x156: {  	[hbm4b:s26+s4] =	stream.strided.scatter [tilespmem:s1], [sflag:$0x7], $0x3200, s5, s4, $0x38;
	[tilespmem:$0x12C00] =	vst v63  }
0x157: {  	_ =	swait.ge [sflag:s8], $0xA00  }
0x158: {  	[sflag:s8] =	ssyncset.done $0x0  }
0x159: {  	[sflag:s8] =	ssyncadd.s32 $0xFFFFF600  }
0x15a: {  	_ =	swait.ge [sflag:s8], $0xA00  }
0x15b: {  	[sflag:s8] =	ssyncset.done $0x0  }
0x15c: {  	[sflag:s8] =	ssyncadd.s32 $0xFFFFF600  }
0x15d: {  	_ =	swait.ge [sflag:s8], $0xA00  }
0x15e: {  	[sflag:s8] =	ssyncset.done $0x0  }
0x15f: {  	[sflag:s8] =	ssyncadd.s32 $0xFFFFF600  }
0x160: {  	_ =	swait.ge [sflag:s8], $0xA00  }
0x161: {  	[sflag:s8] =	ssyncset.done $0x0  }
0x162: {  	[sflag:s8] =	ssyncadd.s32 $0xFFFFF600  }
0x163: {  	_ =	swait.ge [sflag:s8], $0xA00  }
0x164: {  	[sflag:s8] =	ssyncset.done $0x0  }
0x165: {  	s30 =	rddreg [dreg:$0x7];
	[sflag:s8] =	ssyncadd.s32 $0xFFFFF600  }
0x166: {  	[hbm4b:s30+s4] =	stream.strided.scatter [tilespmem:s15], [sflag:$0x8], $0x3200, s5, s4, $0x38;
	[tilespmem:$0x12C00] =	vst v63  }
0x167: {  	_ =	swait.ge [sflag:s9], $0x3200  }
0x168: {  	[sflag:s9] =	ssyncset.done $0x0  }
0x169: {  	[sflag:s9] =	ssyncadd.s32 $0xFFFFCE00  }
0x16a: {  	_ =	swait.ge [sflag:s11], $0x3200  }
0x16b: {  	[sflag:s11] =	ssyncset.done $0x0  }
0x16c: {  	[sflag:s11] =	ssyncadd.s32 $0xFFFFCE00  }
0x16d: {  	_ =	swait.ge [sflag:s10], $0x3200  }
0x16e: {  	[sflag:s10] =	ssyncset.done $0x0  }
0x16f: {  	[sflag:s10] =	ssyncadd.s32 $0xFFFFCE00  }
0x170: {  	_ =	swait.ge [sflag:s14], $0x3200  }
0x171: {  	s18 =	rddreg [dreg:$0xa]  }
0x172: {  	s31 =	rddreg [dreg:$0x8];
	s18 =	sadd.s32 $0x1, s18  }
0x173: {  	s24 =	simm.s32 $0x7800;
	p0 =	sne.s32 s18, s31  }
.Ltmp1:
0x174: {  	s17 =	simm.s32 $0x8C00;
	s21 =	simm.s32 $0xA000;
	(pc) =	sbr.rel @p0 .LBB2_1-.Ltmp1, $4  }
0x175: {  	s29 =	simm.s32 $0xB400;
	s23 =	simm.s32 $0xBE00;
	s28 =	simm.s32 $0xDC00  }
0x176: {  	s19 =	simm.s32 $0xE600;
	s13 =	simm.s32 $0xF000;
	s22 =	simm.s32 $0x10400  }
0x177: {  	s20 =	simm.s32 $0x6E00;
	s0 =	simm.s32 $0xD200;
	[sflag:s14] =	ssyncset.done $0x0  }
0x178: {  	s25 =	simm.s32 $0xAA00;
	s26 =	simm.s32 $0x8200;
	[sflag:s14] =	ssyncadd.s32 $0xFFFFCE00  }
0x179: {  	_ =	sfence.sel $0x180000  }
0x17a: {  	[bflag:$0x0] =	sbarrier.arrive $0xFFFF  }
0x17b: {  	_ =	strace $0x90000047  }
0x17c: {  	s0 =	stileid.u32;
	[bflag:$0x2] =	sbarrier.arrive $0xFFFF  }
0x17d: {  	p0 =	sne.s32 s0, $0x0;
	s0 =	rddreg [dreg:$0x2]  }
0x17e: {  	s0 =	sadd.s32 @!p0 $0x100000, s0  }
0x17f: {  	[sflag:s0] =	ssyncadd.tile.s32 @!p0 $0x1;
	_ =	shalt  }
.Lfunc_end2:
_tile_overlayer_lowered:
.L_overlay_start_2:
0x180: {  	(tag) =	ssettag $0x2  }
0x181: {  	s0 =	rddreg [dreg:$0x0];
	s2 =	stileid.u32  }
0x182: {  	s1 =	rddreg [dreg:$0x1];
	p0 =	sne.s32 s2, $0x0  }
0x183: {  	s3 =	rddreg [dreg:$0x2];
	[bflag:$0x3] =	sbarrier.arrive $0xFFFF;
	s2 =	simm.s32 @!p0 $0x1C09  }
0x184: {  	[timem:s3], [sflag:s2] =	dma.local @!p0 [hbm:s0], s1  }
0x185: {  	s0 =	simm.s32 @!p0 $0x9  }
0x186: {  	_ =	swait.ge @!p0 [sflag:s0], s1  }
0x187: {  	s1 =	ssub.s32 @!p0 $0x0, s1;
	[sflag:s0] =	ssyncset.done @!p0 $0x0  }
0x188: {  	[sflag:s0] =	ssyncadd.s32 @!p0 s1  }
0x189: {  	[bflag:$0x3] =	sbarrier.arrive $0xFFFF  }
0x18a: {  	_ =	shalt  }

// kernel: sparse-core-data-format-call.cloned.1.call-start
scs
called_computation_lowered:
.L_overlay_start_0:
0x0: {  	s2 =	sld [smem:$0x3FD9]  }
0x1: {  	s3 =	sld [smem:$0x3FFE];
	_ =	sdelay $0x1  }
0x2: {  	s1 =	srdreg.scid  }
0x3: {  	s0 =	sand.u32 $0x1, s1  }
0x4: {  	s18 =	sshll.u32 s0, $0xA;
	s2 =	sadd.s32 s3, s2  }
0x5: {  	s2 =	sadd.s32 s2, s18  }
0x6: {  	[smem:$0x3FC6] =	sst s2  }
0x7: {  	_ = 	snop  }
0x8: {  	s2 =	sld [smem:$0x3FD0];
	(tm) =	ssettm $0x1  }
0x9: {  	s19 =	sld [smem:$0x3FFB];
	_ =	sdelay $0x3  }
0xa: {  	_ =	strace s19  }
0xb: {  	s3 =	sld [smem:$0x3FFC];
	_ =	sdelay $0x3  }
0xc: {  	_ =	strace s3  }
0xd: {  	s3 =	sld [smem:$0x3FFD];
	_ =	sdelay $0x3  }
0xe: {  	_ =	strace s3  }
0xf: {  	_ =	strace $0x8FFFFFFF  }
0x10: {  	s20 =	sld [smem:$0x3FDB];
	_ =	sdelay $0x1  }
0x11: {  	s4 =	simm.s32 $_scs_section_size  }
0x12: {  	s5 =	simm.s32 $_size__tile_overlayer_lowered;
	s6 =	simm.s32 $_tile_overlayer_lowered  }
0x13: {  	s23 =	simm.s32 $0x1BFF;
	s22 =	sshll.u32 s6, $0x1;
	s3 =	sadd.s32 s4, s20  }
0x14: {  	s7 =	simm.s32 $0x0;
	s21 =	sshll.u32 s5, $0x1;
	s5 =	sadd.s32 s22, s3  }
0x15: {  	[timem:s7], [sflag:s23] =	dma.local [hbm:s5], s21  }
0x16: {  	_ =	swait.ge [sflag:s23], s21  }
0x17: {  	s4 =	ssub.s32 $0x0, s21;
	[sflag:s23] =	ssyncset.done $0x0  }
0x18: {  	[sflag:s23] =	ssyncadd.s32 s4;
	_ =	sdelay $0x1  }
0x19: {  	s24 =	simm.s32 $0x1B8B  }
0x1a: {  	_ =	swait.ge [sflag:s24], $0x1  }
0x1b: {  	[sflag:s24] =	ssyncset.done $0x0  }
0x1c: {  	s26 =	simm.s32 $0x1B8E;
	s25 =	sld [smem:$0x3FFE];
	[sflag:s24] =	ssyncadd.s32 $0xFFFFFFFF  }
0x1d: {  	s27 =	simm.s32 $execute0_lowered;
	[smem:$0x3FD2] =	sst s26  }
0x1e: {  	s5 =	sshll.u32 s27, $0x1;
	_ =	strace $0x80000049;
	[dreg:$0x1] =	wrdreg $0xFFFFFFFF  }
0x1f: {  	s28 =	simm.s32 $_size_execute0_lowered;
	s3 =	sadd.s32 s3, s5;
	[dreg:$0x0] =	wrdreg $0x0  }
0x20: {  	s5 =	sshll.u32 s28, $0x1;
	[dreg:$0x2] =	wrdreg s3  }
0x21: {  	[dreg:$0x3] =	wrdreg s5  }
0x22: {  	[dreg:$0x4] =	wrdreg $0xC0  }
0x23: {  	_ =	task [dreg:s7], $0x5FFFF  }
0x24: {  	[dreg:$0x1] =	wrdreg $0xFFFFFFFF  }
0x25: {  	[dreg:$0x0] =	wrdreg $0x60  }
0x26: {  	[dreg:$0x2] =	wrdreg s25  }
0x27: {  	[dreg:$0x3] =	wrdreg s2  }
0x28: {  	[dreg:$0x4] =	wrdreg $0x9  }
0x29: {  	_ =	task.clear_ibuf [dreg:s7], $0x5FFFF;
	_ =	strace $0x90000049  }
0x2a: {  	s29 =	simm.s32 $0x9;
	_ =	strace $0x8000004B  }
0x2b: {  	_ =	swait.ge [sflag:s29], $0x1  }
0x2c: {  	[sflag:s29] =	ssyncadd.s32 $0xFFFFFFFF  }
0x2d: {  	_ =	strace $0x9000004B  }
0x2e: {  	_ =	sfence  }
0x2f: {  	s30 =	sld [smem:$0x0];
	_ =	sdelay $0x2  }
0x30: {  	s31 =	sshll.u32 s1, $0xD;
	s1 =	sshrl.u32 s1, $0x2  }
0x31: {  	s3 =	sand.u32 $0x4000, s31;
	s1 =	sadd.s32 s1, s30  }
0x32: {  	s0 =	sor.u32 s3, s0;
	s1 =	sshll.u32 s1, $0x11  }
0x33: {  	s0 =	sor.u32 s1, s0  }
0x34: {  	s0 =	sadd.s32 $0x8F2B, s0  }
0x35: {  	[sflag:s0] =	ssyncadd.remote.s32 $0x1  }
0x36: {  	_ =	sfence.sel $0xFFFF  }
0x37: {  	[dreg:$0x0] =	wrdreg $0xFFFFFFFF;
	(pc) =	sbr.abs _section_cstart, $3  }
0x38: {  	[dreg:$0x1] =	wrdreg $0xFFFFFFFF  }
0x39: {  	_ =	task.clear_ibuf [dreg:s7], $0x2FFFF;
	_ =	strace $0x9FFFFFFF  }
0x3a: {  	(tm) =	ssettm $0x7FFFFFFF  }
0x3b: {  	_ =	shalt  }
tec
execute0_lowered:
.L_overlay_start_1:
0x0: {  	(tag) =	ssettag $0x1  }
0x1: {  	s0 =	srdreg.scid  }
0x2: {  	s1 =	sshll.u32 s0, $0x4  }
0x3: {  	s0 =	stileid.u32;
	s1 =	sand.u32 $0x10, s1  }
0x4: {  	s1 =	sor.u32 s0, s1  }
0x5: {  	s6 =	rddreg [dreg:$0x0];
	s4 =	simm.s32 $0x1;
	s2 =	sshll.u32 s1, $0x7  }
0x6: {  	s7 =	simm.s32 $0x2;
	s12 =	simm.s32 $0x0;
	s1 =	ssub.s32 $0x1000, s2  }
0x7: {  	s8 =	simm.s32 $0x8000;
	s13 =	simm.s32 $0x0;
	s3 =	sand.u32 $0xF80, s1  }
0x8: {  	s9 =	simm.s32 $0x0;
	s5 =	sshrl.u32 s1, $0xC;
	p0 =	sne.s32 s3, $0x0  }
.Ltmp0:
0x9: {  	s1 =	rddreg [dreg:$0x2];
	s4 =	simm.s32 @!p0 $0x0;
	(pc) =	sbr.rel .LBB1_1-.Ltmp0, $4  }
0xa: {  	s11 =	simm.s32 $0x0;
	s3 =	rddreg [dreg:$0x1];
	s5 =	sadd.s32 s4, s5  }
0xb: {  	_ =	strace $0x8000004A;
	s4 =	simm.s32 $0x1;
	s5 =	smul.u32 $0xC8, s5  }
0xc: {  	s6 =	sadd.s32 $0xA00, s6;
	s10 =	smov.u32 s2;
	[sflag:s4] =	ssyncpa.u1 $0x0  }
0xd: {  	p0 =	por $0x0, $0x0;
	[sflag:s7] =	ssyncpa.u1 $0x0;
	s7 =	sor.u32 $0x1, s5  }
.LBB1_4:
0xe: {  	s16 =	sshll.u32 s13, $0x3;
	s17 =	sand.u32 $0x78, s13  }
0xf: {  	s30 =	sand.u32 $0x7E00, s13;
	s12 =	sshll.u32 s12, $0xF;
	s16 =	sand.u32 $0xC00, s16  }
0x10: {  	[tilespmem:s15+$0x810 ss:$0x81] =	vst.msk $0xffff, v2;
	s31 =	sand.u32 $0x7, s13;
	s16 =	sor.u32 s17, s16;
	s17 =	sadd.s32 s3, s30  }
0x11: {  	[tilespmem:s15+$0x1020 ss:$0x81] =	vst.msk $0xffff, v0;
	s13 =	sshll.u32 s31, $0x12;
	s12 =	sadd.s32 s12, s17;
	s16 =	sshrl.u32 s16, $0x3  }
0x12: {  	[tilespmem:s15+$0x0 ss:$0x81] =	vst.msk $0xffff, v1;
	s13 =	sor.u32 $0x400, s13;
	s12 =	sadd.s32 s16, s12  }
0x13: {  	[hbm4b:s12+s13] =	stream.strided.scatter [tilespmem:s14], [sflag:$0x2], $0x2000, s8, s13, $0x20;
	[tilespmem:$0x8080] =	vst v63  }
.LBB1_5:
0x14: {  	s14 =	sadd.s32 $0x1, s9  }
0x15: {  	s12 =	sadd.s32 $0x1000, s10;
	s16 =	smov.u32 s10;
	p2 =	sgt.s32 s14, $0xC7  }
0x16: {  	s16 =	smov.u32 @p2 s12  }
0x17: {  	s14 =	simm.s32 @p2 $0x0;
	p2 =	sgt.s32 s16, $0xFFF  }
0x18: {  	s16 =	smov.u32 @p2 s2;
	p2 =	sne.s32 s11, s7  }
.Ltmp1:
0x19: {  	p1 =	slt.u32 s11, $0x2;
	(pc) =	sbr.rel @!p2 .LBB1_6-.Ltmp1, $4  }
0x1a: {  	s15 =	simm.s32 @!p1 $0x2  }
0x1b: {  	s13 =	smov.u32 s10;
	p0 =	por !p0, !p0;
	_ =	swait.ge @!p1 [sflag:s15], $0x2000  }
0x1c: {  	s12 =	smov.u32 s9;
	[sflag:s15] =	ssyncset.done @!p1 $0x0;
	s9 =	smov.u32 s14  }
0x1d: {  	s11 =	sadd.s32 $0x1, s11;
	[sflag:s15] =	ssyncadd.s32 @!p1 $0xFFFFE000;
	s10 =	smov.u32 s16  }
.LBB1_1:
0x1e: {  	p1 =	sge.u32 s11, s5  }
0x1f: {  	s14 =	sand.u32 @!p1 $0x1FFFFFF, s9  }
0x20: {  	s15 =	smulhi.u32 @!p1 $0x147AE15, s14;
	_ =	sdelay $0x1  }
0x21: {  	s15 =	smul.u32 @!p1 $0xC8, s15  }
0x22: {  	s16 =	sxor.u32 @!p1 $0xFFFFFFFF, s11;
	s17 =	smul.u32 @!p1 $0xC80, s10  }
0x23: {  	s31 =	sadd.s32 $0xFFFFFFFF, s11;
	s16 =	sshll.u32 @!p1 s16, $0xD;
	s14 =	ssub.s32 @!p1 s14, s15  }
0x24: {  	s15 =	sand.u32 @!p1 $0x2000, s16;
	s16 =	sadd.s32 @!p1 s6, s17;
	s14 =	sshll.u32 @!p1 s14, $0x4  }
0x25: {  	s17 =	simm.s32 @!p1 $0x6400;
	s14 =	sadd.s32 @!p1 s14, s16;
	s16 =	simm.s32 @!p1 $0x40  }
0x26: {  	[tilespmem:s15], [sflag:$0x1] =	stream.strided.gather @!p1 [hbm4b:s14+s16], $0x2000, s17, s16, $0x38;
	[tilespmem:$0x8080] =	vst v63  }
0x27: {  	p1 =	sge.u32 s31, s5  }
.Ltmp2:
0x28: {  	_ = 	snop;
	(pc) =	sbr.rel @p1 .LBB1_5-.Ltmp2, $1  }
0x29: {  	_ =	sdelay $0x3  }
0x2a: {  	s14 =	simm.s32 $0x1  }
0x2b: {  	_ =	swait.ge [sflag:s4], $0x2000;
	s14 =	simm.s32 @!p0 $0x0  }
0x2c: {  	[sflag:s4] =	ssyncset.done $0x0;
	s15 =	sshll.u32 s14, $0xD  }
0x2d: {  	[sflag:s4] =	ssyncadd.s32 $0xFFFFE000;
	s18 =	sor.u32 $0x20, s15  }
0x2e: {  	s14 =	smul.u32 $0x8100, s14;
	v3 =	vld [tilespmem:s18+$0x10]  }
0x2f: {  	s30 =	sand.u32 $0x1, s11;
	v2 =	vld [tilespmem:s18+$0xFFFFFFF0]  }
0x30: {  	s15 =	smul.u32 $0x8100, s30;
	s14 =	sshrl.u32 s14, $0x2;
	v0 =	vld [tilespmem:s18+$0x0]  }
0x31: {  	v1 =	vld [tilespmem:s18+$0xFFFFFFE0];
	s16 =	sor.u32 $0x4000, s14  }
0x32: {  	s31 =	sshrl.u32 s15, $0x2;
	s15 =	sadd.s32 $0x0, s16  }
0x33: {  	s17 =	simm.s32 $0x4;
	s18 =	sadd.s32 $0x40, s18;
	s14 =	sor.u32 $0x4000, s31;
	[tilespmem:s15+$0x1830 ss:$0x81] =	vst.msk $0xffff, v3  }
.LBB1_3:
0x34: {  	v3 =	vld [tilespmem:s18+$0x10];
	p1 =	sne.s32 s17, $0x1FC;
	[tilespmem:s15+$0x810 ss:$0x81] =	vst.msk $0xffff, v2;
	s19 =	smov.u32 s17;
	s17 =	sadd.s32 $0x4, s17  }
.Ltmp3:
0x35: {  	v2 =	vld [tilespmem:s18+$0xFFFFFFF0];
	[tilespmem:s15+$0x1020 ss:$0x81] =	vst.msk $0xffff, v0;
	(pc) =	sbr.rel @p1 .LBB1_3-.Ltmp3, $4  }
0x36: {  	v0 =	vld [tilespmem:s18+$0x0];
	[tilespmem:s15+$0x0 ss:$0x81] =	vst.msk $0xffff, v1  }
0x37: {  	s15 =	sshra.s32 s19, $0x2;
	v1 =	vld [tilespmem:s18+$0xFFFFFFE0]  }
0x38: {  	s15 =	sadd.s32 s15, s16  }
0x39: {  	s18 =	sadd.s32 $0x40, s18;
	[tilespmem:s15+$0x1830 ss:$0x81] =	vst.msk $0xffff, v3  }
.Ltmp4:
0x3a: {  	_ = 	snop;
	(pc) =	sbr.rel .LBB1_4-.Ltmp4, $1  }
0x3b: {  	_ =	sdelay $0x3  }
.LBB1_6:
0x3c: {  	_ =	sfence.sel $0x180000  }
0x3d: {  	s2 =	simm.s32 $0x1;
	[bflag:$0x0] =	sbarrier.arrive $0xFFFF  }
0x3e: {  	s31 =	simm.s32 $0x2;
	[sflag:s2] =	ssyncpa.u1 $0x1  }
0x3f: {  	[sflag:s31] =	ssyncpa.u1 $0x1  }
0x40: {  	p0 =	sne.s32 s0, $0x0;
	_ =	strace $0x9000004A  }
0x41: {  	s0 =	sadd.s32 @!p0 $0x100000, s1;
	[bflag:$0x2] =	sbarrier.arrive $0xFFFF  }
0x42: {  	[sflag:s0] =	ssyncadd.tile.s32 @!p0 $0x1;
	_ =	shalt  }
.Lfunc_end1:
_tile_overlayer_lowered:
.L_overlay_start_2:
0x43: {  	(tag) =	ssettag $0x2  }
0x44: {  	s0 =	rddreg [dreg:$0x0];
	s2 =	stileid.u32  }
0x45: {  	s1 =	rddreg [dreg:$0x1];
	p0 =	sne.s32 s2, $0x0  }
0x46: {  	s3 =	rddreg [dreg:$0x2];
	[bflag:$0x3] =	sbarrier.arrive $0xFFFF;
	s2 =	simm.s32 @!p0 $0x1C01  }
0x47: {  	[timem:s3], [sflag:s2] =	dma.local @!p0 [hbm:s0], s1  }
0x48: {  	s0 =	simm.s32 @!p0 $0x1  }
0x49: {  	_ =	swait.ge @!p0 [sflag:s0], s1  }
0x4a: {  	s1 =	ssub.s32 @!p0 $0x0, s1;
	[sflag:s0] =	ssyncset.done @!p0 $0x0  }
0x4b: {  	[sflag:s0] =	ssyncadd.s32 @!p0 s1  }
0x4c: {  	[bflag:$0x3] =	sbarrier.arrive $0xFFFF  }
0x4d: {  	_ =	shalt  }

</sc_bundles>
